<compile_context>
chip_gen: v7x
topology: tpu7x:2x2x1
jax: 0.10.2.dev20260603
libtpu: 0.0.44.dev20260713+nightly
codegen_flags: <defaults>
</compile_context>

<pallas_src>
import jax
import jax.numpy as jnp
import numpy as np
from jax.experimental import pallas as pl

B, L, N, C = 8, 12, 50000, 3
EDIM = 32

BLOCK_N = 2048
NUM_NB = -(-N // BLOCK_N)
VW = 128

def _stid_kernel(x_ref, wr_ref, b_ref, node_ref, tidT_ref, diwT_ref, out_ref):
    xb = x_ref[0]

    k_iota = jax.lax.broadcasted_iota(jnp.int32, (L, VW), 1)
    xc = []
    for c in range(C):
        pos = 3 * k_iota + c
        m_vec = pos >> 7
        r_idx = pos & 127
        parts = []
        for j in range(BLOCK_N // VW):
            base = 3 * VW * j
            g0 = jnp.take_along_axis(xb[:, base:base + VW], r_idx, axis=1)
            g1 = jnp.take_along_axis(xb[:, base + VW:base + 2 * VW], r_idx, axis=1)
            g2 = jnp.take_along_axis(xb[:, base + 2 * VW:base + 3 * VW], r_idx, axis=1)
            parts.append(jnp.where(m_vec == 0, g0, jnp.where(m_vec == 1, g1, g2)))
        xc.append(jnp.concatenate(parts, axis=1))

    dn = (((1,), (0,)), ((), ()))
    ts = b_ref[...]
    for c in range(C):
        ts = ts + jax.lax.dot_general(
            wr_ref[c], xc[c], dn, preferred_element_type=jnp.float32)

    tid_idx = jnp.clip((xc[1][L - 1:L, :] * 288.0).astype(jnp.int32), 0, 287)
    diw_idx = jnp.clip((xc[2][L - 1:L, :] * 7.0).astype(jnp.int32), 0, 6)

    c0 = tidT_ref[:, 0:VW]
    c1 = tidT_ref[:, VW:2 * VW]
    c2 = tidT_ref[:, 2 * VW:3 * VW]
    dw = diwT_ref[...]
    tid_parts = []
    diw_parts = []
    for j in range(BLOCK_N // VW):
        tj = jnp.broadcast_to(tid_idx[:, VW * j:VW * (j + 1)], (EDIM, VW))
        g0 = jnp.take_along_axis(c0, jnp.clip(tj, 0, VW - 1), axis=1)
        g1 = jnp.take_along_axis(c1, jnp.clip(tj - VW, 0, VW - 1), axis=1)
        g2 = jnp.take_along_axis(c2, jnp.clip(tj - 2 * VW, 0, VW - 1), axis=1)
        tid_parts.append(jnp.where(tj < VW, g0, jnp.where(tj < 2 * VW, g1, g2)))
        dj = jnp.broadcast_to(diw_idx[:, VW * j:VW * (j + 1)], (EDIM, VW))
        diw_parts.append(jnp.take_along_axis(dw, dj, axis=1))
    tid = jnp.concatenate(tid_parts, axis=1)
    diw = jnp.concatenate(diw_parts, axis=1)

    out_ref[0, 0:32, 0, :] = ts
    out_ref[0, 32:64, 0, :] = node_ref[...]
    out_ref[0, 64:96, 0, :] = tid
    out_ref[0, 96:128, 0, :] = diw


def kernel(x, node_emb, time_in_day_emb, day_in_week_emb, W, b):
    xr = x.reshape(B, L, N * C)
    Wr = W.reshape(EDIM, L, C).transpose(2, 0, 1)
    nodeT = node_emb.T
    tidT = jnp.pad(time_in_day_emb.T, ((0, 0), (0, 384 - 288)))
    diwT = jnp.pad(day_in_week_emb.T, ((0, 0), (0, 128 - 7)))
    b2 = b.reshape(EDIM, 1)

    out = pl.pallas_call(
        _stid_kernel,
        grid=(NUM_NB, B),
        in_specs=[
            pl.BlockSpec((1, L, C * BLOCK_N), lambda nb, bb: (bb, 0, nb)),
            pl.BlockSpec((C, EDIM, L), lambda nb, bb: (0, 0, 0)),
            pl.BlockSpec((EDIM, 1), lambda nb, bb: (0, 0)),
            pl.BlockSpec((EDIM, BLOCK_N), lambda nb, bb: (0, nb)),
            pl.BlockSpec((EDIM, 384), lambda nb, bb: (0, 0)),
            pl.BlockSpec((EDIM, 128), lambda nb, bb: (0, 0)),
        ],
        out_specs=pl.BlockSpec((1, 4 * EDIM, 1, BLOCK_N),
                               lambda nb, bb: (bb, 0, 0, nb)),
        out_shape=jax.ShapeDtypeStruct((B, 4 * EDIM, 1, N), jnp.float32),
    )(xr, Wr, b2, nodeT, tidT, diwT)
    return out.reshape(B, 4 * EDIM, N, 1)

# --- scband reference (transcript-rebuilt; emitter-appended) ---
"""Pipeline reference for scband-spatial-temporal-embedding-layer-70832600646069 (READ-ONLY COPY).

The authoritative reference and input builder live on the scoring server;
editing this copy changes nothing except your own understanding.
"""

import jax, jax.numpy as jnp
import numpy as np

B, L, N, C = 8, 12, 50000, 3
EDIM = 32

def _xavier(key, shape):
    fan_in, fan_out = shape[-1], shape[0]
    a = float(np.sqrt(6.0 / (fan_in + fan_out)))
    return jax.random.uniform(key, shape, jnp.float32, -a, a)

def setup_inputs(seed: int = 0) -> dict:
    key = jax.random.key(seed)
    ks = jax.random.split(key, 6)
    x = jax.random.uniform(ks[0], (B, L, N, C), jnp.float32)
    node_emb = _xavier(ks[1], (N, EDIM))
    time_in_day_emb = _xavier(ks[2], (288, EDIM))
    day_in_week_emb = _xavier(ks[3], (7, EDIM))
    # 1x1 Conv2d(in=L*C=36, out=EDIM) == dense over channel dim
    W = _xavier(ks[4], (EDIM, L * C))
    b = jnp.zeros((EDIM,), jnp.float32)
    return {"x": x, "node_emb": node_emb, "time_in_day_emb": time_in_day_emb, "day_in_week_emb": day_in_week_emb, "W": W, "b": b}

def reference(x, node_emb, time_in_day_emb, day_in_week_emb, W, b):
    input_data = x[..., :C]                       # [B,L,N,C]
    bsz = input_data.shape[0]
    n = input_data.shape[2]
    # transpose(1,2) -> [B,N,L,C]; view -> [B,N,L*C]; transpose(1,2) -> [B,L*C,N]; unsqueeze(-1)
    inp = jnp.transpose(input_data, (0, 2, 1, 3)).reshape(bsz, n, L * C)
    inp = jnp.transpose(inp, (0, 2, 1))[..., None]            # [B,36,N,1]
    ts_emb = jnp.einsum('oc,bcnl->bonl', W, inp) + b[None, :, None, None]  # [B,32,N,1]
    # temporal embeddings from last timestep (canonical STID)
    tid_idx = jnp.clip((x[:, -1, :, 1] * 288.0).astype(jnp.int32), 0, 287)  # [B,N]
    diw_idx = jnp.clip((x[:, -1, :, 2] * 7.0).astype(jnp.int32), 0, 6)      # [B,N]
    tid = jnp.take(time_in_day_emb, tid_idx, axis=0)           # [B,N,32]
    diw = jnp.take(day_in_week_emb, diw_idx, axis=0)           # [B,N,32]
    node = jnp.broadcast_to(node_emb[None], (bsz, n, EDIM))    # [B,N,32]
    h = jnp.concatenate([
        ts_emb,
        jnp.transpose(node, (0, 2, 1))[..., None],
        jnp.transpose(tid, (0, 2, 1))[..., None],
        jnp.transpose(diw, (0, 2, 1))[..., None],
    ], axis=1)                                                 # [B,128,N,1]
    return h

if __name__ == "__main__":
    import jax
    _d = setup_inputs()
    print(jax.jit(kernel)(*tuple(_d.values())))

</pallas_src>

<mosaic_0001>
module attributes {stable_mosaic.version = 14 : i64} {
  func.func @_stid_kernel(%arg0: i32, %arg1: i32, %arg2: memref<1x12x6144xf32, #tpu.memory_space<vmem>>, %arg3: memref<3x32x12xf32, #tpu.memory_space<vmem>>, %arg4: memref<32x1xf32, #tpu.memory_space<vmem>>, %arg5: memref<32x2048xf32, #tpu.memory_space<vmem>>, %arg6: memref<32x384xf32, #tpu.memory_space<vmem>>, %arg7: memref<32x128xf32, #tpu.memory_space<vmem>>, %arg8: memref<1x128x1x2048xf32, #tpu.memory_space<vmem>>) attributes {dimension_semantics = [#tpu.dimension_semantics<arbitrary>, #tpu.dimension_semantics<arbitrary>], iteration_bounds = array<i64: 25, 8>, scalar_prefetch = 0 : i64, scratch_operands = 0 : i64, tpu.core_type = #tpu.core_type<tc>, window_params = [{transform_indices = @transform_0, window_bounds = array<i64: 1, 12, 6144>}, {pipeline_mode = #tpu.pipeline_mode<synchronous>, transform_indices = @transform_1, window_bounds = array<i64: 3, 32, 12>}, {pipeline_mode = #tpu.pipeline_mode<synchronous>, transform_indices = @transform_2, window_bounds = array<i64: 32, 1>}, {transform_indices = @transform_3, window_bounds = array<i64: 32, 2048>}, {pipeline_mode = #tpu.pipeline_mode<synchronous>, transform_indices = @transform_4, window_bounds = array<i64: 32, 384>}, {pipeline_mode = #tpu.pipeline_mode<synchronous>, transform_indices = @transform_5, window_bounds = array<i64: 32, 128>}, {transform_indices = @transform_6, window_bounds = array<i64: 1, 128, 1, 2048>}]} {
    %get3A = arith.constant 0 : index
    %get3A_0 = arith.constant 0 : index
    %get3A_1 = arith.constant 0 : index
    %get3A_2 = vector.load %arg2[%get3A, %get3A_0, %get3A_1] : memref<1x12x6144xf32, #tpu.memory_space<vmem>>, vector<1x12x6144xf32>
    %get3A_3 = vector.shape_cast %get3A_2 : vector<1x12x6144xf32> to vector<12x6144xf32>
    %iota3A = tpu.iota {dimensions = array<i32: 1>} : vector<12x128xi32>
    %mul3A = arith.constant 3 : i32
    %mul3A_4 = vector.broadcast %mul3A : i32 to vector<12x128xi32>
    %mul3A_5 = arith.muli %mul3A_4, %iota3A : vector<12x128xi32>
    %add3A = arith.constant 0 : i32
    %add3A_6 = vector.broadcast %add3A : i32 to vector<12x128xi32>
    %add3A_7 = arith.addi %mul3A_5, %add3A_6 : vector<12x128xi32>
    %shift_right_arithmetic3A = arith.constant 7 : i32
    %shift_right_arithmetic3A_8 = vector.broadcast %shift_right_arithmetic3A : i32 to vector<12x128xi32>
    %shift_right_arithmetic3A_9 = arith.shrsi %add3A_7, %shift_right_arithmetic3A_8 : vector<12x128xi32>
    %and3A = arith.constant 127 : i32
    %and3A_10 = vector.broadcast %and3A : i32 to vector<12x128xi32>
    %and3A_11 = arith.andi %add3A_7, %and3A_10 : vector<12x128xi32>
    %slice3A = vector.extract_strided_slice %get3A_3 {offsets = [0, 0], sizes = [12, 128], strides = [1, 1]} : vector<12x6144xf32> to vector<12x128xf32>
    %lt3A = arith.constant 0 : i32
    %lt3A_12 = vector.broadcast %lt3A : i32 to vector<12x128xi32>
    %lt3A_13 = arith.cmpi slt, %and3A_11, %lt3A_12 : vector<12x128xi32>
    %add3A_14 = arith.constant 128 : i32
    %add3A_15 = vector.broadcast %add3A_14 : i32 to vector<12x128xi32>
    %add3A_16 = arith.addi %and3A_11, %add3A_15 : vector<12x128xi32>
    %select_n3A = arith.select %lt3A_13, %add3A_16, %and3A_11 : vector<12x128xi1>, vector<12x128xi32>
    %reshape3A = vector.shape_cast %select_n3A : vector<12x128xi32> to vector<12x128x1xi32>
    %gather3A = vector.shape_cast %reshape3A : vector<12x128x1xi32> to vector<12x128xi32>
    %gather3A_17 = tpu.dynamic_gather %slice3A[%gather3A] in [1] : vector<12x128xf32>, vector<12x128xi32> -> vector<12x128xf32>
    %slice3A_18 = vector.extract_strided_slice %get3A_3 {offsets = [0, 128], sizes = [12, 128], strides = [1, 1]} : vector<12x6144xf32> to vector<12x128xf32>
    %lt3A_19 = arith.constant 0 : i32
    %lt3A_20 = vector.broadcast %lt3A_19 : i32 to vector<12x128xi32>
    %lt3A_21 = arith.cmpi slt, %and3A_11, %lt3A_20 : vector<12x128xi32>
    %add3A_22 = arith.constant 128 : i32
    %add3A_23 = vector.broadcast %add3A_22 : i32 to vector<12x128xi32>
    %add3A_24 = arith.addi %and3A_11, %add3A_23 : vector<12x128xi32>
    %select_n3A_25 = arith.select %lt3A_21, %add3A_24, %and3A_11 : vector<12x128xi1>, vector<12x128xi32>
    %reshape3A_26 = vector.shape_cast %select_n3A_25 : vector<12x128xi32> to vector<12x128x1xi32>
    %gather3A_27 = vector.shape_cast %reshape3A_26 : vector<12x128x1xi32> to vector<12x128xi32>
    %gather3A_28 = tpu.dynamic_gather %slice3A_18[%gather3A_27] in [1] : vector<12x128xf32>, vector<12x128xi32> -> vector<12x128xf32>
    %slice3A_29 = vector.extract_strided_slice %get3A_3 {offsets = [0, 256], sizes = [12, 128], strides = [1, 1]} : vector<12x6144xf32> to vector<12x128xf32>
    %lt3A_30 = arith.constant 0 : i32
    %lt3A_31 = vector.broadcast %lt3A_30 : i32 to vector<12x128xi32>
    %lt3A_32 = arith.cmpi slt, %and3A_11, %lt3A_31 : vector<12x128xi32>
    %add3A_33 = arith.constant 128 : i32
    %add3A_34 = vector.broadcast %add3A_33 : i32 to vector<12x128xi32>
    %add3A_35 = arith.addi %and3A_11, %add3A_34 : vector<12x128xi32>
    %select_n3A_36 = arith.select %lt3A_32, %add3A_35, %and3A_11 : vector<12x128xi1>, vector<12x128xi32>
    %reshape3A_37 = vector.shape_cast %select_n3A_36 : vector<12x128xi32> to vector<12x128x1xi32>
    %gather3A_38 = vector.shape_cast %reshape3A_37 : vector<12x128x1xi32> to vector<12x128xi32>
    %gather3A_39 = tpu.dynamic_gather %slice3A_29[%gather3A_38] in [1] : vector<12x128xf32>, vector<12x128xi32> -> vector<12x128xf32>
    %eq3A = arith.constant 0 : i32
    %eq3A_40 = vector.broadcast %eq3A : i32 to vector<12x128xi32>
    %eq3A_41 = arith.cmpi eq, %shift_right_arithmetic3A_9, %eq3A_40 : vector<12x128xi32>
    %eq3A_42 = arith.constant 1 : i32
    %eq3A_43 = vector.broadcast %eq3A_42 : i32 to vector<12x128xi32>
    %eq3A_44 = arith.cmpi eq, %shift_right_arithmetic3A_9, %eq3A_43 : vector<12x128xi32>
    %select_n3A_45 = arith.select %eq3A_44, %gather3A_28, %gather3A_39 : vector<12x128xi1>, vector<12x128xf32>
    %select_n3A_46 = arith.select %eq3A_41, %gather3A_17, %select_n3A_45 : vector<12x128xi1>, vector<12x128xf32>
    %slice3A_47 = vector.extract_strided_slice %get3A_3 {offsets = [0, 384], sizes = [12, 128], strides = [1, 1]} : vector<12x6144xf32> to vector<12x128xf32>
    %lt3A_48 = arith.constant 0 : i32
    %lt3A_49 = vector.broadcast %lt3A_48 : i32 to vector<12x128xi32>
    %lt3A_50 = arith.cmpi slt, %and3A_11, %lt3A_49 : vector<12x128xi32>
    %add3A_51 = arith.constant 128 : i32
    %add3A_52 = vector.broadcast %add3A_51 : i32 to vector<12x128xi32>
    %add3A_53 = arith.addi %and3A_11, %add3A_52 : vector<12x128xi32>
    %select_n3A_54 = arith.select %lt3A_50, %add3A_53, %and3A_11 : vector<12x128xi1>, vector<12x128xi32>
    %reshape3A_55 = vector.shape_cast %select_n3A_54 : vector<12x128xi32> to vector<12x128x1xi32>
    %gather3A_56 = vector.shape_cast %reshape3A_55 : vector<12x128x1xi32> to vector<12x128xi32>
    %gather3A_57 = tpu.dynamic_gather %slice3A_47[%gather3A_56] in [1] : vector<12x128xf32>, vector<12x128xi32> -> vector<12x128xf32>
    %slice3A_58 = vector.extract_strided_slice %get3A_3 {offsets = [0, 512], sizes = [12, 128], strides = [1, 1]} : vector<12x6144xf32> to vector<12x128xf32>
    %lt3A_59 = arith.constant 0 : i32
    %lt3A_60 = vector.broadcast %lt3A_59 : i32 to vector<12x128xi32>
    %lt3A_61 = arith.cmpi slt, %and3A_11, %lt3A_60 : vector<12x128xi32>
    %add3A_62 = arith.constant 128 : i32
    %add3A_63 = vector.broadcast %add3A_62 : i32 to vector<12x128xi32>
    %add3A_64 = arith.addi %and3A_11, %add3A_63 : vector<12x128xi32>
    %select_n3A_65 = arith.select %lt3A_61, %add3A_64, %and3A_11 : vector<12x128xi1>, vector<12x128xi32>
    %reshape3A_66 = vector.shape_cast %select_n3A_65 : vector<12x128xi32> to vector<12x128x1xi32>
    %gather3A_67 = vector.shape_cast %reshape3A_66 : vector<12x128x1xi32> to vector<12x128xi32>
    %gather3A_68 = tpu.dynamic_gather %slice3A_58[%gather3A_67] in [1] : vector<12x128xf32>, vector<12x128xi32> -> vector<12x128xf32>
    %slice3A_69 = vector.extract_strided_slice %get3A_3 {offsets = [0, 640], sizes = [12, 128], strides = [1, 1]} : vector<12x6144xf32> to vector<12x128xf32>
    %lt3A_70 = arith.constant 0 : i32
    %lt3A_71 = vector.broadcast %lt3A_70 : i32 to vector<12x128xi32>
    %lt3A_72 = arith.cmpi slt, %and3A_11, %lt3A_71 : vector<12x128xi32>
    %add3A_73 = arith.constant 128 : i32
    %add3A_74 = vector.broadcast %add3A_73 : i32 to vector<12x128xi32>
    %add3A_75 = arith.addi %and3A_11, %add3A_74 : vector<12x128xi32>
    %select_n3A_76 = arith.select %lt3A_72, %add3A_75, %and3A_11 : vector<12x128xi1>, vector<12x128xi32>
    %reshape3A_77 = vector.shape_cast %select_n3A_76 : vector<12x128xi32> to vector<12x128x1xi32>
    %gather3A_78 = vector.shape_cast %reshape3A_77 : vector<12x128x1xi32> to vector<12x128xi32>
    %gather3A_79 = tpu.dynamic_gather %slice3A_69[%gather3A_78] in [1] : vector<12x128xf32>, vector<12x128xi32> -> vector<12x128xf32>
    %eq3A_80 = arith.constant 0 : i32
    %eq3A_81 = vector.broadcast %eq3A_80 : i32 to vector<12x128xi32>
    %eq3A_82 = arith.cmpi eq, %shift_right_arithmetic3A_9, %eq3A_81 : vector<12x128xi32>
    %eq3A_83 = arith.constant 1 : i32
    %eq3A_84 = vector.broadcast %eq3A_83 : i32 to vector<12x128xi32>
    %eq3A_85 = arith.cmpi eq, %shift_right_arithmetic3A_9, %eq3A_84 : vector<12x128xi32>
    %select_n3A_86 = arith.select %eq3A_85, %gather3A_68, %gather3A_79 : vector<12x128xi1>, vector<12x128xf32>
    %select_n3A_87 = arith.select %eq3A_82, %gather3A_57, %select_n3A_86 : vector<12x128xi1>, vector<12x128xf32>
    %slice3A_88 = vector.extract_strided_slice %get3A_3 {offsets = [0, 768], sizes = [12, 128], strides = [1, 1]} : vector<12x6144xf32> to vector<12x128xf32>
    %lt3A_89 = arith.constant 0 : i32
    %lt3A_90 = vector.broadcast %lt3A_89 : i32 to vector<12x128xi32>
    %lt3A_91 = arith.cmpi slt, %and3A_11, %lt3A_90 : vector<12x128xi32>
    %add3A_92 = arith.constant 128 : i32
    %add3A_93 = vector.broadcast %add3A_92 : i32 to vector<12x128xi32>
    %add3A_94 = arith.addi %and3A_11, %add3A_93 : vector<12x128xi32>
    %select_n3A_95 = arith.select %lt3A_91, %add3A_94, %and3A_11 : vector<12x128xi1>, vector<12x128xi32>
    %reshape3A_96 = vector.shape_cast %select_n3A_95 : vector<12x128xi32> to vector<12x128x1xi32>
    %gather3A_97 = vector.shape_cast %reshape3A_96 : vector<12x128x1xi32> to vector<12x128xi32>
    %gather3A_98 = tpu.dynamic_gather %slice3A_88[%gather3A_97] in [1] : vector<12x128xf32>, vector<12x128xi32> -> vector<12x128xf32>
    %slice3A_99 = vector.extract_strided_slice %get3A_3 {offsets = [0, 896], sizes = [12, 128], strides = [1, 1]} : vector<12x6144xf32> to vector<12x128xf32>
    %lt3A_100 = arith.constant 0 : i32
    %lt3A_101 = vector.broadcast %lt3A_100 : i32 to vector<12x128xi32>
    %lt3A_102 = arith.cmpi slt, %and3A_11, %lt3A_101 : vector<12x128xi32>
    %add3A_103 = arith.constant 128 : i32
    %add3A_104 = vector.broadcast %add3A_103 : i32 to vector<12x128xi32>
    %add3A_105 = arith.addi %and3A_11, %add3A_104 : vector<12x128xi32>
    %select_n3A_106 = arith.select %lt3A_102, %add3A_105, %and3A_11 : vector<12x128xi1>, vector<12x128xi32>
    %reshape3A_107 = vector.shape_cast %select_n3A_106 : vector<12x128xi32> to vector<12x128x1xi32>
    %gather3A_108 = vector.shape_cast %reshape3A_107 : vector<12x128x1xi32> to vector<12x128xi32>
    %gather3A_109 = tpu.dynamic_gather %slice3A_99[%gather3A_108] in [1] : vector<12x128xf32>, vector<12x128xi32> -> vector<12x128xf32>
    %slice3A_110 = vector.extract_strided_slice %get3A_3 {offsets = [0, 1024], sizes = [12, 128], strides = [1, 1]} : vector<12x6144xf32> to vector<12x128xf32>
    %lt3A_111 = arith.constant 0 : i32
    %lt3A_112 = vector.broadcast %lt3A_111 : i32 to vector<12x128xi32>
    %lt3A_113 = arith.cmpi slt, %and3A_11, %lt3A_112 : vector<12x128xi32>
    %add3A_114 = arith.constant 128 : i32
    %add3A_115 = vector.broadcast %add3A_114 : i32 to vector<12x128xi32>
    %add3A_116 = arith.addi %and3A_11, %add3A_115 : vector<12x128xi32>
    %select_n3A_117 = arith.select %lt3A_113, %add3A_116, %and3A_11 : vector<12x128xi1>, vector<12x128xi32>
    %reshape3A_118 = vector.shape_cast %select_n3A_117 : vector<12x128xi32> to vector<12x128x1xi32>
    %gather3A_119 = vector.shape_cast %reshape3A_118 : vector<12x128x1xi32> to vector<12x128xi32>
    %gather3A_120 = tpu.dynamic_gather %slice3A_110[%gather3A_119] in [1] : vector<12x128xf32>, vector<12x128xi32> -> vector<12x128xf32>
    %eq3A_121 = arith.constant 0 : i32
    %eq3A_122 = vector.broadcast %eq3A_121 : i32 to vector<12x128xi32>
    %eq3A_123 = arith.cmpi eq, %shift_right_arithmetic3A_9, %eq3A_122 : vector<12x128xi32>
    %eq3A_124 = arith.constant 1 : i32
    %eq3A_125 = vector.broadcast %eq3A_124 : i32 to vector<12x128xi32>
    %eq3A_126 = arith.cmpi eq, %shift_right_arithmetic3A_9, %eq3A_125 : vector<12x128xi32>
    %select_n3A_127 = arith.select %eq3A_126, %gather3A_109, %gather3A_120 : vector<12x128xi1>, vector<12x128xf32>
    %select_n3A_128 = arith.select %eq3A_123, %gather3A_98, %select_n3A_127 : vector<12x128xi1>, vector<12x128xf32>
    %slice3A_129 = vector.extract_strided_slice %get3A_3 {offsets = [0, 1152], sizes = [12, 128], strides = [1, 1]} : vector<12x6144xf32> to vector<12x128xf32>
    %lt3A_130 = arith.constant 0 : i32
    %lt3A_131 = vector.broadcast %lt3A_130 : i32 to vector<12x128xi32>
    %lt3A_132 = arith.cmpi slt, %and3A_11, %lt3A_131 : vector<12x128xi32>
    %add3A_133 = arith.constant 128 : i32
    %add3A_134 = vector.broadcast %add3A_133 : i32 to vector<12x128xi32>
    %add3A_135 = arith.addi %and3A_11, %add3A_134 : vector<12x128xi32>
    %select_n3A_136 = arith.select %lt3A_132, %add3A_135, %and3A_11 : vector<12x128xi1>, vector<12x128xi32>
    %reshape3A_137 = vector.shape_cast %select_n3A_136 : vector<12x128xi32> to vector<12x128x1xi32>
    %gather3A_138 = vector.shape_cast %reshape3A_137 : vector<12x128x1xi32> to vector<12x128xi32>
    %gather3A_139 = tpu.dynamic_gather %slice3A_129[%gather3A_138] in [1] : vector<12x128xf32>, vector<12x128xi32> -> vector<12x128xf32>
    %slice3A_140 = vector.extract_strided_slice %get3A_3 {offsets = [0, 1280], sizes = [12, 128], strides = [1, 1]} : vector<12x6144xf32> to vector<12x128xf32>
    %lt3A_141 = arith.constant 0 : i32
    %lt3A_142 = vector.broadcast %lt3A_141 : i32 to vector<12x128xi32>
    %lt3A_143 = arith.cmpi slt, %and3A_11, %lt3A_142 : vector<12x128xi32>
    %add3A_144 = arith.constant 128 : i32
    %add3A_145 = vector.broadcast %add3A_144 : i32 to vector<12x128xi32>
    %add3A_146 = arith.addi %and3A_11, %add3A_145 : vector<12x128xi32>
    %select_n3A_147 = arith.select %lt3A_143, %add3A_146, %and3A_11 : vector<12x128xi1>, vector<12x128xi32>
    %reshape3A_148 = vector.shape_cast %select_n3A_147 : vector<12x128xi32> to vector<12x128x1xi32>
    %gather3A_149 = vector.shape_cast %reshape3A_148 : vector<12x128x1xi32> to vector<12x128xi32>
    %gather3A_150 = tpu.dynamic_gather %slice3A_140[%gather3A_149] in [1] : vector<12x128xf32>, vector<12x128xi32> -> vector<12x128xf32>
    %slice3A_151 = vector.extract_strided_slice %get3A_3 {offsets = [0, 1408], sizes = [12, 128], strides = [1, 1]} : vector<12x6144xf32> to vector<12x128xf32>
    %lt3A_152 = arith.constant 0 : i32
    %lt3A_153 = vector.broadcast %lt3A_152 : i32 to vector<12x128xi32>
    %lt3A_154 = arith.cmpi slt, %and3A_11, %lt3A_153 : vector<12x128xi32>
    %add3A_155 = arith.constant 128 : i32
    %add3A_156 = vector.broadcast %add3A_155 : i32 to vector<12x128xi32>
    %add3A_157 = arith.addi %and3A_11, %add3A_156 : vector<12x128xi32>
    %select_n3A_158 = arith.select %lt3A_154, %add3A_157, %and3A_11 : vector<12x128xi1>, vector<12x128xi32>
    %reshape3A_159 = vector.shape_cast %select_n3A_158 : vector<12x128xi32> to vector<12x128x1xi32>
    %gather3A_160 = vector.shape_cast %reshape3A_159 : vector<12x128x1xi32> to vector<12x128xi32>
    %gather3A_161 = tpu.dynamic_gather %slice3A_151[%gather3A_160] in [1] : vector<12x128xf32>, vector<12x128xi32> -> vector<12x128xf32>
    %eq3A_162 = arith.constant 0 : i32
    %eq3A_163 = vector.broadcast %eq3A_162 : i32 to vector<12x128xi32>
    %eq3A_164 = arith.cmpi eq, %shift_right_arithmetic3A_9, %eq3A_163 : vector<12x128xi32>
    %eq3A_165 = arith.constant 1 : i32
    %eq3A_166 = vector.broadcast %eq3A_165 : i32 to vector<12x128xi32>
    %eq3A_167 = arith.cmpi eq, %shift_right_arithmetic3A_9, %eq3A_166 : vector<12x128xi32>
    %select_n3A_168 = arith.select %eq3A_167, %gather3A_150, %gather3A_161 : vector<12x128xi1>, vector<12x128xf32>
    %select_n3A_169 = arith.select %eq3A_164, %gather3A_139, %select_n3A_168 : vector<12x128xi1>, vector<12x128xf32>
    %slice3A_170 = vector.extract_strided_slice %get3A_3 {offsets = [0, 1536], sizes = [12, 128], strides = [1, 1]} : vector<12x6144xf32> to vector<12x128xf32>
    %lt3A_171 = arith.constant 0 : i32
    %lt3A_172 = vector.broadcast %lt3A_171 : i32 to vector<12x128xi32>
    %lt3A_173 = arith.cmpi slt, %and3A_11, %lt3A_172 : vector<12x128xi32>
    %add3A_174 = arith.constant 128 : i32
    %add3A_175 = vector.broadcast %add3A_174 : i32 to vector<12x128xi32>
    %add3A_176 = arith.addi %and3A_11, %add3A_175 : vector<12x128xi32>
    %select_n3A_177 = arith.select %lt3A_173, %add3A_176, %and3A_11 : vector<12x128xi1>, vector<12x128xi32>
    %reshape3A_178 = vector.shape_cast %select_n3A_177 : vector<12x128xi32> to vector<12x128x1xi32>
    %gather3A_179 = vector.shape_cast %reshape3A_178 : vector<12x128x1xi32> to vector<12x128xi32>
    %gather3A_180 = tpu.dynamic_gather %slice3A_170[%gather3A_179] in [1] : vector<12x128xf32>, vector<12x128xi32> -> vector<12x128xf32>
    %slice3A_181 = vector.extract_strided_slice %get3A_3 {offsets = [0, 1664], sizes = [12, 128], strides = [1, 1]} : vector<12x6144xf32> to vector<12x128xf32>
    %lt3A_182 = arith.constant 0 : i32
    %lt3A_183 = vector.broadcast %lt3A_182 : i32 to vector<12x128xi32>
    %lt3A_184 = arith.cmpi slt, %and3A_11, %lt3A_183 : vector<12x128xi32>
    %add3A_185 = arith.constant 128 : i32
    %add3A_186 = vector.broadcast %add3A_185 : i32 to vector<12x128xi32>
    %add3A_187 = arith.addi %and3A_11, %add3A_186 : vector<12x128xi32>
    %select_n3A_188 = arith.select %lt3A_184, %add3A_187, %and3A_11 : vector<12x128xi1>, vector<12x128xi32>
    %reshape3A_189 = vector.shape_cast %select_n3A_188 : vector<12x128xi32> to vector<12x128x1xi32>
    %gather3A_190 = vector.shape_cast %reshape3A_189 : vector<12x128x1xi32> to vector<12x128xi32>
    %gather3A_191 = tpu.dynamic_gather %slice3A_181[%gather3A_190] in [1] : vector<12x128xf32>, vector<12x128xi32> -> vector<12x128xf32>
    %slice3A_192 = vector.extract_strided_slice %get3A_3 {offsets = [0, 1792], sizes = [12, 128], strides = [1, 1]} : vector<12x6144xf32> to vector<12x128xf32>
    %lt3A_193 = arith.constant 0 : i32
    %lt3A_194 = vector.broadcast %lt3A_193 : i32 to vector<12x128xi32>
    %lt3A_195 = arith.cmpi slt, %and3A_11, %lt3A_194 : vector<12x128xi32>
    %add3A_196 = arith.constant 128 : i32
    %add3A_197 = vector.broadcast %add3A_196 : i32 to vector<12x128xi32>
    %add3A_198 = arith.addi %and3A_11, %add3A_197 : vector<12x128xi32>
    %select_n3A_199 = arith.select %lt3A_195, %add3A_198, %and3A_11 : vector<12x128xi1>, vector<12x128xi32>
    %reshape3A_200 = vector.shape_cast %select_n3A_199 : vector<12x128xi32> to vector<12x128x1xi32>
    %gather3A_201 = vector.shape_cast %reshape3A_200 : vector<12x128x1xi32> to vector<12x128xi32>
    %gather3A_202 = tpu.dynamic_gather %slice3A_192[%gather3A_201] in [1] : vector<12x128xf32>, vector<12x128xi32> -> vector<12x128xf32>
    %eq3A_203 = arith.constant 0 : i32
    %eq3A_204 = vector.broadcast %eq3A_203 : i32 to vector<12x128xi32>
    %eq3A_205 = arith.cmpi eq, %shift_right_arithmetic3A_9, %eq3A_204 : vector<12x128xi32>
    %eq3A_206 = arith.constant 1 : i32
    %eq3A_207 = vector.broadcast %eq3A_206 : i32 to vector<12x128xi32>
    %eq3A_208 = arith.cmpi eq, %shift_right_arithmetic3A_9, %eq3A_207 : vector<12x128xi32>
    %select_n3A_209 = arith.select %eq3A_208, %gather3A_191, %gather3A_202 : vector<12x128xi1>, vector<12x128xf32>
    %select_n3A_210 = arith.select %eq3A_205, %gather3A_180, %select_n3A_209 : vector<12x128xi1>, vector<12x128xf32>
    %slice3A_211 = vector.extract_strided_slice %get3A_3 {offsets = [0, 1920], sizes = [12, 128], strides = [1, 1]} : vector<12x6144xf32> to vector<12x128xf32>
    %lt3A_212 = arith.constant 0 : i32
    %lt3A_213 = vector.broadcast %lt3A_212 : i32 to vector<12x128xi32>
    %lt3A_214 = arith.cmpi slt, %and3A_11, %lt3A_213 : vector<12x128xi32>
    %add3A_215 = arith.constant 128 : i32
    %add3A_216 = vector.broadcast %add3A_215 : i32 to vector<12x128xi32>
    %add3A_217 = arith.addi %and3A_11, %add3A_216 : vector<12x128xi32>
    %select_n3A_218 = arith.select %lt3A_214, %add3A_217, %and3A_11 : vector<12x128xi1>, vector<12x128xi32>
    %reshape3A_219 = vector.shape_cast %select_n3A_218 : vector<12x128xi32> to vector<12x128x1xi32>
    %gather3A_220 = vector.shape_cast %reshape3A_219 : vector<12x128x1xi32> to vector<12x128xi32>
    %gather3A_221 = tpu.dynamic_gather %slice3A_211[%gather3A_220] in [1] : vector<12x128xf32>, vector<12x128xi32> -> vector<12x128xf32>
    %slice3A_222 = vector.extract_strided_slice %get3A_3 {offsets = [0, 2048], sizes = [12, 128], strides = [1, 1]} : vector<12x6144xf32> to vector<12x128xf32>
    %lt3A_223 = arith.constant 0 : i32
    %lt3A_224 = vector.broadcast %lt3A_223 : i32 to vector<12x128xi32>
    %lt3A_225 = arith.cmpi slt, %and3A_11, %lt3A_224 : vector<12x128xi32>
    %add3A_226 = arith.constant 128 : i32
    %add3A_227 = vector.broadcast %add3A_226 : i32 to vector<12x128xi32>
    %add3A_228 = arith.addi %and3A_11, %add3A_227 : vector<12x128xi32>
    %select_n3A_229 = arith.select %lt3A_225, %add3A_228, %and3A_11 : vector<12x128xi1>, vector<12x128xi32>
    %reshape3A_230 = vector.shape_cast %select_n3A_229 : vector<12x128xi32> to vector<12x128x1xi32>
    %gather3A_231 = vector.shape_cast %reshape3A_230 : vector<12x128x1xi32> to vector<12x128xi32>
    %gather3A_232 = tpu.dynamic_gather %slice3A_222[%gather3A_231] in [1] : vector<12x128xf32>, vector<12x128xi32> -> vector<12x128xf32>
    %slice3A_233 = vector.extract_strided_slice %get3A_3 {offsets = [0, 2176], sizes = [12, 128], strides = [1, 1]} : vector<12x6144xf32> to vector<12x128xf32>
    %lt3A_234 = arith.constant 0 : i32
    %lt3A_235 = vector.broadcast %lt3A_234 : i32 to vector<12x128xi32>
    %lt3A_236 = arith.cmpi slt, %and3A_11, %lt3A_235 : vector<12x128xi32>
    %add3A_237 = arith.constant 128 : i32
    %add3A_238 = vector.broadcast %add3A_237 : i32 to vector<12x128xi32>
    %add3A_239 = arith.addi %and3A_11, %add3A_238 : vector<12x128xi32>
    %select_n3A_240 = arith.select %lt3A_236, %add3A_239, %and3A_11 : vector<12x128xi1>, vector<12x128xi32>
    %reshape3A_241 = vector.shape_cast %select_n3A_240 : vector<12x128xi32> to vector<12x128x1xi32>
    %gather3A_242 = vector.shape_cast %reshape3A_241 : vector<12x128x1xi32> to vector<12x128xi32>
    %gather3A_243 = tpu.dynamic_gather %slice3A_233[%gather3A_242] in [1] : vector<12x128xf32>, vector<12x128xi32> -> vector<12x128xf32>
    %eq3A_244 = arith.constant 0 : i32
    %eq3A_245 = vector.broadcast %eq3A_244 : i32 to vector<12x128xi32>
    %eq3A_246 = arith.cmpi eq, %shift_right_arithmetic3A_9, %eq3A_245 : vector<12x128xi32>
    %eq3A_247 = arith.constant 1 : i32
    %eq3A_248 = vector.broadcast %eq3A_247 : i32 to vector<12x128xi32>
    %eq3A_249 = arith.cmpi eq, %shift_right_arithmetic3A_9, %eq3A_248 : vector<12x128xi32>
    %select_n3A_250 = arith.select %eq3A_249, %gather3A_232, %gather3A_243 : vector<12x128xi1>, vector<12x128xf32>
    %select_n3A_251 = arith.select %eq3A_246, %gather3A_221, %select_n3A_250 : vector<12x128xi1>, vector<12x128xf32>
    %slice3A_252 = vector.extract_strided_slice %get3A_3 {offsets = [0, 2304], sizes = [12, 128], strides = [1, 1]} : vector<12x6144xf32> to vector<12x128xf32>
    %lt3A_253 = arith.constant 0 : i32
    %lt3A_254 = vector.broadcast %lt3A_253 : i32 to vector<12x128xi32>
    %lt3A_255 = arith.cmpi slt, %and3A_11, %lt3A_254 : vector<12x128xi32>
    %add3A_256 = arith.constant 128 : i32
    %add3A_257 = vector.broadcast %add3A_256 : i32 to vector<12x128xi32>
    %add3A_258 = arith.addi %and3A_11, %add3A_257 : vector<12x128xi32>
    %select_n3A_259 = arith.select %lt3A_255, %add3A_258, %and3A_11 : vector<12x128xi1>, vector<12x128xi32>
    %reshape3A_260 = vector.shape_cast %select_n3A_259 : vector<12x128xi32> to vector<12x128x1xi32>
    %gather3A_261 = vector.shape_cast %reshape3A_260 : vector<12x128x1xi32> to vector<12x128xi32>
    %gather3A_262 = tpu.dynamic_gather %slice3A_252[%gather3A_261] in [1] : vector<12x128xf32>, vector<12x128xi32> -> vector<12x128xf32>
    %slice3A_263 = vector.extract_strided_slice %get3A_3 {offsets = [0, 2432], sizes = [12, 128], strides = [1, 1]} : vector<12x6144xf32> to vector<12x128xf32>
    %lt3A_264 = arith.constant 0 : i32
    %lt3A_265 = vector.broadcast %lt3A_264 : i32 to vector<12x128xi32>
    %lt3A_266 = arith.cmpi slt, %and3A_11, %lt3A_265 : vector<12x128xi32>
    %add3A_267 = arith.constant 128 : i32
    %add3A_268 = vector.broadcast %add3A_267 : i32 to vector<12x128xi32>
    %add3A_269 = arith.addi %and3A_11, %add3A_268 : vector<12x128xi32>
    %select_n3A_270 = arith.select %lt3A_266, %add3A_269, %and3A_11 : vector<12x128xi1>, vector<12x128xi32>
    %reshape3A_271 = vector.shape_cast %select_n3A_270 : vector<12x128xi32> to vector<12x128x1xi32>
    %gather3A_272 = vector.shape_cast %reshape3A_271 : vector<12x128x1xi32> to vector<12x128xi32>
    %gather3A_273 = tpu.dynamic_gather %slice3A_263[%gather3A_272] in [1] : vector<12x128xf32>, vector<12x128xi32> -> vector<12x128xf32>
    %slice3A_274 = vector.extract_strided_slice %get3A_3 {offsets = [0, 2560], sizes = [12, 128], strides = [1, 1]} : vector<12x6144xf32> to vector<12x128xf32>
    %lt3A_275 = arith.constant 0 : i32
    %lt3A_276 = vector.broadcast %lt3A_275 : i32 to vector<12x128xi32>
    %lt3A_277 = arith.cmpi slt, %and3A_11, %lt3A_276 : vector<12x128xi32>
    %add3A_278 = arith.constant 128 : i32
    %add3A_279 = vector.broadcast %add3A_278 : i32 to vector<12x128xi32>
    %add3A_280 = arith.addi %and3A_11, %add3A_279 : vector<12x128xi32>
    %select_n3A_281 = arith.select %lt3A_277, %add3A_280, %and3A_11 : vector<12x128xi1>, vector<12x128xi32>
    %reshape3A_282 = vector.shape_cast %select_n3A_281 : vector<12x128xi32> to vector<12x128x1xi32>
    %gather3A_283 = vector.shape_cast %reshape3A_282 : vector<12x128x1xi32> to vector<12x128xi32>
    %gather3A_284 = tpu.dynamic_gather %slice3A_274[%gather3A_283] in [1] : vector<12x128xf32>, vector<12x128xi32> -> vector<12x128xf32>
    %eq3A_285 = arith.constant 0 : i32
    %eq3A_286 = vector.broadcast %eq3A_285 : i32 to vector<12x128xi32>
    %eq3A_287 = arith.cmpi eq, %shift_right_arithmetic3A_9, %eq3A_286 : vector<12x128xi32>
    %eq3A_288 = arith.constant 1 : i32
    %eq3A_289 = vector.broadcast %eq3A_288 : i32 to vector<12x128xi32>
    %eq3A_290 = arith.cmpi eq, %shift_right_arithmetic3A_9, %eq3A_289 : vector<12x128xi32>
    %select_n3A_291 = arith.select %eq3A_290, %gather3A_273, %gather3A_284 : vector<12x128xi1>, vector<12x128xf32>
    %select_n3A_292 = arith.select %eq3A_287, %gather3A_262, %select_n3A_291 : vector<12x128xi1>, vector<12x128xf32>
    %slice3A_293 = vector.extract_strided_slice %get3A_3 {offsets = [0, 2688], sizes = [12, 128], strides = [1, 1]} : vector<12x6144xf32> to vector<12x128xf32>
    %lt3A_294 = arith.constant 0 : i32
    %lt3A_295 = vector.broadcast %lt3A_294 : i32 to vector<12x128xi32>
    %lt3A_296 = arith.cmpi slt, %and3A_11, %lt3A_295 : vector<12x128xi32>
    %add3A_297 = arith.constant 128 : i32
    %add3A_298 = vector.broadcast %add3A_297 : i32 to vector<12x128xi32>
    %add3A_299 = arith.addi %and3A_11, %add3A_298 : vector<12x128xi32>
    %select_n3A_300 = arith.select %lt3A_296, %add3A_299, %and3A_11 : vector<12x128xi1>, vector<12x128xi32>
    %reshape3A_301 = vector.shape_cast %select_n3A_300 : vector<12x128xi32> to vector<12x128x1xi32>
    %gather3A_302 = vector.shape_cast %reshape3A_301 : vector<12x128x1xi32> to vector<12x128xi32>
    %gather3A_303 = tpu.dynamic_gather %slice3A_293[%gather3A_302] in [1] : vector<12x128xf32>, vector<12x128xi32> -> vector<12x128xf32>
    %slice3A_304 = vector.extract_strided_slice %get3A_3 {offsets = [0, 2816], sizes = [12, 128], strides = [1, 1]} : vector<12x6144xf32> to vector<12x128xf32>
    %lt3A_305 = arith.constant 0 : i32
    %lt3A_306 = vector.broadcast %lt3A_305 : i32 to vector<12x128xi32>
    %lt3A_307 = arith.cmpi slt, %and3A_11, %lt3A_306 : vector<12x128xi32>
    %add3A_308 = arith.constant 128 : i32
    %add3A_309 = vector.broadcast %add3A_308 : i32 to vector<12x128xi32>
    %add3A_310 = arith.addi %and3A_11, %add3A_309 : vector<12x128xi32>
    %select_n3A_311 = arith.select %lt3A_307, %add3A_310, %and3A_11 : vector<12x128xi1>, vector<12x128xi32>
    %reshape3A_312 = vector.shape_cast %select_n3A_311 : vector<12x128xi32> to vector<12x128x1xi32>
    %gather3A_313 = vector.shape_cast %reshape3A_312 : vector<12x128x1xi32> to vector<12x128xi32>
    %gather3A_314 = tpu.dynamic_gather %slice3A_304[%gather3A_313] in [1] : vector<12x128xf32>, vector<12x128xi32> -> vector<12x128xf32>
    %slice3A_315 = vector.extract_strided_slice %get3A_3 {offsets = [0, 2944], sizes = [12, 128], strides = [1, 1]} : vector<12x6144xf32> to vector<12x128xf32>
    %lt3A_316 = arith.constant 0 : i32
    %lt3A_317 = vector.broadcast %lt3A_316 : i32 to vector<12x128xi32>
    %lt3A_318 = arith.cmpi slt, %and3A_11, %lt3A_317 : vector<12x128xi32>
    %add3A_319 = arith.constant 128 : i32
    %add3A_320 = vector.broadcast %add3A_319 : i32 to vector<12x128xi32>
    %add3A_321 = arith.addi %and3A_11, %add3A_320 : vector<12x128xi32>
    %select_n3A_322 = arith.select %lt3A_318, %add3A_321, %and3A_11 : vector<12x128xi1>, vector<12x128xi32>
    %reshape3A_323 = vector.shape_cast %select_n3A_322 : vector<12x128xi32> to vector<12x128x1xi32>
    %gather3A_324 = vector.shape_cast %reshape3A_323 : vector<12x128x1xi32> to vector<12x128xi32>
    %gather3A_325 = tpu.dynamic_gather %slice3A_315[%gather3A_324] in [1] : vector<12x128xf32>, vector<12x128xi32> -> vector<12x128xf32>
    %eq3A_326 = arith.constant 0 : i32
    %eq3A_327 = vector.broadcast %eq3A_326 : i32 to vector<12x128xi32>
    %eq3A_328 = arith.cmpi eq, %shift_right_arithmetic3A_9, %eq3A_327 : vector<12x128xi32>
    %eq3A_329 = arith.constant 1 : i32
    %eq3A_330 = vector.broadcast %eq3A_329 : i32 to vector<12x128xi32>
    %eq3A_331 = arith.cmpi eq, %shift_right_arithmetic3A_9, %eq3A_330 : vector<12x128xi32>
    %select_n3A_332 = arith.select %eq3A_331, %gather3A_314, %gather3A_325 : vector<12x128xi1>, vector<12x128xf32>
    %select_n3A_333 = arith.select %eq3A_328, %gather3A_303, %select_n3A_332 : vector<12x128xi1>, vector<12x128xf32>
    %slice3A_334 = vector.extract_strided_slice %get3A_3 {offsets = [0, 3072], sizes = [12, 128], strides = [1, 1]} : vector<12x6144xf32> to vector<12x128xf32>
    %lt3A_335 = arith.constant 0 : i32
    %lt3A_336 = vector.broadcast %lt3A_335 : i32 to vector<12x128xi32>
    %lt3A_337 = arith.cmpi slt, %and3A_11, %lt3A_336 : vector<12x128xi32>
    %add3A_338 = arith.constant 128 : i32
    %add3A_339 = vector.broadcast %add3A_338 : i32 to vector<12x128xi32>
    %add3A_340 = arith.addi %and3A_11, %add3A_339 : vector<12x128xi32>
    %select_n3A_341 = arith.select %lt3A_337, %add3A_340, %and3A_11 : vector<12x128xi1>, vector<12x128xi32>
    %reshape3A_342 = vector.shape_cast %select_n3A_341 : vector<12x128xi32> to vector<12x128x1xi32>
    %gather3A_343 = vector.shape_cast %reshape3A_342 : vector<12x128x1xi32> to vector<12x128xi32>
    %gather3A_344 = tpu.dynamic_gather %slice3A_334[%gather3A_343] in [1] : vector<12x128xf32>, vector<12x128xi32> -> vector<12x128xf32>
    %slice3A_345 = vector.extract_strided_slice %get3A_3 {offsets = [0, 3200], sizes = [12, 128], strides = [1, 1]} : vector<12x6144xf32> to vector<12x128xf32>
    %lt3A_346 = arith.constant 0 : i32
    %lt3A_347 = vector.broadcast %lt3A_346 : i32 to vector<12x128xi32>
    %lt3A_348 = arith.cmpi slt, %and3A_11, %lt3A_347 : vector<12x128xi32>
    %add3A_349 = arith.constant 128 : i32
    %add3A_350 = vector.broadcast %add3A_349 : i32 to vector<12x128xi32>
    %add3A_351 = arith.addi %and3A_11, %add3A_350 : vector<12x128xi32>
    %select_n3A_352 = arith.select %lt3A_348, %add3A_351, %and3A_11 : vector<12x128xi1>, vector<12x128xi32>
    %reshape3A_353 = vector.shape_cast %select_n3A_352 : vector<12x128xi32> to vector<12x128x1xi32>
    %gather3A_354 = vector.shape_cast %reshape3A_353 : vector<12x128x1xi32> to vector<12x128xi32>
    %gather3A_355 = tpu.dynamic_gather %slice3A_345[%gather3A_354] in [1] : vector<12x128xf32>, vector<12x128xi32> -> vector<12x128xf32>
    %slice3A_356 = vector.extract_strided_slice %get3A_3 {offsets = [0, 3328], sizes = [12, 128], strides = [1, 1]} : vector<12x6144xf32> to vector<12x128xf32>
    %lt3A_357 = arith.constant 0 : i32
    %lt3A_358 = vector.broadcast %lt3A_357 : i32 to vector<12x128xi32>
    %lt3A_359 = arith.cmpi slt, %and3A_11, %lt3A_358 : vector<12x128xi32>
    %add3A_360 = arith.constant 128 : i32
    %add3A_361 = vector.broadcast %add3A_360 : i32 to vector<12x128xi32>
    %add3A_362 = arith.addi %and3A_11, %add3A_361 : vector<12x128xi32>
    %select_n3A_363 = arith.select %lt3A_359, %add3A_362, %and3A_11 : vector<12x128xi1>, vector<12x128xi32>
    %reshape3A_364 = vector.shape_cast %select_n3A_363 : vector<12x128xi32> to vector<12x128x1xi32>
    %gather3A_365 = vector.shape_cast %reshape3A_364 : vector<12x128x1xi32> to vector<12x128xi32>
    %gather3A_366 = tpu.dynamic_gather %slice3A_356[%gather3A_365] in [1] : vector<12x128xf32>, vector<12x128xi32> -> vector<12x128xf32>
    %eq3A_367 = arith.constant 0 : i32
    %eq3A_368 = vector.broadcast %eq3A_367 : i32 to vector<12x128xi32>
    %eq3A_369 = arith.cmpi eq, %shift_right_arithmetic3A_9, %eq3A_368 : vector<12x128xi32>
    %eq3A_370 = arith.constant 1 : i32
    %eq3A_371 = vector.broadcast %eq3A_370 : i32 to vector<12x128xi32>
    %eq3A_372 = arith.cmpi eq, %shift_right_arithmetic3A_9, %eq3A_371 : vector<12x128xi32>
    %select_n3A_373 = arith.select %eq3A_372, %gather3A_355, %gather3A_366 : vector<12x128xi1>, vector<12x128xf32>
    %select_n3A_374 = arith.select %eq3A_369, %gather3A_344, %select_n3A_373 : vector<12x128xi1>, vector<12x128xf32>
    %slice3A_375 = vector.extract_strided_slice %get3A_3 {offsets = [0, 3456], sizes = [12, 128], strides = [1, 1]} : vector<12x6144xf32> to vector<12x128xf32>
    %lt3A_376 = arith.constant 0 : i32
    %lt3A_377 = vector.broadcast %lt3A_376 : i32 to vector<12x128xi32>
    %lt3A_378 = arith.cmpi slt, %and3A_11, %lt3A_377 : vector<12x128xi32>
    %add3A_379 = arith.constant 128 : i32
    %add3A_380 = vector.broadcast %add3A_379 : i32 to vector<12x128xi32>
    %add3A_381 = arith.addi %and3A_11, %add3A_380 : vector<12x128xi32>
    %select_n3A_382 = arith.select %lt3A_378, %add3A_381, %and3A_11 : vector<12x128xi1>, vector<12x128xi32>
    %reshape3A_383 = vector.shape_cast %select_n3A_382 : vector<12x128xi32> to vector<12x128x1xi32>
    %gather3A_384 = vector.shape_cast %reshape3A_383 : vector<12x128x1xi32> to vector<12x128xi32>
    %gather3A_385 = tpu.dynamic_gather %slice3A_375[%gather3A_384] in [1] : vector<12x128xf32>, vector<12x128xi32> -> vector<12x128xf32>
    %slice3A_386 = vector.extract_strided_slice %get3A_3 {offsets = [0, 3584], sizes = [12, 128], strides = [1, 1]} : vector<12x6144xf32> to vector<12x128xf32>
    %lt3A_387 = arith.constant 0 : i32
    %lt3A_388 = vector.broadcast %lt3A_387 : i32 to vector<12x128xi32>
    %lt3A_389 = arith.cmpi slt, %and3A_11, %lt3A_388 : vector<12x128xi32>
    %add3A_390 = arith.constant 128 : i32
    %add3A_391 = vector.broadcast %add3A_390 : i32 to vector<12x128xi32>
    %add3A_392 = arith.addi %and3A_11, %add3A_391 : vector<12x128xi32>
    %select_n3A_393 = arith.select %lt3A_389, %add3A_392, %and3A_11 : vector<12x128xi1>, vector<12x128xi32>
    %reshape3A_394 = vector.shape_cast %select_n3A_393 : vector<12x128xi32> to vector<12x128x1xi32>
    %gather3A_395 = vector.shape_cast %reshape3A_394 : vector<12x128x1xi32> to vector<12x128xi32>
    %gather3A_396 = tpu.dynamic_gather %slice3A_386[%gather3A_395] in [1] : vector<12x128xf32>, vector<12x128xi32> -> vector<12x128xf32>
    %slice3A_397 = vector.extract_strided_slice %get3A_3 {offsets = [0, 3712], sizes = [12, 128], strides = [1, 1]} : vector<12x6144xf32> to vector<12x128xf32>
    %lt3A_398 = arith.constant 0 : i32
    %lt3A_399 = vector.broadcast %lt3A_398 : i32 to vector<12x128xi32>
    %lt3A_400 = arith.cmpi slt, %and3A_11, %lt3A_399 : vector<12x128xi32>
    %add3A_401 = arith.constant 128 : i32
    %add3A_402 = vector.broadcast %add3A_401 : i32 to vector<12x128xi32>
    %add3A_403 = arith.addi %and3A_11, %add3A_402 : vector<12x128xi32>
    %select_n3A_404 = arith.select %lt3A_400, %add3A_403, %and3A_11 : vector<12x128xi1>, vector<12x128xi32>
    %reshape3A_405 = vector.shape_cast %select_n3A_404 : vector<12x128xi32> to vector<12x128x1xi32>
    %gather3A_406 = vector.shape_cast %reshape3A_405 : vector<12x128x1xi32> to vector<12x128xi32>
    %gather3A_407 = tpu.dynamic_gather %slice3A_397[%gather3A_406] in [1] : vector<12x128xf32>, vector<12x128xi32> -> vector<12x128xf32>
    %eq3A_408 = arith.constant 0 : i32
    %eq3A_409 = vector.broadcast %eq3A_408 : i32 to vector<12x128xi32>
    %eq3A_410 = arith.cmpi eq, %shift_right_arithmetic3A_9, %eq3A_409 : vector<12x128xi32>
    %eq3A_411 = arith.constant 1 : i32
    %eq3A_412 = vector.broadcast %eq3A_411 : i32 to vector<12x128xi32>
    %eq3A_413 = arith.cmpi eq, %shift_right_arithmetic3A_9, %eq3A_412 : vector<12x128xi32>
    %select_n3A_414 = arith.select %eq3A_413, %gather3A_396, %gather3A_407 : vector<12x128xi1>, vector<12x128xf32>
    %select_n3A_415 = arith.select %eq3A_410, %gather3A_385, %select_n3A_414 : vector<12x128xi1>, vector<12x128xf32>
    %slice3A_416 = vector.extract_strided_slice %get3A_3 {offsets = [0, 3840], sizes = [12, 128], strides = [1, 1]} : vector<12x6144xf32> to vector<12x128xf32>
    %lt3A_417 = arith.constant 0 : i32
    %lt3A_418 = vector.broadcast %lt3A_417 : i32 to vector<12x128xi32>
    %lt3A_419 = arith.cmpi slt, %and3A_11, %lt3A_418 : vector<12x128xi32>
    %add3A_420 = arith.constant 128 : i32
    %add3A_421 = vector.broadcast %add3A_420 : i32 to vector<12x128xi32>
    %add3A_422 = arith.addi %and3A_11, %add3A_421 : vector<12x128xi32>
    %select_n3A_423 = arith.select %lt3A_419, %add3A_422, %and3A_11 : vector<12x128xi1>, vector<12x128xi32>
    %reshape3A_424 = vector.shape_cast %select_n3A_423 : vector<12x128xi32> to vector<12x128x1xi32>
    %gather3A_425 = vector.shape_cast %reshape3A_424 : vector<12x128x1xi32> to vector<12x128xi32>
    %gather3A_426 = tpu.dynamic_gather %slice3A_416[%gather3A_425] in [1] : vector<12x128xf32>, vector<12x128xi32> -> vector<12x128xf32>
    %slice3A_427 = vector.extract_strided_slice %get3A_3 {offsets = [0, 3968], sizes = [12, 128], strides = [1, 1]} : vector<12x6144xf32> to vector<12x128xf32>
    %lt3A_428 = arith.constant 0 : i32
    %lt3A_429 = vector.broadcast %lt3A_428 : i32 to vector<12x128xi32>
    %lt3A_430 = arith.cmpi slt, %and3A_11, %lt3A_429 : vector<12x128xi32>
    %add3A_431 = arith.constant 128 : i32
    %add3A_432 = vector.broadcast %add3A_431 : i32 to vector<12x128xi32>
    %add3A_433 = arith.addi %and3A_11, %add3A_432 : vector<12x128xi32>
    %select_n3A_434 = arith.select %lt3A_430, %add3A_433, %and3A_11 : vector<12x128xi1>, vector<12x128xi32>
    %reshape3A_435 = vector.shape_cast %select_n3A_434 : vector<12x128xi32> to vector<12x128x1xi32>
    %gather3A_436 = vector.shape_cast %reshape3A_435 : vector<12x128x1xi32> to vector<12x128xi32>
    %gather3A_437 = tpu.dynamic_gather %slice3A_427[%gather3A_436] in [1] : vector<12x128xf32>, vector<12x128xi32> -> vector<12x128xf32>
    %slice3A_438 = vector.extract_strided_slice %get3A_3 {offsets = [0, 4096], sizes = [12, 128], strides = [1, 1]} : vector<12x6144xf32> to vector<12x128xf32>
    %lt3A_439 = arith.constant 0 : i32
    %lt3A_440 = vector.broadcast %lt3A_439 : i32 to vector<12x128xi32>
    %lt3A_441 = arith.cmpi slt, %and3A_11, %lt3A_440 : vector<12x128xi32>
    %add3A_442 = arith.constant 128 : i32
    %add3A_443 = vector.broadcast %add3A_442 : i32 to vector<12x128xi32>
    %add3A_444 = arith.addi %and3A_11, %add3A_443 : vector<12x128xi32>
    %select_n3A_445 = arith.select %lt3A_441, %add3A_444, %and3A_11 : vector<12x128xi1>, vector<12x128xi32>
    %reshape3A_446 = vector.shape_cast %select_n3A_445 : vector<12x128xi32> to vector<12x128x1xi32>
    %gather3A_447 = vector.shape_cast %reshape3A_446 : vector<12x128x1xi32> to vector<12x128xi32>
    %gather3A_448 = tpu.dynamic_gather %slice3A_438[%gather3A_447] in [1] : vector<12x128xf32>, vector<12x128xi32> -> vector<12x128xf32>
    %eq3A_449 = arith.constant 0 : i32
    %eq3A_450 = vector.broadcast %eq3A_449 : i32 to vector<12x128xi32>
    %eq3A_451 = arith.cmpi eq, %shift_right_arithmetic3A_9, %eq3A_450 : vector<12x128xi32>
    %eq3A_452 = arith.constant 1 : i32
    %eq3A_453 = vector.broadcast %eq3A_452 : i32 to vector<12x128xi32>
    %eq3A_454 = arith.cmpi eq, %shift_right_arithmetic3A_9, %eq3A_453 : vector<12x128xi32>
    %select_n3A_455 = arith.select %eq3A_454, %gather3A_437, %gather3A_448 : vector<12x128xi1>, vector<12x128xf32>
    %select_n3A_456 = arith.select %eq3A_451, %gather3A_426, %select_n3A_455 : vector<12x128xi1>, vector<12x128xf32>
    %slice3A_457 = vector.extract_strided_slice %get3A_3 {offsets = [0, 4224], sizes = [12, 128], strides = [1, 1]} : vector<12x6144xf32> to vector<12x128xf32>
    %lt3A_458 = arith.constant 0 : i32
    %lt3A_459 = vector.broadcast %lt3A_458 : i32 to vector<12x128xi32>
    %lt3A_460 = arith.cmpi slt, %and3A_11, %lt3A_459 : vector<12x128xi32>
    %add3A_461 = arith.constant 128 : i32
    %add3A_462 = vector.broadcast %add3A_461 : i32 to vector<12x128xi32>
    %add3A_463 = arith.addi %and3A_11, %add3A_462 : vector<12x128xi32>
    %select_n3A_464 = arith.select %lt3A_460, %add3A_463, %and3A_11 : vector<12x128xi1>, vector<12x128xi32>
    %reshape3A_465 = vector.shape_cast %select_n3A_464 : vector<12x128xi32> to vector<12x128x1xi32>
    %gather3A_466 = vector.shape_cast %reshape3A_465 : vector<12x128x1xi32> to vector<12x128xi32>
    %gather3A_467 = tpu.dynamic_gather %slice3A_457[%gather3A_466] in [1] : vector<12x128xf32>, vector<12x128xi32> -> vector<12x128xf32>
    %slice3A_468 = vector.extract_strided_slice %get3A_3 {offsets = [0, 4352], sizes = [12, 128], strides = [1, 1]} : vector<12x6144xf32> to vector<12x128xf32>
    %lt3A_469 = arith.constant 0 : i32
    %lt3A_470 = vector.broadcast %lt3A_469 : i32 to vector<12x128xi32>
    %lt3A_471 = arith.cmpi slt, %and3A_11, %lt3A_470 : vector<12x128xi32>
    %add3A_472 = arith.constant 128 : i32
    %add3A_473 = vector.broadcast %add3A_472 : i32 to vector<12x128xi32>
    %add3A_474 = arith.addi %and3A_11, %add3A_473 : vector<12x128xi32>
    %select_n3A_475 = arith.select %lt3A_471, %add3A_474, %and3A_11 : vector<12x128xi1>, vector<12x128xi32>
    %reshape3A_476 = vector.shape_cast %select_n3A_475 : vector<12x128xi32> to vector<12x128x1xi32>
    %gather3A_477 = vector.shape_cast %reshape3A_476 : vector<12x128x1xi32> to vector<12x128xi32>
    %gather3A_478 = tpu.dynamic_gather %slice3A_468[%gather3A_477] in [1] : vector<12x128xf32>, vector<12x128xi32> -> vector<12x128xf32>
    %slice3A_479 = vector.extract_strided_slice %get3A_3 {offsets = [0, 4480], sizes = [12, 128], strides = [1, 1]} : vector<12x6144xf32> to vector<12x128xf32>
    %lt3A_480 = arith.constant 0 : i32
    %lt3A_481 = vector.broadcast %lt3A_480 : i32 to vector<12x128xi32>
    %lt3A_482 = arith.cmpi slt, %and3A_11, %lt3A_481 : vector<12x128xi32>
    %add3A_483 = arith.constant 128 : i32
    %add3A_484 = vector.broadcast %add3A_483 : i32 to vector<12x128xi32>
    %add3A_485 = arith.addi %and3A_11, %add3A_484 : vector<12x128xi32>
    %select_n3A_486 = arith.select %lt3A_482, %add3A_485, %and3A_11 : vector<12x128xi1>, vector<12x128xi32>
    %reshape3A_487 = vector.shape_cast %select_n3A_486 : vector<12x128xi32> to vector<12x128x1xi32>
    %gather3A_488 = vector.shape_cast %reshape3A_487 : vector<12x128x1xi32> to vector<12x128xi32>
    %gather3A_489 = tpu.dynamic_gather %slice3A_479[%gather3A_488] in [1] : vector<12x128xf32>, vector<12x128xi32> -> vector<12x128xf32>
    %eq3A_490 = arith.constant 0 : i32
    %eq3A_491 = vector.broadcast %eq3A_490 : i32 to vector<12x128xi32>
    %eq3A_492 = arith.cmpi eq, %shift_right_arithmetic3A_9, %eq3A_491 : vector<12x128xi32>
    %eq3A_493 = arith.constant 1 : i32
    %eq3A_494 = vector.broadcast %eq3A_493 : i32 to vector<12x128xi32>
    %eq3A_495 = arith.cmpi eq, %shift_right_arithmetic3A_9, %eq3A_494 : vector<12x128xi32>
    %select_n3A_496 = arith.select %eq3A_495, %gather3A_478, %gather3A_489 : vector<12x128xi1>, vector<12x128xf32>
    %select_n3A_497 = arith.select %eq3A_492, %gather3A_467, %select_n3A_496 : vector<12x128xi1>, vector<12x128xf32>
    %slice3A_498 = vector.extract_strided_slice %get3A_3 {offsets = [0, 4608], sizes = [12, 128], strides = [1, 1]} : vector<12x6144xf32> to vector<12x128xf32>
    %lt3A_499 = arith.constant 0 : i32
    %lt3A_500 = vector.broadcast %lt3A_499 : i32 to vector<12x128xi32>
    %lt3A_501 = arith.cmpi slt, %and3A_11, %lt3A_500 : vector<12x128xi32>
    %add3A_502 = arith.constant 128 : i32
    %add3A_503 = vector.broadcast %add3A_502 : i32 to vector<12x128xi32>
    %add3A_504 = arith.addi %and3A_11, %add3A_503 : vector<12x128xi32>
    %select_n3A_505 = arith.select %lt3A_501, %add3A_504, %and3A_11 : vector<12x128xi1>, vector<12x128xi32>
    %reshape3A_506 = vector.shape_cast %select_n3A_505 : vector<12x128xi32> to vector<12x128x1xi32>
    %gather3A_507 = vector.shape_cast %reshape3A_506 : vector<12x128x1xi32> to vector<12x128xi32>
    %gather3A_508 = tpu.dynamic_gather %slice3A_498[%gather3A_507] in [1] : vector<12x128xf32>, vector<12x128xi32> -> vector<12x128xf32>
    %slice3A_509 = vector.extract_strided_slice %get3A_3 {offsets = [0, 4736], sizes = [12, 128], strides = [1, 1]} : vector<12x6144xf32> to vector<12x128xf32>
    %lt3A_510 = arith.constant 0 : i32
    %lt3A_511 = vector.broadcast %lt3A_510 : i32 to vector<12x128xi32>
    %lt3A_512 = arith.cmpi slt, %and3A_11, %lt3A_511 : vector<12x128xi32>
    %add3A_513 = arith.constant 128 : i32
    %add3A_514 = vector.broadcast %add3A_513 : i32 to vector<12x128xi32>
    %add3A_515 = arith.addi %and3A_11, %add3A_514 : vector<12x128xi32>
    %select_n3A_516 = arith.select %lt3A_512, %add3A_515, %and3A_11 : vector<12x128xi1>, vector<12x128xi32>
    %reshape3A_517 = vector.shape_cast %select_n3A_516 : vector<12x128xi32> to vector<12x128x1xi32>
    %gather3A_518 = vector.shape_cast %reshape3A_517 : vector<12x128x1xi32> to vector<12x128xi32>
    %gather3A_519 = tpu.dynamic_gather %slice3A_509[%gather3A_518] in [1] : vector<12x128xf32>, vector<12x128xi32> -> vector<12x128xf32>
    %slice3A_520 = vector.extract_strided_slice %get3A_3 {offsets = [0, 4864], sizes = [12, 128], strides = [1, 1]} : vector<12x6144xf32> to vector<12x128xf32>
    %lt3A_521 = arith.constant 0 : i32
    %lt3A_522 = vector.broadcast %lt3A_521 : i32 to vector<12x128xi32>
    %lt3A_523 = arith.cmpi slt, %and3A_11, %lt3A_522 : vector<12x128xi32>
    %add3A_524 = arith.constant 128 : i32
    %add3A_525 = vector.broadcast %add3A_524 : i32 to vector<12x128xi32>
    %add3A_526 = arith.addi %and3A_11, %add3A_525 : vector<12x128xi32>
    %select_n3A_527 = arith.select %lt3A_523, %add3A_526, %and3A_11 : vector<12x128xi1>, vector<12x128xi32>
    %reshape3A_528 = vector.shape_cast %select_n3A_527 : vector<12x128xi32> to vector<12x128x1xi32>
    %gather3A_529 = vector.shape_cast %reshape3A_528 : vector<12x128x1xi32> to vector<12x128xi32>
    %gather3A_530 = tpu.dynamic_gather %slice3A_520[%gather3A_529] in [1] : vector<12x128xf32>, vector<12x128xi32> -> vector<12x128xf32>
    %eq3A_531 = arith.constant 0 : i32
    %eq3A_532 = vector.broadcast %eq3A_531 : i32 to vector<12x128xi32>
    %eq3A_533 = arith.cmpi eq, %shift_right_arithmetic3A_9, %eq3A_532 : vector<12x128xi32>
    %eq3A_534 = arith.constant 1 : i32
    %eq3A_535 = vector.broadcast %eq3A_534 : i32 to vector<12x128xi32>
    %eq3A_536 = arith.cmpi eq, %shift_right_arithmetic3A_9, %eq3A_535 : vector<12x128xi32>
    %select_n3A_537 = arith.select %eq3A_536, %gather3A_519, %gather3A_530 : vector<12x128xi1>, vector<12x128xf32>
    %select_n3A_538 = arith.select %eq3A_533, %gather3A_508, %select_n3A_537 : vector<12x128xi1>, vector<12x128xf32>
    %slice3A_539 = vector.extract_strided_slice %get3A_3 {offsets = [0, 4992], sizes = [12, 128], strides = [1, 1]} : vector<12x6144xf32> to vector<12x128xf32>
    %lt3A_540 = arith.constant 0 : i32
    %lt3A_541 = vector.broadcast %lt3A_540 : i32 to vector<12x128xi32>
    %lt3A_542 = arith.cmpi slt, %and3A_11, %lt3A_541 : vector<12x128xi32>
    %add3A_543 = arith.constant 128 : i32
    %add3A_544 = vector.broadcast %add3A_543 : i32 to vector<12x128xi32>
    %add3A_545 = arith.addi %and3A_11, %add3A_544 : vector<12x128xi32>
    %select_n3A_546 = arith.select %lt3A_542, %add3A_545, %and3A_11 : vector<12x128xi1>, vector<12x128xi32>
    %reshape3A_547 = vector.shape_cast %select_n3A_546 : vector<12x128xi32> to vector<12x128x1xi32>
    %gather3A_548 = vector.shape_cast %reshape3A_547 : vector<12x128x1xi32> to vector<12x128xi32>
    %gather3A_549 = tpu.dynamic_gather %slice3A_539[%gather3A_548] in [1] : vector<12x128xf32>, vector<12x128xi32> -> vector<12x128xf32>
    %slice3A_550 = vector.extract_strided_slice %get3A_3 {offsets = [0, 5120], sizes = [12, 128], strides = [1, 1]} : vector<12x6144xf32> to vector<12x128xf32>
    %lt3A_551 = arith.constant 0 : i32
    %lt3A_552 = vector.broadcast %lt3A_551 : i32 to vector<12x128xi32>
    %lt3A_553 = arith.cmpi slt, %and3A_11, %lt3A_552 : vector<12x128xi32>
    %add3A_554 = arith.constant 128 : i32
    %add3A_555 = vector.broadcast %add3A_554 : i32 to vector<12x128xi32>
    %add3A_556 = arith.addi %and3A_11, %add3A_555 : vector<12x128xi32>
    %select_n3A_557 = arith.select %lt3A_553, %add3A_556, %and3A_11 : vector<12x128xi1>, vector<12x128xi32>
    %reshape3A_558 = vector.shape_cast %select_n3A_557 : vector<12x128xi32> to vector<12x128x1xi32>
    %gather3A_559 = vector.shape_cast %reshape3A_558 : vector<12x128x1xi32> to vector<12x128xi32>
    %gather3A_560 = tpu.dynamic_gather %slice3A_550[%gather3A_559] in [1] : vector<12x128xf32>, vector<12x128xi32> -> vector<12x128xf32>
    %slice3A_561 = vector.extract_strided_slice %get3A_3 {offsets = [0, 5248], sizes = [12, 128], strides = [1, 1]} : vector<12x6144xf32> to vector<12x128xf32>
    %lt3A_562 = arith.constant 0 : i32
    %lt3A_563 = vector.broadcast %lt3A_562 : i32 to vector<12x128xi32>
    %lt3A_564 = arith.cmpi slt, %and3A_11, %lt3A_563 : vector<12x128xi32>
    %add3A_565 = arith.constant 128 : i32
    %add3A_566 = vector.broadcast %add3A_565 : i32 to vector<12x128xi32>
    %add3A_567 = arith.addi %and3A_11, %add3A_566 : vector<12x128xi32>
    %select_n3A_568 = arith.select %lt3A_564, %add3A_567, %and3A_11 : vector<12x128xi1>, vector<12x128xi32>
    %reshape3A_569 = vector.shape_cast %select_n3A_568 : vector<12x128xi32> to vector<12x128x1xi32>
    %gather3A_570 = vector.shape_cast %reshape3A_569 : vector<12x128x1xi32> to vector<12x128xi32>
    %gather3A_571 = tpu.dynamic_gather %slice3A_561[%gather3A_570] in [1] : vector<12x128xf32>, vector<12x128xi32> -> vector<12x128xf32>
    %eq3A_572 = arith.constant 0 : i32
    %eq3A_573 = vector.broadcast %eq3A_572 : i32 to vector<12x128xi32>
    %eq3A_574 = arith.cmpi eq, %shift_right_arithmetic3A_9, %eq3A_573 : vector<12x128xi32>
    %eq3A_575 = arith.constant 1 : i32
    %eq3A_576 = vector.broadcast %eq3A_575 : i32 to vector<12x128xi32>
    %eq3A_577 = arith.cmpi eq, %shift_right_arithmetic3A_9, %eq3A_576 : vector<12x128xi32>
    %select_n3A_578 = arith.select %eq3A_577, %gather3A_560, %gather3A_571 : vector<12x128xi1>, vector<12x128xf32>
    %select_n3A_579 = arith.select %eq3A_574, %gather3A_549, %select_n3A_578 : vector<12x128xi1>, vector<12x128xf32>
    %slice3A_580 = vector.extract_strided_slice %get3A_3 {offsets = [0, 5376], sizes = [12, 128], strides = [1, 1]} : vector<12x6144xf32> to vector<12x128xf32>
    %lt3A_581 = arith.constant 0 : i32
    %lt3A_582 = vector.broadcast %lt3A_581 : i32 to vector<12x128xi32>
    %lt3A_583 = arith.cmpi slt, %and3A_11, %lt3A_582 : vector<12x128xi32>
    %add3A_584 = arith.constant 128 : i32
    %add3A_585 = vector.broadcast %add3A_584 : i32 to vector<12x128xi32>
    %add3A_586 = arith.addi %and3A_11, %add3A_585 : vector<12x128xi32>
    %select_n3A_587 = arith.select %lt3A_583, %add3A_586, %and3A_11 : vector<12x128xi1>, vector<12x128xi32>
    %reshape3A_588 = vector.shape_cast %select_n3A_587 : vector<12x128xi32> to vector<12x128x1xi32>
    %gather3A_589 = vector.shape_cast %reshape3A_588 : vector<12x128x1xi32> to vector<12x128xi32>
    %gather3A_590 = tpu.dynamic_gather %slice3A_580[%gather3A_589] in [1] : vector<12x128xf32>, vector<12x128xi32> -> vector<12x128xf32>
    %slice3A_591 = vector.extract_strided_slice %get3A_3 {offsets = [0, 5504], sizes = [12, 128], strides = [1, 1]} : vector<12x6144xf32> to vector<12x128xf32>
    %lt3A_592 = arith.constant 0 : i32
    %lt3A_593 = vector.broadcast %lt3A_592 : i32 to vector<12x128xi32>
    %lt3A_594 = arith.cmpi slt, %and3A_11, %lt3A_593 : vector<12x128xi32>
    %add3A_595 = arith.constant 128 : i32
    %add3A_596 = vector.broadcast %add3A_595 : i32 to vector<12x128xi32>
    %add3A_597 = arith.addi %and3A_11, %add3A_596 : vector<12x128xi32>
    %select_n3A_598 = arith.select %lt3A_594, %add3A_597, %and3A_11 : vector<12x128xi1>, vector<12x128xi32>
    %reshape3A_599 = vector.shape_cast %select_n3A_598 : vector<12x128xi32> to vector<12x128x1xi32>
    %gather3A_600 = vector.shape_cast %reshape3A_599 : vector<12x128x1xi32> to vector<12x128xi32>
    %gather3A_601 = tpu.dynamic_gather %slice3A_591[%gather3A_600] in [1] : vector<12x128xf32>, vector<12x128xi32> -> vector<12x128xf32>
    %slice3A_602 = vector.extract_strided_slice %get3A_3 {offsets = [0, 5632], sizes = [12, 128], strides = [1, 1]} : vector<12x6144xf32> to vector<12x128xf32>
    %lt3A_603 = arith.constant 0 : i32
    %lt3A_604 = vector.broadcast %lt3A_603 : i32 to vector<12x128xi32>
    %lt3A_605 = arith.cmpi slt, %and3A_11, %lt3A_604 : vector<12x128xi32>
    %add3A_606 = arith.constant 128 : i32
    %add3A_607 = vector.broadcast %add3A_606 : i32 to vector<12x128xi32>
    %add3A_608 = arith.addi %and3A_11, %add3A_607 : vector<12x128xi32>
    %select_n3A_609 = arith.select %lt3A_605, %add3A_608, %and3A_11 : vector<12x128xi1>, vector<12x128xi32>
    %reshape3A_610 = vector.shape_cast %select_n3A_609 : vector<12x128xi32> to vector<12x128x1xi32>
    %gather3A_611 = vector.shape_cast %reshape3A_610 : vector<12x128x1xi32> to vector<12x128xi32>
    %gather3A_612 = tpu.dynamic_gather %slice3A_602[%gather3A_611] in [1] : vector<12x128xf32>, vector<12x128xi32> -> vector<12x128xf32>
    %eq3A_613 = arith.constant 0 : i32
    %eq3A_614 = vector.broadcast %eq3A_613 : i32 to vector<12x128xi32>
    %eq3A_615 = arith.cmpi eq, %shift_right_arithmetic3A_9, %eq3A_614 : vector<12x128xi32>
    %eq3A_616 = arith.constant 1 : i32
    %eq3A_617 = vector.broadcast %eq3A_616 : i32 to vector<12x128xi32>
    %eq3A_618 = arith.cmpi eq, %shift_right_arithmetic3A_9, %eq3A_617 : vector<12x128xi32>
    %select_n3A_619 = arith.select %eq3A_618, %gather3A_601, %gather3A_612 : vector<12x128xi1>, vector<12x128xf32>
    %select_n3A_620 = arith.select %eq3A_615, %gather3A_590, %select_n3A_619 : vector<12x128xi1>, vector<12x128xf32>
    %slice3A_621 = vector.extract_strided_slice %get3A_3 {offsets = [0, 5760], sizes = [12, 128], strides = [1, 1]} : vector<12x6144xf32> to vector<12x128xf32>
    %lt3A_622 = arith.constant 0 : i32
    %lt3A_623 = vector.broadcast %lt3A_622 : i32 to vector<12x128xi32>
    %lt3A_624 = arith.cmpi slt, %and3A_11, %lt3A_623 : vector<12x128xi32>
    %add3A_625 = arith.constant 128 : i32
    %add3A_626 = vector.broadcast %add3A_625 : i32 to vector<12x128xi32>
    %add3A_627 = arith.addi %and3A_11, %add3A_626 : vector<12x128xi32>
    %select_n3A_628 = arith.select %lt3A_624, %add3A_627, %and3A_11 : vector<12x128xi1>, vector<12x128xi32>
    %reshape3A_629 = vector.shape_cast %select_n3A_628 : vector<12x128xi32> to vector<12x128x1xi32>
    %gather3A_630 = vector.shape_cast %reshape3A_629 : vector<12x128x1xi32> to vector<12x128xi32>
    %gather3A_631 = tpu.dynamic_gather %slice3A_621[%gather3A_630] in [1] : vector<12x128xf32>, vector<12x128xi32> -> vector<12x128xf32>
    %slice3A_632 = vector.extract_strided_slice %get3A_3 {offsets = [0, 5888], sizes = [12, 128], strides = [1, 1]} : vector<12x6144xf32> to vector<12x128xf32>
    %lt3A_633 = arith.constant 0 : i32
    %lt3A_634 = vector.broadcast %lt3A_633 : i32 to vector<12x128xi32>
    %lt3A_635 = arith.cmpi slt, %and3A_11, %lt3A_634 : vector<12x128xi32>
    %add3A_636 = arith.constant 128 : i32
    %add3A_637 = vector.broadcast %add3A_636 : i32 to vector<12x128xi32>
    %add3A_638 = arith.addi %and3A_11, %add3A_637 : vector<12x128xi32>
    %select_n3A_639 = arith.select %lt3A_635, %add3A_638, %and3A_11 : vector<12x128xi1>, vector<12x128xi32>
    %reshape3A_640 = vector.shape_cast %select_n3A_639 : vector<12x128xi32> to vector<12x128x1xi32>
    %gather3A_641 = vector.shape_cast %reshape3A_640 : vector<12x128x1xi32> to vector<12x128xi32>
    %gather3A_642 = tpu.dynamic_gather %slice3A_632[%gather3A_641] in [1] : vector<12x128xf32>, vector<12x128xi32> -> vector<12x128xf32>
    %slice3A_643 = vector.extract_strided_slice %get3A_3 {offsets = [0, 6016], sizes = [12, 128], strides = [1, 1]} : vector<12x6144xf32> to vector<12x128xf32>
    %lt3A_644 = arith.constant 0 : i32
    %lt3A_645 = vector.broadcast %lt3A_644 : i32 to vector<12x128xi32>
    %lt3A_646 = arith.cmpi slt, %and3A_11, %lt3A_645 : vector<12x128xi32>
    %add3A_647 = arith.constant 128 : i32
    %add3A_648 = vector.broadcast %add3A_647 : i32 to vector<12x128xi32>
    %add3A_649 = arith.addi %and3A_11, %add3A_648 : vector<12x128xi32>
    %select_n3A_650 = arith.select %lt3A_646, %add3A_649, %and3A_11 : vector<12x128xi1>, vector<12x128xi32>
    %reshape3A_651 = vector.shape_cast %select_n3A_650 : vector<12x128xi32> to vector<12x128x1xi32>
    %gather3A_652 = vector.shape_cast %reshape3A_651 : vector<12x128x1xi32> to vector<12x128xi32>
    %gather3A_653 = tpu.dynamic_gather %slice3A_643[%gather3A_652] in [1] : vector<12x128xf32>, vector<12x128xi32> -> vector<12x128xf32>
    %eq3A_654 = arith.constant 0 : i32
    %eq3A_655 = vector.broadcast %eq3A_654 : i32 to vector<12x128xi32>
    %eq3A_656 = arith.cmpi eq, %shift_right_arithmetic3A_9, %eq3A_655 : vector<12x128xi32>
    %eq3A_657 = arith.constant 1 : i32
    %eq3A_658 = vector.broadcast %eq3A_657 : i32 to vector<12x128xi32>
    %eq3A_659 = arith.cmpi eq, %shift_right_arithmetic3A_9, %eq3A_658 : vector<12x128xi32>
    %select_n3A_660 = arith.select %eq3A_659, %gather3A_642, %gather3A_653 : vector<12x128xi1>, vector<12x128xf32>
    %select_n3A_661 = arith.select %eq3A_656, %gather3A_631, %select_n3A_660 : vector<12x128xi1>, vector<12x128xf32>
    %concatenate3A = tpu.concatenate %select_n3A_46, %select_n3A_87, %select_n3A_128, %select_n3A_169, %select_n3A_210, %select_n3A_251, %select_n3A_292, %select_n3A_333, %select_n3A_374, %select_n3A_415, %select_n3A_456, %select_n3A_497, %select_n3A_538, %select_n3A_579, %select_n3A_620, %select_n3A_661 in 1 : vector<12x128xf32>, vector<12x128xf32>, vector<12x128xf32>, vector<12x128xf32>, vector<12x128xf32>, vector<12x128xf32>, vector<12x128xf32>, vector<12x128xf32>, vector<12x128xf32>, vector<12x128xf32>, vector<12x128xf32>, vector<12x128xf32>, vector<12x128xf32>, vector<12x128xf32>, vector<12x128xf32>, vector<12x128xf32> -> vector<12x2048xf32>
    %mul3A_662 = arith.constant 3 : i32
    %mul3A_663 = vector.broadcast %mul3A_662 : i32 to vector<12x128xi32>
    %mul3A_664 = arith.muli %mul3A_663, %iota3A : vector<12x128xi32>
    %add3A_665 = arith.constant 1 : i32
    %add3A_666 = vector.broadcast %add3A_665 : i32 to vector<12x128xi32>
    %add3A_667 = arith.addi %mul3A_664, %add3A_666 : vector<12x128xi32>
    %shift_right_arithmetic3A_668 = arith.constant 7 : i32
    %shift_right_arithmetic3A_669 = vector.broadcast %shift_right_arithmetic3A_668 : i32 to vector<12x128xi32>
    %shift_right_arithmetic3A_670 = arith.shrsi %add3A_667, %shift_right_arithmetic3A_669 : vector<12x128xi32>
    %and3A_671 = arith.constant 127 : i32
    %and3A_672 = vector.broadcast %and3A_671 : i32 to vector<12x128xi32>
    %and3A_673 = arith.andi %add3A_667, %and3A_672 : vector<12x128xi32>
    %slice3A_674 = vector.extract_strided_slice %get3A_3 {offsets = [0, 0], sizes = [12, 128], strides = [1, 1]} : vector<12x6144xf32> to vector<12x128xf32>
    %lt3A_675 = arith.constant 0 : i32
    %lt3A_676 = vector.broadcast %lt3A_675 : i32 to vector<12x128xi32>
    %lt3A_677 = arith.cmpi slt, %and3A_673, %lt3A_676 : vector<12x128xi32>
    %add3A_678 = arith.constant 128 : i32
    %add3A_679 = vector.broadcast %add3A_678 : i32 to vector<12x128xi32>
    %add3A_680 = arith.addi %and3A_673, %add3A_679 : vector<12x128xi32>
    %select_n3A_681 = arith.select %lt3A_677, %add3A_680, %and3A_673 : vector<12x128xi1>, vector<12x128xi32>
    %reshape3A_682 = vector.shape_cast %select_n3A_681 : vector<12x128xi32> to vector<12x128x1xi32>
    %gather3A_683 = vector.shape_cast %reshape3A_682 : vector<12x128x1xi32> to vector<12x128xi32>
    %gather3A_684 = tpu.dynamic_gather %slice3A_674[%gather3A_683] in [1] : vector<12x128xf32>, vector<12x128xi32> -> vector<12x128xf32>
    %slice3A_685 = vector.extract_strided_slice %get3A_3 {offsets = [0, 128], sizes = [12, 128], strides = [1, 1]} : vector<12x6144xf32> to vector<12x128xf32>
    %lt3A_686 = arith.constant 0 : i32
    %lt3A_687 = vector.broadcast %lt3A_686 : i32 to vector<12x128xi32>
    %lt3A_688 = arith.cmpi slt, %and3A_673, %lt3A_687 : vector<12x128xi32>
    %add3A_689 = arith.constant 128 : i32
    %add3A_690 = vector.broadcast %add3A_689 : i32 to vector<12x128xi32>
    %add3A_691 = arith.addi %and3A_673, %add3A_690 : vector<12x128xi32>
    %select_n3A_692 = arith.select %lt3A_688, %add3A_691, %and3A_673 : vector<12x128xi1>, vector<12x128xi32>
    %reshape3A_693 = vector.shape_cast %select_n3A_692 : vector<12x128xi32> to vector<12x128x1xi32>
    %gather3A_694 = vector.shape_cast %reshape3A_693 : vector<12x128x1xi32> to vector<12x128xi32>
    %gather3A_695 = tpu.dynamic_gather %slice3A_685[%gather3A_694] in [1] : vector<12x128xf32>, vector<12x128xi32> -> vector<12x128xf32>
    %slice3A_696 = vector.extract_strided_slice %get3A_3 {offsets = [0, 256], sizes = [12, 128], strides = [1, 1]} : vector<12x6144xf32> to vector<12x128xf32>
    %lt3A_697 = arith.constant 0 : i32
    %lt3A_698 = vector.broadcast %lt3A_697 : i32 to vector<12x128xi32>
    %lt3A_699 = arith.cmpi slt, %and3A_673, %lt3A_698 : vector<12x128xi32>
    %add3A_700 = arith.constant 128 : i32
    %add3A_701 = vector.broadcast %add3A_700 : i32 to vector<12x128xi32>
    %add3A_702 = arith.addi %and3A_673, %add3A_701 : vector<12x128xi32>
    %select_n3A_703 = arith.select %lt3A_699, %add3A_702, %and3A_673 : vector<12x128xi1>, vector<12x128xi32>
    %reshape3A_704 = vector.shape_cast %select_n3A_703 : vector<12x128xi32> to vector<12x128x1xi32>
    %gather3A_705 = vector.shape_cast %reshape3A_704 : vector<12x128x1xi32> to vector<12x128xi32>
    %gather3A_706 = tpu.dynamic_gather %slice3A_696[%gather3A_705] in [1] : vector<12x128xf32>, vector<12x128xi32> -> vector<12x128xf32>
    %eq3A_707 = arith.constant 0 : i32
    %eq3A_708 = vector.broadcast %eq3A_707 : i32 to vector<12x128xi32>
    %eq3A_709 = arith.cmpi eq, %shift_right_arithmetic3A_670, %eq3A_708 : vector<12x128xi32>
    %eq3A_710 = arith.constant 1 : i32
    %eq3A_711 = vector.broadcast %eq3A_710 : i32 to vector<12x128xi32>
    %eq3A_712 = arith.cmpi eq, %shift_right_arithmetic3A_670, %eq3A_711 : vector<12x128xi32>
    %select_n3A_713 = arith.select %eq3A_712, %gather3A_695, %gather3A_706 : vector<12x128xi1>, vector<12x128xf32>
    %select_n3A_714 = arith.select %eq3A_709, %gather3A_684, %select_n3A_713 : vector<12x128xi1>, vector<12x128xf32>
    %slice3A_715 = vector.extract_strided_slice %get3A_3 {offsets = [0, 384], sizes = [12, 128], strides = [1, 1]} : vector<12x6144xf32> to vector<12x128xf32>
    %lt3A_716 = arith.constant 0 : i32
    %lt3A_717 = vector.broadcast %lt3A_716 : i32 to vector<12x128xi32>
    %lt3A_718 = arith.cmpi slt, %and3A_673, %lt3A_717 : vector<12x128xi32>
    %add3A_719 = arith.constant 128 : i32
    %add3A_720 = vector.broadcast %add3A_719 : i32 to vector<12x128xi32>
    %add3A_721 = arith.addi %and3A_673, %add3A_720 : vector<12x128xi32>
    %select_n3A_722 = arith.select %lt3A_718, %add3A_721, %and3A_673 : vector<12x128xi1>, vector<12x128xi32>
    %reshape3A_723 = vector.shape_cast %select_n3A_722 : vector<12x128xi32> to vector<12x128x1xi32>
    %gather3A_724 = vector.shape_cast %reshape3A_723 : vector<12x128x1xi32> to vector<12x128xi32>
    %gather3A_725 = tpu.dynamic_gather %slice3A_715[%gather3A_724] in [1] : vector<12x128xf32>, vector<12x128xi32> -> vector<12x128xf32>
    %slice3A_726 = vector.extract_strided_slice %get3A_3 {offsets = [0, 512], sizes = [12, 128], strides = [1, 1]} : vector<12x6144xf32> to vector<12x128xf32>
    %lt3A_727 = arith.constant 0 : i32
    %lt3A_728 = vector.broadcast %lt3A_727 : i32 to vector<12x128xi32>
    %lt3A_729 = arith.cmpi slt, %and3A_673, %lt3A_728 : vector<12x128xi32>
    %add3A_730 = arith.constant 128 : i32
    %add3A_731 = vector.broadcast %add3A_730 : i32 to vector<12x128xi32>
    %add3A_732 = arith.addi %and3A_673, %add3A_731 : vector<12x128xi32>
    %select_n3A_733 = arith.select %lt3A_729, %add3A_732, %and3A_673 : vector<12x128xi1>, vector<12x128xi32>
    %reshape3A_734 = vector.shape_cast %select_n3A_733 : vector<12x128xi32> to vector<12x128x1xi32>
    %gather3A_735 = vector.shape_cast %reshape3A_734 : vector<12x128x1xi32> to vector<12x128xi32>
    %gather3A_736 = tpu.dynamic_gather %slice3A_726[%gather3A_735] in [1] : vector<12x128xf32>, vector<12x128xi32> -> vector<12x128xf32>
    %slice3A_737 = vector.extract_strided_slice %get3A_3 {offsets = [0, 640], sizes = [12, 128], strides = [1, 1]} : vector<12x6144xf32> to vector<12x128xf32>
    %lt3A_738 = arith.constant 0 : i32
    %lt3A_739 = vector.broadcast %lt3A_738 : i32 to vector<12x128xi32>
    %lt3A_740 = arith.cmpi slt, %and3A_673, %lt3A_739 : vector<12x128xi32>
    %add3A_741 = arith.constant 128 : i32
    %add3A_742 = vector.broadcast %add3A_741 : i32 to vector<12x128xi32>
    %add3A_743 = arith.addi %and3A_673, %add3A_742 : vector<12x128xi32>
    %select_n3A_744 = arith.select %lt3A_740, %add3A_743, %and3A_673 : vector<12x128xi1>, vector<12x128xi32>
    %reshape3A_745 = vector.shape_cast %select_n3A_744 : vector<12x128xi32> to vector<12x128x1xi32>
    %gather3A_746 = vector.shape_cast %reshape3A_745 : vector<12x128x1xi32> to vector<12x128xi32>
    %gather3A_747 = tpu.dynamic_gather %slice3A_737[%gather3A_746] in [1] : vector<12x128xf32>, vector<12x128xi32> -> vector<12x128xf32>
    %eq3A_748 = arith.constant 0 : i32
    %eq3A_749 = vector.broadcast %eq3A_748 : i32 to vector<12x128xi32>
    %eq3A_750 = arith.cmpi eq, %shift_right_arithmetic3A_670, %eq3A_749 : vector<12x128xi32>
    %eq3A_751 = arith.constant 1 : i32
    %eq3A_752 = vector.broadcast %eq3A_751 : i32 to vector<12x128xi32>
    %eq3A_753 = arith.cmpi eq, %shift_right_arithmetic3A_670, %eq3A_752 : vector<12x128xi32>
    %select_n3A_754 = arith.select %eq3A_753, %gather3A_736, %gather3A_747 : vector<12x128xi1>, vector<12x128xf32>
    %select_n3A_755 = arith.select %eq3A_750, %gather3A_725, %select_n3A_754 : vector<12x128xi1>, vector<12x128xf32>
    %slice3A_756 = vector.extract_strided_slice %get3A_3 {offsets = [0, 768], sizes = [12, 128], strides = [1, 1]} : vector<12x6144xf32> to vector<12x128xf32>
    %lt3A_757 = arith.constant 0 : i32
    %lt3A_758 = vector.broadcast %lt3A_757 : i32 to vector<12x128xi32>
    %lt3A_759 = arith.cmpi slt, %and3A_673, %lt3A_758 : vector<12x128xi32>
    %add3A_760 = arith.constant 128 : i32
    %add3A_761 = vector.broadcast %add3A_760 : i32 to vector<12x128xi32>
    %add3A_762 = arith.addi %and3A_673, %add3A_761 : vector<12x128xi32>
    %select_n3A_763 = arith.select %lt3A_759, %add3A_762, %and3A_673 : vector<12x128xi1>, vector<12x128xi32>
    %reshape3A_764 = vector.shape_cast %select_n3A_763 : vector<12x128xi32> to vector<12x128x1xi32>
    %gather3A_765 = vector.shape_cast %reshape3A_764 : vector<12x128x1xi32> to vector<12x128xi32>
    %gather3A_766 = tpu.dynamic_gather %slice3A_756[%gather3A_765] in [1] : vector<12x128xf32>, vector<12x128xi32> -> vector<12x128xf32>
    %slice3A_767 = vector.extract_strided_slice %get3A_3 {offsets = [0, 896], sizes = [12, 128], strides = [1, 1]} : vector<12x6144xf32> to vector<12x128xf32>
    %lt3A_768 = arith.constant 0 : i32
    %lt3A_769 = vector.broadcast %lt3A_768 : i32 to vector<12x128xi32>
    %lt3A_770 = arith.cmpi slt, %and3A_673, %lt3A_769 : vector<12x128xi32>
    %add3A_771 = arith.constant 128 : i32
    %add3A_772 = vector.broadcast %add3A_771 : i32 to vector<12x128xi32>
    %add3A_773 = arith.addi %and3A_673, %add3A_772 : vector<12x128xi32>
    %select_n3A_774 = arith.select %lt3A_770, %add3A_773, %and3A_673 : vector<12x128xi1>, vector<12x128xi32>
    %reshape3A_775 = vector.shape_cast %select_n3A_774 : vector<12x128xi32> to vector<12x128x1xi32>
    %gather3A_776 = vector.shape_cast %reshape3A_775 : vector<12x128x1xi32> to vector<12x128xi32>
    %gather3A_777 = tpu.dynamic_gather %slice3A_767[%gather3A_776] in [1] : vector<12x128xf32>, vector<12x128xi32> -> vector<12x128xf32>
    %slice3A_778 = vector.extract_strided_slice %get3A_3 {offsets = [0, 1024], sizes = [12, 128], strides = [1, 1]} : vector<12x6144xf32> to vector<12x128xf32>
    %lt3A_779 = arith.constant 0 : i32
    %lt3A_780 = vector.broadcast %lt3A_779 : i32 to vector<12x128xi32>
    %lt3A_781 = arith.cmpi slt, %and3A_673, %lt3A_780 : vector<12x128xi32>
    %add3A_782 = arith.constant 128 : i32
    %add3A_783 = vector.broadcast %add3A_782 : i32 to vector<12x128xi32>
    %add3A_784 = arith.addi %and3A_673, %add3A_783 : vector<12x128xi32>
    %select_n3A_785 = arith.select %lt3A_781, %add3A_784, %and3A_673 : vector<12x128xi1>, vector<12x128xi32>
    %reshape3A_786 = vector.shape_cast %select_n3A_785 : vector<12x128xi32> to vector<12x128x1xi32>
    %gather3A_787 = vector.shape_cast %reshape3A_786 : vector<12x128x1xi32> to vector<12x128xi32>
    %gather3A_788 = tpu.dynamic_gather %slice3A_778[%gather3A_787] in [1] : vector<12x128xf32>, vector<12x128xi32> -> vector<12x128xf32>
    %eq3A_789 = arith.constant 0 : i32
    %eq3A_790 = vector.broadcast %eq3A_789 : i32 to vector<12x128xi32>
    %eq3A_791 = arith.cmpi eq, %shift_right_arithmetic3A_670, %eq3A_790 : vector<12x128xi32>
    %eq3A_792 = arith.constant 1 : i32
    %eq3A_793 = vector.broadcast %eq3A_792 : i32 to vector<12x128xi32>
    %eq3A_794 = arith.cmpi eq, %shift_right_arithmetic3A_670, %eq3A_793 : vector<12x128xi32>
    %select_n3A_795 = arith.select %eq3A_794, %gather3A_777, %gather3A_788 : vector<12x128xi1>, vector<12x128xf32>
    %select_n3A_796 = arith.select %eq3A_791, %gather3A_766, %select_n3A_795 : vector<12x128xi1>, vector<12x128xf32>
    %slice3A_797 = vector.extract_strided_slice %get3A_3 {offsets = [0, 1152], sizes = [12, 128], strides = [1, 1]} : vector<12x6144xf32> to vector<12x128xf32>
    %lt3A_798 = arith.constant 0 : i32
    %lt3A_799 = vector.broadcast %lt3A_798 : i32 to vector<12x128xi32>
    %lt3A_800 = arith.cmpi slt, %and3A_673, %lt3A_799 : vector<12x128xi32>
    %add3A_801 = arith.constant 128 : i32
    %add3A_802 = vector.broadcast %add3A_801 : i32 to vector<12x128xi32>
    %add3A_803 = arith.addi %and3A_673, %add3A_802 : vector<12x128xi32>
    %select_n3A_804 = arith.select %lt3A_800, %add3A_803, %and3A_673 : vector<12x128xi1>, vector<12x128xi32>
    %reshape3A_805 = vector.shape_cast %select_n3A_804 : vector<12x128xi32> to vector<12x128x1xi32>
    %gather3A_806 = vector.shape_cast %reshape3A_805 : vector<12x128x1xi32> to vector<12x128xi32>
    %gather3A_807 = tpu.dynamic_gather %slice3A_797[%gather3A_806] in [1] : vector<12x128xf32>, vector<12x128xi32> -> vector<12x128xf32>
    %slice3A_808 = vector.extract_strided_slice %get3A_3 {offsets = [0, 1280], sizes = [12, 128], strides = [1, 1]} : vector<12x6144xf32> to vector<12x128xf32>
    %lt3A_809 = arith.constant 0 : i32
    %lt3A_810 = vector.broadcast %lt3A_809 : i32 to vector<12x128xi32>
    %lt3A_811 = arith.cmpi slt, %and3A_673, %lt3A_810 : vector<12x128xi32>
    %add3A_812 = arith.constant 128 : i32
    %add3A_813 = vector.broadcast %add3A_812 : i32 to vector<12x128xi32>
    %add3A_814 = arith.addi %and3A_673, %add3A_813 : vector<12x128xi32>
    %select_n3A_815 = arith.select %lt3A_811, %add3A_814, %and3A_673 : vector<12x128xi1>, vector<12x128xi32>
    %reshape3A_816 = vector.shape_cast %select_n3A_815 : vector<12x128xi32> to vector<12x128x1xi32>
    %gather3A_817 = vector.shape_cast %reshape3A_816 : vector<12x128x1xi32> to vector<12x128xi32>
    %gather3A_818 = tpu.dynamic_gather %slice3A_808[%gather3A_817] in [1] : vector<12x128xf32>, vector<12x128xi32> -> vector<12x128xf32>
    %slice3A_819 = vector.extract_strided_slice %get3A_3 {offsets = [0, 1408], sizes = [12, 128], strides = [1, 1]} : vector<12x6144xf32> to vector<12x128xf32>
    %lt3A_820 = arith.constant 0 : i32
    %lt3A_821 = vector.broadcast %lt3A_820 : i32 to vector<12x128xi32>
    %lt3A_822 = arith.cmpi slt, %and3A_673, %lt3A_821 : vector<12x128xi32>
    %add3A_823 = arith.constant 128 : i32
    %add3A_824 = vector.broadcast %add3A_823 : i32 to vector<12x128xi32>
    %add3A_825 = arith.addi %and3A_673, %add3A_824 : vector<12x128xi32>
    %select_n3A_826 = arith.select %lt3A_822, %add3A_825, %and3A_673 : vector<12x128xi1>, vector<12x128xi32>
    %reshape3A_827 = vector.shape_cast %select_n3A_826 : vector<12x128xi32> to vector<12x128x1xi32>
    %gather3A_828 = vector.shape_cast %reshape3A_827 : vector<12x128x1xi32> to vector<12x128xi32>
    %gather3A_829 = tpu.dynamic_gather %slice3A_819[%gather3A_828] in [1] : vector<12x128xf32>, vector<12x128xi32> -> vector<12x128xf32>
    %eq3A_830 = arith.constant 0 : i32
    %eq3A_831 = vector.broadcast %eq3A_830 : i32 to vector<12x128xi32>
    %eq3A_832 = arith.cmpi eq, %shift_right_arithmetic3A_670, %eq3A_831 : vector<12x128xi32>
    %eq3A_833 = arith.constant 1 : i32
    %eq3A_834 = vector.broadcast %eq3A_833 : i32 to vector<12x128xi32>
    %eq3A_835 = arith.cmpi eq, %shift_right_arithmetic3A_670, %eq3A_834 : vector<12x128xi32>
    %select_n3A_836 = arith.select %eq3A_835, %gather3A_818, %gather3A_829 : vector<12x128xi1>, vector<12x128xf32>
    %select_n3A_837 = arith.select %eq3A_832, %gather3A_807, %select_n3A_836 : vector<12x128xi1>, vector<12x128xf32>
    %slice3A_838 = vector.extract_strided_slice %get3A_3 {offsets = [0, 1536], sizes = [12, 128], strides = [1, 1]} : vector<12x6144xf32> to vector<12x128xf32>
    %lt3A_839 = arith.constant 0 : i32
    %lt3A_840 = vector.broadcast %lt3A_839 : i32 to vector<12x128xi32>
    %lt3A_841 = arith.cmpi slt, %and3A_673, %lt3A_840 : vector<12x128xi32>
    %add3A_842 = arith.constant 128 : i32
    %add3A_843 = vector.broadcast %add3A_842 : i32 to vector<12x128xi32>
    %add3A_844 = arith.addi %and3A_673, %add3A_843 : vector<12x128xi32>
    %select_n3A_845 = arith.select %lt3A_841, %add3A_844, %and3A_673 : vector<12x128xi1>, vector<12x128xi32>
    %reshape3A_846 = vector.shape_cast %select_n3A_845 : vector<12x128xi32> to vector<12x128x1xi32>
    %gather3A_847 = vector.shape_cast %reshape3A_846 : vector<12x128x1xi32> to vector<12x128xi32>
    %gather3A_848 = tpu.dynamic_gather %slice3A_838[%gather3A_847] in [1] : vector<12x128xf32>, vector<12x128xi32> -> vector<12x128xf32>
    %slice3A_849 = vector.extract_strided_slice %get3A_3 {offsets = [0, 1664], sizes = [12, 128], strides = [1, 1]} : vector<12x6144xf32> to vector<12x128xf32>
    %lt3A_850 = arith.constant 0 : i32
    %lt3A_851 = vector.broadcast %lt3A_850 : i32 to vector<12x128xi32>
    %lt3A_852 = arith.cmpi slt, %and3A_673, %lt3A_851 : vector<12x128xi32>
    %add3A_853 = arith.constant 128 : i32
    %add3A_854 = vector.broadcast %add3A_853 : i32 to vector<12x128xi32>
    %add3A_855 = arith.addi %and3A_673, %add3A_854 : vector<12x128xi32>
    %select_n3A_856 = arith.select %lt3A_852, %add3A_855, %and3A_673 : vector<12x128xi1>, vector<12x128xi32>
    %reshape3A_857 = vector.shape_cast %select_n3A_856 : vector<12x128xi32> to vector<12x128x1xi32>
    %gather3A_858 = vector.shape_cast %reshape3A_857 : vector<12x128x1xi32> to vector<12x128xi32>
    %gather3A_859 = tpu.dynamic_gather %slice3A_849[%gather3A_858] in [1] : vector<12x128xf32>, vector<12x128xi32> -> vector<12x128xf32>
    %slice3A_860 = vector.extract_strided_slice %get3A_3 {offsets = [0, 1792], sizes = [12, 128], strides = [1, 1]} : vector<12x6144xf32> to vector<12x128xf32>
    %lt3A_861 = arith.constant 0 : i32
    %lt3A_862 = vector.broadcast %lt3A_861 : i32 to vector<12x128xi32>
    %lt3A_863 = arith.cmpi slt, %and3A_673, %lt3A_862 : vector<12x128xi32>
    %add3A_864 = arith.constant 128 : i32
    %add3A_865 = vector.broadcast %add3A_864 : i32 to vector<12x128xi32>
    %add3A_866 = arith.addi %and3A_673, %add3A_865 : vector<12x128xi32>
    %select_n3A_867 = arith.select %lt3A_863, %add3A_866, %and3A_673 : vector<12x128xi1>, vector<12x128xi32>
    %reshape3A_868 = vector.shape_cast %select_n3A_867 : vector<12x128xi32> to vector<12x128x1xi32>
    %gather3A_869 = vector.shape_cast %reshape3A_868 : vector<12x128x1xi32> to vector<12x128xi32>
    %gather3A_870 = tpu.dynamic_gather %slice3A_860[%gather3A_869] in [1] : vector<12x128xf32>, vector<12x128xi32> -> vector<12x128xf32>
    %eq3A_871 = arith.constant 0 : i32
    %eq3A_872 = vector.broadcast %eq3A_871 : i32 to vector<12x128xi32>
    %eq3A_873 = arith.cmpi eq, %shift_right_arithmetic3A_670, %eq3A_872 : vector<12x128xi32>
    %eq3A_874 = arith.constant 1 : i32
    %eq3A_875 = vector.broadcast %eq3A_874 : i32 to vector<12x128xi32>
    %eq3A_876 = arith.cmpi eq, %shift_right_arithmetic3A_670, %eq3A_875 : vector<12x128xi32>
    %select_n3A_877 = arith.select %eq3A_876, %gather3A_859, %gather3A_870 : vector<12x128xi1>, vector<12x128xf32>
    %select_n3A_878 = arith.select %eq3A_873, %gather3A_848, %select_n3A_877 : vector<12x128xi1>, vector<12x128xf32>
    %slice3A_879 = vector.extract_strided_slice %get3A_3 {offsets = [0, 1920], sizes = [12, 128], strides = [1, 1]} : vector<12x6144xf32> to vector<12x128xf32>
    %lt3A_880 = arith.constant 0 : i32
    %lt3A_881 = vector.broadcast %lt3A_880 : i32 to vector<12x128xi32>
    %lt3A_882 = arith.cmpi slt, %and3A_673, %lt3A_881 : vector<12x128xi32>
    %add3A_883 = arith.constant 128 : i32
    %add3A_884 = vector.broadcast %add3A_883 : i32 to vector<12x128xi32>
    %add3A_885 = arith.addi %and3A_673, %add3A_884 : vector<12x128xi32>
    %select_n3A_886 = arith.select %lt3A_882, %add3A_885, %and3A_673 : vector<12x128xi1>, vector<12x128xi32>
    %reshape3A_887 = vector.shape_cast %select_n3A_886 : vector<12x128xi32> to vector<12x128x1xi32>
    %gather3A_888 = vector.shape_cast %reshape3A_887 : vector<12x128x1xi32> to vector<12x128xi32>
    %gather3A_889 = tpu.dynamic_gather %slice3A_879[%gather3A_888] in [1] : vector<12x128xf32>, vector<12x128xi32> -> vector<12x128xf32>
    %slice3A_890 = vector.extract_strided_slice %get3A_3 {offsets = [0, 2048], sizes = [12, 128], strides = [1, 1]} : vector<12x6144xf32> to vector<12x128xf32>
    %lt3A_891 = arith.constant 0 : i32
    %lt3A_892 = vector.broadcast %lt3A_891 : i32 to vector<12x128xi32>
    %lt3A_893 = arith.cmpi slt, %and3A_673, %lt3A_892 : vector<12x128xi32>
    %add3A_894 = arith.constant 128 : i32
    %add3A_895 = vector.broadcast %add3A_894 : i32 to vector<12x128xi32>
    %add3A_896 = arith.addi %and3A_673, %add3A_895 : vector<12x128xi32>
    %select_n3A_897 = arith.select %lt3A_893, %add3A_896, %and3A_673 : vector<12x128xi1>, vector<12x128xi32>
    %reshape3A_898 = vector.shape_cast %select_n3A_897 : vector<12x128xi32> to vector<12x128x1xi32>
    %gather3A_899 = vector.shape_cast %reshape3A_898 : vector<12x128x1xi32> to vector<12x128xi32>
    %gather3A_900 = tpu.dynamic_gather %slice3A_890[%gather3A_899] in [1] : vector<12x128xf32>, vector<12x128xi32> -> vector<12x128xf32>
    %slice3A_901 = vector.extract_strided_slice %get3A_3 {offsets = [0, 2176], sizes = [12, 128], strides = [1, 1]} : vector<12x6144xf32> to vector<12x128xf32>
    %lt3A_902 = arith.constant 0 : i32
    %lt3A_903 = vector.broadcast %lt3A_902 : i32 to vector<12x128xi32>
    %lt3A_904 = arith.cmpi slt, %and3A_673, %lt3A_903 : vector<12x128xi32>
    %add3A_905 = arith.constant 128 : i32
    %add3A_906 = vector.broadcast %add3A_905 : i32 to vector<12x128xi32>
    %add3A_907 = arith.addi %and3A_673, %add3A_906 : vector<12x128xi32>
    %select_n3A_908 = arith.select %lt3A_904, %add3A_907, %and3A_673 : vector<12x128xi1>, vector<12x128xi32>
    %reshape3A_909 = vector.shape_cast %select_n3A_908 : vector<12x128xi32> to vector<12x128x1xi32>
    %gather3A_910 = vector.shape_cast %reshape3A_909 : vector<12x128x1xi32> to vector<12x128xi32>
    %gather3A_911 = tpu.dynamic_gather %slice3A_901[%gather3A_910] in [1] : vector<12x128xf32>, vector<12x128xi32> -> vector<12x128xf32>
    %eq3A_912 = arith.constant 0 : i32
    %eq3A_913 = vector.broadcast %eq3A_912 : i32 to vector<12x128xi32>
    %eq3A_914 = arith.cmpi eq, %shift_right_arithmetic3A_670, %eq3A_913 : vector<12x128xi32>
    %eq3A_915 = arith.constant 1 : i32
    %eq3A_916 = vector.broadcast %eq3A_915 : i32 to vector<12x128xi32>
    %eq3A_917 = arith.cmpi eq, %shift_right_arithmetic3A_670, %eq3A_916 : vector<12x128xi32>
    %select_n3A_918 = arith.select %eq3A_917, %gather3A_900, %gather3A_911 : vector<12x128xi1>, vector<12x128xf32>
    %select_n3A_919 = arith.select %eq3A_914, %gather3A_889, %select_n3A_918 : vector<12x128xi1>, vector<12x128xf32>
    %slice3A_920 = vector.extract_strided_slice %get3A_3 {offsets = [0, 2304], sizes = [12, 128], strides = [1, 1]} : vector<12x6144xf32> to vector<12x128xf32>
    %lt3A_921 = arith.constant 0 : i32
    %lt3A_922 = vector.broadcast %lt3A_921 : i32 to vector<12x128xi32>
    %lt3A_923 = arith.cmpi slt, %and3A_673, %lt3A_922 : vector<12x128xi32>
    %add3A_924 = arith.constant 128 : i32
    %add3A_925 = vector.broadcast %add3A_924 : i32 to vector<12x128xi32>
    %add3A_926 = arith.addi %and3A_673, %add3A_925 : vector<12x128xi32>
    %select_n3A_927 = arith.select %lt3A_923, %add3A_926, %and3A_673 : vector<12x128xi1>, vector<12x128xi32>
    %reshape3A_928 = vector.shape_cast %select_n3A_927 : vector<12x128xi32> to vector<12x128x1xi32>
    %gather3A_929 = vector.shape_cast %reshape3A_928 : vector<12x128x1xi32> to vector<12x128xi32>
    %gather3A_930 = tpu.dynamic_gather %slice3A_920[%gather3A_929] in [1] : vector<12x128xf32>, vector<12x128xi32> -> vector<12x128xf32>
    %slice3A_931 = vector.extract_strided_slice %get3A_3 {offsets = [0, 2432], sizes = [12, 128], strides = [1, 1]} : vector<12x6144xf32> to vector<12x128xf32>
    %lt3A_932 = arith.constant 0 : i32
    %lt3A_933 = vector.broadcast %lt3A_932 : i32 to vector<12x128xi32>
    %lt3A_934 = arith.cmpi slt, %and3A_673, %lt3A_933 : vector<12x128xi32>
    %add3A_935 = arith.constant 128 : i32
    %add3A_936 = vector.broadcast %add3A_935 : i32 to vector<12x128xi32>
    %add3A_937 = arith.addi %and3A_673, %add3A_936 : vector<12x128xi32>
    %select_n3A_938 = arith.select %lt3A_934, %add3A_937, %and3A_673 : vector<12x128xi1>, vector<12x128xi32>
    %reshape3A_939 = vector.shape_cast %select_n3A_938 : vector<12x128xi32> to vector<12x128x1xi32>
    %gather3A_940 = vector.shape_cast %reshape3A_939 : vector<12x128x1xi32> to vector<12x128xi32>
    %gather3A_941 = tpu.dynamic_gather %slice3A_931[%gather3A_940] in [1] : vector<12x128xf32>, vector<12x128xi32> -> vector<12x128xf32>
    %slice3A_942 = vector.extract_strided_slice %get3A_3 {offsets = [0, 2560], sizes = [12, 128], strides = [1, 1]} : vector<12x6144xf32> to vector<12x128xf32>
    %lt3A_943 = arith.constant 0 : i32
    %lt3A_944 = vector.broadcast %lt3A_943 : i32 to vector<12x128xi32>
    %lt3A_945 = arith.cmpi slt, %and3A_673, %lt3A_944 : vector<12x128xi32>
    %add3A_946 = arith.constant 128 : i32
    %add3A_947 = vector.broadcast %add3A_946 : i32 to vector<12x128xi32>
    %add3A_948 = arith.addi %and3A_673, %add3A_947 : vector<12x128xi32>
    %select_n3A_949 = arith.select %lt3A_945, %add3A_948, %and3A_673 : vector<12x128xi1>, vector<12x128xi32>
    %reshape3A_950 = vector.shape_cast %select_n3A_949 : vector<12x128xi32> to vector<12x128x1xi32>
    %gather3A_951 = vector.shape_cast %reshape3A_950 : vector<12x128x1xi32> to vector<12x128xi32>
    %gather3A_952 = tpu.dynamic_gather %slice3A_942[%gather3A_951] in [1] : vector<12x128xf32>, vector<12x128xi32> -> vector<12x128xf32>
    %eq3A_953 = arith.constant 0 : i32
    %eq3A_954 = vector.broadcast %eq3A_953 : i32 to vector<12x128xi32>
    %eq3A_955 = arith.cmpi eq, %shift_right_arithmetic3A_670, %eq3A_954 : vector<12x128xi32>
    %eq3A_956 = arith.constant 1 : i32
    %eq3A_957 = vector.broadcast %eq3A_956 : i32 to vector<12x128xi32>
    %eq3A_958 = arith.cmpi eq, %shift_right_arithmetic3A_670, %eq3A_957 : vector<12x128xi32>
    %select_n3A_959 = arith.select %eq3A_958, %gather3A_941, %gather3A_952 : vector<12x128xi1>, vector<12x128xf32>
    %select_n3A_960 = arith.select %eq3A_955, %gather3A_930, %select_n3A_959 : vector<12x128xi1>, vector<12x128xf32>
    %slice3A_961 = vector.extract_strided_slice %get3A_3 {offsets = [0, 2688], sizes = [12, 128], strides = [1, 1]} : vector<12x6144xf32> to vector<12x128xf32>
    %lt3A_962 = arith.constant 0 : i32
    %lt3A_963 = vector.broadcast %lt3A_962 : i32 to vector<12x128xi32>
    %lt3A_964 = arith.cmpi slt, %and3A_673, %lt3A_963 : vector<12x128xi32>
    %add3A_965 = arith.constant 128 : i32
    %add3A_966 = vector.broadcast %add3A_965 : i32 to vector<12x128xi32>
    %add3A_967 = arith.addi %and3A_673, %add3A_966 : vector<12x128xi32>
    %select_n3A_968 = arith.select %lt3A_964, %add3A_967, %and3A_673 : vector<12x128xi1>, vector<12x128xi32>
    %reshape3A_969 = vector.shape_cast %select_n3A_968 : vector<12x128xi32> to vector<12x128x1xi32>
    %gather3A_970 = vector.shape_cast %reshape3A_969 : vector<12x128x1xi32> to vector<12x128xi32>
    %gather3A_971 = tpu.dynamic_gather %slice3A_961[%gather3A_970] in [1] : vector<12x128xf32>, vector<12x128xi32> -> vector<12x128xf32>
    %slice3A_972 = vector.extract_strided_slice %get3A_3 {offsets = [0, 2816], sizes = [12, 128], strides = [1, 1]} : vector<12x6144xf32> to vector<12x128xf32>
    %lt3A_973 = arith.constant 0 : i32
    %lt3A_974 = vector.broadcast %lt3A_973 : i32 to vector<12x128xi32>
    %lt3A_975 = arith.cmpi slt, %and3A_673, %lt3A_974 : vector<12x128xi32>
    %add3A_976 = arith.constant 128 : i32
    %add3A_977 = vector.broadcast %add3A_976 : i32 to vector<12x128xi32>
    %add3A_978 = arith.addi %and3A_673, %add3A_977 : vector<12x128xi32>
    %select_n3A_979 = arith.select %lt3A_975, %add3A_978, %and3A_673 : vector<12x128xi1>, vector<12x128xi32>
    %reshape3A_980 = vector.shape_cast %select_n3A_979 : vector<12x128xi32> to vector<12x128x1xi32>
    %gather3A_981 = vector.shape_cast %reshape3A_980 : vector<12x128x1xi32> to vector<12x128xi32>
    %gather3A_982 = tpu.dynamic_gather %slice3A_972[%gather3A_981] in [1] : vector<12x128xf32>, vector<12x128xi32> -> vector<12x128xf32>
    %slice3A_983 = vector.extract_strided_slice %get3A_3 {offsets = [0, 2944], sizes = [12, 128], strides = [1, 1]} : vector<12x6144xf32> to vector<12x128xf32>
    %lt3A_984 = arith.constant 0 : i32
    %lt3A_985 = vector.broadcast %lt3A_984 : i32 to vector<12x128xi32>
    %lt3A_986 = arith.cmpi slt, %and3A_673, %lt3A_985 : vector<12x128xi32>
    %add3A_987 = arith.constant 128 : i32
    %add3A_988 = vector.broadcast %add3A_987 : i32 to vector<12x128xi32>
    %add3A_989 = arith.addi %and3A_673, %add3A_988 : vector<12x128xi32>
    %select_n3A_990 = arith.select %lt3A_986, %add3A_989, %and3A_673 : vector<12x128xi1>, vector<12x128xi32>
    %reshape3A_991 = vector.shape_cast %select_n3A_990 : vector<12x128xi32> to vector<12x128x1xi32>
    %gather3A_992 = vector.shape_cast %reshape3A_991 : vector<12x128x1xi32> to vector<12x128xi32>
    %gather3A_993 = tpu.dynamic_gather %slice3A_983[%gather3A_992] in [1] : vector<12x128xf32>, vector<12x128xi32> -> vector<12x128xf32>
    %eq3A_994 = arith.constant 0 : i32
    %eq3A_995 = vector.broadcast %eq3A_994 : i32 to vector<12x128xi32>
    %eq3A_996 = arith.cmpi eq, %shift_right_arithmetic3A_670, %eq3A_995 : vector<12x128xi32>
    %eq3A_997 = arith.constant 1 : i32
    %eq3A_998 = vector.broadcast %eq3A_997 : i32 to vector<12x128xi32>
    %eq3A_999 = arith.cmpi eq, %shift_right_arithmetic3A_670, %eq3A_998 : vector<12x128xi32>
    %select_n3A_1000 = arith.select %eq3A_999, %gather3A_982, %gather3A_993 : vector<12x128xi1>, vector<12x128xf32>
    %select_n3A_1001 = arith.select %eq3A_996, %gather3A_971, %select_n3A_1000 : vector<12x128xi1>, vector<12x128xf32>
    %slice3A_1002 = vector.extract_strided_slice %get3A_3 {offsets = [0, 3072], sizes = [12, 128], strides = [1, 1]} : vector<12x6144xf32> to vector<12x128xf32>
    %lt3A_1003 = arith.constant 0 : i32
    %lt3A_1004 = vector.broadcast %lt3A_1003 : i32 to vector<12x128xi32>
    %lt3A_1005 = arith.cmpi slt, %and3A_673, %lt3A_1004 : vector<12x128xi32>
    %add3A_1006 = arith.constant 128 : i32
    %add3A_1007 = vector.broadcast %add3A_1006 : i32 to vector<12x128xi32>
    %add3A_1008 = arith.addi %and3A_673, %add3A_1007 : vector<12x128xi32>
    %select_n3A_1009 = arith.select %lt3A_1005, %add3A_1008, %and3A_673 : vector<12x128xi1>, vector<12x128xi32>
    %reshape3A_1010 = vector.shape_cast %select_n3A_1009 : vector<12x128xi32> to vector<12x128x1xi32>
    %gather3A_1011 = vector.shape_cast %reshape3A_1010 : vector<12x128x1xi32> to vector<12x128xi32>
    %gather3A_1012 = tpu.dynamic_gather %slice3A_1002[%gather3A_1011] in [1] : vector<12x128xf32>, vector<12x128xi32> -> vector<12x128xf32>
    %slice3A_1013 = vector.extract_strided_slice %get3A_3 {offsets = [0, 3200], sizes = [12, 128], strides = [1, 1]} : vector<12x6144xf32> to vector<12x128xf32>
    %lt3A_1014 = arith.constant 0 : i32
    %lt3A_1015 = vector.broadcast %lt3A_1014 : i32 to vector<12x128xi32>
    %lt3A_1016 = arith.cmpi slt, %and3A_673, %lt3A_1015 : vector<12x128xi32>
    %add3A_1017 = arith.constant 128 : i32
    %add3A_1018 = vector.broadcast %add3A_1017 : i32 to vector<12x128xi32>
    %add3A_1019 = arith.addi %and3A_673, %add3A_1018 : vector<12x128xi32>
    %select_n3A_1020 = arith.select %lt3A_1016, %add3A_1019, %and3A_673 : vector<12x128xi1>, vector<12x128xi32>
    %reshape3A_1021 = vector.shape_cast %select_n3A_1020 : vector<12x128xi32> to vector<12x128x1xi32>
    %gather3A_1022 = vector.shape_cast %reshape3A_1021 : vector<12x128x1xi32> to vector<12x128xi32>
    %gather3A_1023 = tpu.dynamic_gather %slice3A_1013[%gather3A_1022] in [1] : vector<12x128xf32>, vector<12x128xi32> -> vector<12x128xf32>
    %slice3A_1024 = vector.extract_strided_slice %get3A_3 {offsets = [0, 3328], sizes = [12, 128], strides = [1, 1]} : vector<12x6144xf32> to vector<12x128xf32>
    %lt3A_1025 = arith.constant 0 : i32
    %lt3A_1026 = vector.broadcast %lt3A_1025 : i32 to vector<12x128xi32>
    %lt3A_1027 = arith.cmpi slt, %and3A_673, %lt3A_1026 : vector<12x128xi32>
    %add3A_1028 = arith.constant 128 : i32
    %add3A_1029 = vector.broadcast %add3A_1028 : i32 to vector<12x128xi32>
    %add3A_1030 = arith.addi %and3A_673, %add3A_1029 : vector<12x128xi32>
    %select_n3A_1031 = arith.select %lt3A_1027, %add3A_1030, %and3A_673 : vector<12x128xi1>, vector<12x128xi32>
    %reshape3A_1032 = vector.shape_cast %select_n3A_1031 : vector<12x128xi32> to vector<12x128x1xi32>
    %gather3A_1033 = vector.shape_cast %reshape3A_1032 : vector<12x128x1xi32> to vector<12x128xi32>
    %gather3A_1034 = tpu.dynamic_gather %slice3A_1024[%gather3A_1033] in [1] : vector<12x128xf32>, vector<12x128xi32> -> vector<12x128xf32>
    %eq3A_1035 = arith.constant 0 : i32
    %eq3A_1036 = vector.broadcast %eq3A_1035 : i32 to vector<12x128xi32>
    %eq3A_1037 = arith.cmpi eq, %shift_right_arithmetic3A_670, %eq3A_1036 : vector<12x128xi32>
    %eq3A_1038 = arith.constant 1 : i32
    %eq3A_1039 = vector.broadcast %eq3A_1038 : i32 to vector<12x128xi32>
    %eq3A_1040 = arith.cmpi eq, %shift_right_arithmetic3A_670, %eq3A_1039 : vector<12x128xi32>
    %select_n3A_1041 = arith.select %eq3A_1040, %gather3A_1023, %gather3A_1034 : vector<12x128xi1>, vector<12x128xf32>
    %select_n3A_1042 = arith.select %eq3A_1037, %gather3A_1012, %select_n3A_1041 : vector<12x128xi1>, vector<12x128xf32>
    %slice3A_1043 = vector.extract_strided_slice %get3A_3 {offsets = [0, 3456], sizes = [12, 128], strides = [1, 1]} : vector<12x6144xf32> to vector<12x128xf32>
    %lt3A_1044 = arith.constant 0 : i32
    %lt3A_1045 = vector.broadcast %lt3A_1044 : i32 to vector<12x128xi32>
    %lt3A_1046 = arith.cmpi slt, %and3A_673, %lt3A_1045 : vector<12x128xi32>
    %add3A_1047 = arith.constant 128 : i32
    %add3A_1048 = vector.broadcast %add3A_1047 : i32 to vector<12x128xi32>
    %add3A_1049 = arith.addi %and3A_673, %add3A_1048 : vector<12x128xi32>
    %select_n3A_1050 = arith.select %lt3A_1046, %add3A_1049, %and3A_673 : vector<12x128xi1>, vector<12x128xi32>
    %reshape3A_1051 = vector.shape_cast %select_n3A_1050 : vector<12x128xi32> to vector<12x128x1xi32>
    %gather3A_1052 = vector.shape_cast %reshape3A_1051 : vector<12x128x1xi32> to vector<12x128xi32>
    %gather3A_1053 = tpu.dynamic_gather %slice3A_1043[%gather3A_1052] in [1] : vector<12x128xf32>, vector<12x128xi32> -> vector<12x128xf32>
    %slice3A_1054 = vector.extract_strided_slice %get3A_3 {offsets = [0, 3584], sizes = [12, 128], strides = [1, 1]} : vector<12x6144xf32> to vector<12x128xf32>
    %lt3A_1055 = arith.constant 0 : i32
    %lt3A_1056 = vector.broadcast %lt3A_1055 : i32 to vector<12x128xi32>
    %lt3A_1057 = arith.cmpi slt, %and3A_673, %lt3A_1056 : vector<12x128xi32>
    %add3A_1058 = arith.constant 128 : i32
    %add3A_1059 = vector.broadcast %add3A_1058 : i32 to vector<12x128xi32>
    %add3A_1060 = arith.addi %and3A_673, %add3A_1059 : vector<12x128xi32>
    %select_n3A_1061 = arith.select %lt3A_1057, %add3A_1060, %and3A_673 : vector<12x128xi1>, vector<12x128xi32>
    %reshape3A_1062 = vector.shape_cast %select_n3A_1061 : vector<12x128xi32> to vector<12x128x1xi32>
    %gather3A_1063 = vector.shape_cast %reshape3A_1062 : vector<12x128x1xi32> to vector<12x128xi32>
    %gather3A_1064 = tpu.dynamic_gather %slice3A_1054[%gather3A_1063] in [1] : vector<12x128xf32>, vector<12x128xi32> -> vector<12x128xf32>
    %slice3A_1065 = vector.extract_strided_slice %get3A_3 {offsets = [0, 3712], sizes = [12, 128], strides = [1, 1]} : vector<12x6144xf32> to vector<12x128xf32>
    %lt3A_1066 = arith.constant 0 : i32
    %lt3A_1067 = vector.broadcast %lt3A_1066 : i32 to vector<12x128xi32>
    %lt3A_1068 = arith.cmpi slt, %and3A_673, %lt3A_1067 : vector<12x128xi32>
    %add3A_1069 = arith.constant 128 : i32
    %add3A_1070 = vector.broadcast %add3A_1069 : i32 to vector<12x128xi32>
    %add3A_1071 = arith.addi %and3A_673, %add3A_1070 : vector<12x128xi32>
    %select_n3A_1072 = arith.select %lt3A_1068, %add3A_1071, %and3A_673 : vector<12x128xi1>, vector<12x128xi32>
    %reshape3A_1073 = vector.shape_cast %select_n3A_1072 : vector<12x128xi32> to vector<12x128x1xi32>
    %gather3A_1074 = vector.shape_cast %reshape3A_1073 : vector<12x128x1xi32> to vector<12x128xi32>
    %gather3A_1075 = tpu.dynamic_gather %slice3A_1065[%gather3A_1074] in [1] : vector<12x128xf32>, vector<12x128xi32> -> vector<12x128xf32>
    %eq3A_1076 = arith.constant 0 : i32
    %eq3A_1077 = vector.broadcast %eq3A_1076 : i32 to vector<12x128xi32>
    %eq3A_1078 = arith.cmpi eq, %shift_right_arithmetic3A_670, %eq3A_1077 : vector<12x128xi32>
    %eq3A_1079 = arith.constant 1 : i32
    %eq3A_1080 = vector.broadcast %eq3A_1079 : i32 to vector<12x128xi32>
    %eq3A_1081 = arith.cmpi eq, %shift_right_arithmetic3A_670, %eq3A_1080 : vector<12x128xi32>
    %select_n3A_1082 = arith.select %eq3A_1081, %gather3A_1064, %gather3A_1075 : vector<12x128xi1>, vector<12x128xf32>
    %select_n3A_1083 = arith.select %eq3A_1078, %gather3A_1053, %select_n3A_1082 : vector<12x128xi1>, vector<12x128xf32>
    %slice3A_1084 = vector.extract_strided_slice %get3A_3 {offsets = [0, 3840], sizes = [12, 128], strides = [1, 1]} : vector<12x6144xf32> to vector<12x128xf32>
    %lt3A_1085 = arith.constant 0 : i32
    %lt3A_1086 = vector.broadcast %lt3A_1085 : i32 to vector<12x128xi32>
    %lt3A_1087 = arith.cmpi slt, %and3A_673, %lt3A_1086 : vector<12x128xi32>
    %add3A_1088 = arith.constant 128 : i32
    %add3A_1089 = vector.broadcast %add3A_1088 : i32 to vector<12x128xi32>
    %add3A_1090 = arith.addi %and3A_673, %add3A_1089 : vector<12x128xi32>
    %select_n3A_1091 = arith.select %lt3A_1087, %add3A_1090, %and3A_673 : vector<12x128xi1>, vector<12x128xi32>
    %reshape3A_1092 = vector.shape_cast %select_n3A_1091 : vector<12x128xi32> to vector<12x128x1xi32>
    %gather3A_1093 = vector.shape_cast %reshape3A_1092 : vector<12x128x1xi32> to vector<12x128xi32>
    %gather3A_1094 = tpu.dynamic_gather %slice3A_1084[%gather3A_1093] in [1] : vector<12x128xf32>, vector<12x128xi32> -> vector<12x128xf32>
    %slice3A_1095 = vector.extract_strided_slice %get3A_3 {offsets = [0, 3968], sizes = [12, 128], strides = [1, 1]} : vector<12x6144xf32> to vector<12x128xf32>
    %lt3A_1096 = arith.constant 0 : i32
    %lt3A_1097 = vector.broadcast %lt3A_1096 : i32 to vector<12x128xi32>
    %lt3A_1098 = arith.cmpi slt, %and3A_673, %lt3A_1097 : vector<12x128xi32>
    %add3A_1099 = arith.constant 128 : i32
    %add3A_1100 = vector.broadcast %add3A_1099 : i32 to vector<12x128xi32>
    %add3A_1101 = arith.addi %and3A_673, %add3A_1100 : vector<12x128xi32>
    %select_n3A_1102 = arith.select %lt3A_1098, %add3A_1101, %and3A_673 : vector<12x128xi1>, vector<12x128xi32>
    %reshape3A_1103 = vector.shape_cast %select_n3A_1102 : vector<12x128xi32> to vector<12x128x1xi32>
    %gather3A_1104 = vector.shape_cast %reshape3A_1103 : vector<12x128x1xi32> to vector<12x128xi32>
    %gather3A_1105 = tpu.dynamic_gather %slice3A_1095[%gather3A_1104] in [1] : vector<12x128xf32>, vector<12x128xi32> -> vector<12x128xf32>
    %slice3A_1106 = vector.extract_strided_slice %get3A_3 {offsets = [0, 4096], sizes = [12, 128], strides = [1, 1]} : vector<12x6144xf32> to vector<12x128xf32>
    %lt3A_1107 = arith.constant 0 : i32
    %lt3A_1108 = vector.broadcast %lt3A_1107 : i32 to vector<12x128xi32>
    %lt3A_1109 = arith.cmpi slt, %and3A_673, %lt3A_1108 : vector<12x128xi32>
    %add3A_1110 = arith.constant 128 : i32
    %add3A_1111 = vector.broadcast %add3A_1110 : i32 to vector<12x128xi32>
    %add3A_1112 = arith.addi %and3A_673, %add3A_1111 : vector<12x128xi32>
    %select_n3A_1113 = arith.select %lt3A_1109, %add3A_1112, %and3A_673 : vector<12x128xi1>, vector<12x128xi32>
    %reshape3A_1114 = vector.shape_cast %select_n3A_1113 : vector<12x128xi32> to vector<12x128x1xi32>
    %gather3A_1115 = vector.shape_cast %reshape3A_1114 : vector<12x128x1xi32> to vector<12x128xi32>
    %gather3A_1116 = tpu.dynamic_gather %slice3A_1106[%gather3A_1115] in [1] : vector<12x128xf32>, vector<12x128xi32> -> vector<12x128xf32>
    %eq3A_1117 = arith.constant 0 : i32
    %eq3A_1118 = vector.broadcast %eq3A_1117 : i32 to vector<12x128xi32>
    %eq3A_1119 = arith.cmpi eq, %shift_right_arithmetic3A_670, %eq3A_1118 : vector<12x128xi32>
    %eq3A_1120 = arith.constant 1 : i32
    %eq3A_1121 = vector.broadcast %eq3A_1120 : i32 to vector<12x128xi32>
    %eq3A_1122 = arith.cmpi eq, %shift_right_arithmetic3A_670, %eq3A_1121 : vector<12x128xi32>
    %select_n3A_1123 = arith.select %eq3A_1122, %gather3A_1105, %gather3A_1116 : vector<12x128xi1>, vector<12x128xf32>
    %select_n3A_1124 = arith.select %eq3A_1119, %gather3A_1094, %select_n3A_1123 : vector<12x128xi1>, vector<12x128xf32>
    %slice3A_1125 = vector.extract_strided_slice %get3A_3 {offsets = [0, 4224], sizes = [12, 128], strides = [1, 1]} : vector<12x6144xf32> to vector<12x128xf32>
    %lt3A_1126 = arith.constant 0 : i32
    %lt3A_1127 = vector.broadcast %lt3A_1126 : i32 to vector<12x128xi32>
    %lt3A_1128 = arith.cmpi slt, %and3A_673, %lt3A_1127 : vector<12x128xi32>
    %add3A_1129 = arith.constant 128 : i32
    %add3A_1130 = vector.broadcast %add3A_1129 : i32 to vector<12x128xi32>
    %add3A_1131 = arith.addi %and3A_673, %add3A_1130 : vector<12x128xi32>
    %select_n3A_1132 = arith.select %lt3A_1128, %add3A_1131, %and3A_673 : vector<12x128xi1>, vector<12x128xi32>
    %reshape3A_1133 = vector.shape_cast %select_n3A_1132 : vector<12x128xi32> to vector<12x128x1xi32>
    %gather3A_1134 = vector.shape_cast %reshape3A_1133 : vector<12x128x1xi32> to vector<12x128xi32>
    %gather3A_1135 = tpu.dynamic_gather %slice3A_1125[%gather3A_1134] in [1] : vector<12x128xf32>, vector<12x128xi32> -> vector<12x128xf32>
    %slice3A_1136 = vector.extract_strided_slice %get3A_3 {offsets = [0, 4352], sizes = [12, 128], strides = [1, 1]} : vector<12x6144xf32> to vector<12x128xf32>
    %lt3A_1137 = arith.constant 0 : i32
    %lt3A_1138 = vector.broadcast %lt3A_1137 : i32 to vector<12x128xi32>
    %lt3A_1139 = arith.cmpi slt, %and3A_673, %lt3A_1138 : vector<12x128xi32>
    %add3A_1140 = arith.constant 128 : i32
    %add3A_1141 = vector.broadcast %add3A_1140 : i32 to vector<12x128xi32>
    %add3A_1142 = arith.addi %and3A_673, %add3A_1141 : vector<12x128xi32>
    %select_n3A_1143 = arith.select %lt3A_1139, %add3A_1142, %and3A_673 : vector<12x128xi1>, vector<12x128xi32>
    %reshape3A_1144 = vector.shape_cast %select_n3A_1143 : vector<12x128xi32> to vector<12x128x1xi32>
    %gather3A_1145 = vector.shape_cast %reshape3A_1144 : vector<12x128x1xi32> to vector<12x128xi32>
    %gather3A_1146 = tpu.dynamic_gather %slice3A_1136[%gather3A_1145] in [1] : vector<12x128xf32>, vector<12x128xi32> -> vector<12x128xf32>
    %slice3A_1147 = vector.extract_strided_slice %get3A_3 {offsets = [0, 4480], sizes = [12, 128], strides = [1, 1]} : vector<12x6144xf32> to vector<12x128xf32>
    %lt3A_1148 = arith.constant 0 : i32
    %lt3A_1149 = vector.broadcast %lt3A_1148 : i32 to vector<12x128xi32>
    %lt3A_1150 = arith.cmpi slt, %and3A_673, %lt3A_1149 : vector<12x128xi32>
    %add3A_1151 = arith.constant 128 : i32
    %add3A_1152 = vector.broadcast %add3A_1151 : i32 to vector<12x128xi32>
    %add3A_1153 = arith.addi %and3A_673, %add3A_1152 : vector<12x128xi32>
    %select_n3A_1154 = arith.select %lt3A_1150, %add3A_1153, %and3A_673 : vector<12x128xi1>, vector<12x128xi32>
    %reshape3A_1155 = vector.shape_cast %select_n3A_1154 : vector<12x128xi32> to vector<12x128x1xi32>
    %gather3A_1156 = vector.shape_cast %reshape3A_1155 : vector<12x128x1xi32> to vector<12x128xi32>
    %gather3A_1157 = tpu.dynamic_gather %slice3A_1147[%gather3A_1156] in [1] : vector<12x128xf32>, vector<12x128xi32> -> vector<12x128xf32>
    %eq3A_1158 = arith.constant 0 : i32
    %eq3A_1159 = vector.broadcast %eq3A_1158 : i32 to vector<12x128xi32>
    %eq3A_1160 = arith.cmpi eq, %shift_right_arithmetic3A_670, %eq3A_1159 : vector<12x128xi32>
    %eq3A_1161 = arith.constant 1 : i32
    %eq3A_1162 = vector.broadcast %eq3A_1161 : i32 to vector<12x128xi32>
    %eq3A_1163 = arith.cmpi eq, %shift_right_arithmetic3A_670, %eq3A_1162 : vector<12x128xi32>
    %select_n3A_1164 = arith.select %eq3A_1163, %gather3A_1146, %gather3A_1157 : vector<12x128xi1>, vector<12x128xf32>
    %select_n3A_1165 = arith.select %eq3A_1160, %gather3A_1135, %select_n3A_1164 : vector<12x128xi1>, vector<12x128xf32>
    %slice3A_1166 = vector.extract_strided_slice %get3A_3 {offsets = [0, 4608], sizes = [12, 128], strides = [1, 1]} : vector<12x6144xf32> to vector<12x128xf32>
    %lt3A_1167 = arith.constant 0 : i32
    %lt3A_1168 = vector.broadcast %lt3A_1167 : i32 to vector<12x128xi32>
    %lt3A_1169 = arith.cmpi slt, %and3A_673, %lt3A_1168 : vector<12x128xi32>
    %add3A_1170 = arith.constant 128 : i32
    %add3A_1171 = vector.broadcast %add3A_1170 : i32 to vector<12x128xi32>
    %add3A_1172 = arith.addi %and3A_673, %add3A_1171 : vector<12x128xi32>
    %select_n3A_1173 = arith.select %lt3A_1169, %add3A_1172, %and3A_673 : vector<12x128xi1>, vector<12x128xi32>
    %reshape3A_1174 = vector.shape_cast %select_n3A_1173 : vector<12x128xi32> to vector<12x128x1xi32>
    %gather3A_1175 = vector.shape_cast %reshape3A_1174 : vector<12x128x1xi32> to vector<12x128xi32>
    %gather3A_1176 = tpu.dynamic_gather %slice3A_1166[%gather3A_1175] in [1] : vector<12x128xf32>, vector<12x128xi32> -> vector<12x128xf32>
    %slice3A_1177 = vector.extract_strided_slice %get3A_3 {offsets = [0, 4736], sizes = [12, 128], strides = [1, 1]} : vector<12x6144xf32> to vector<12x128xf32>
    %lt3A_1178 = arith.constant 0 : i32
    %lt3A_1179 = vector.broadcast %lt3A_1178 : i32 to vector<12x128xi32>
    %lt3A_1180 = arith.cmpi slt, %and3A_673, %lt3A_1179 : vector<12x128xi32>
    %add3A_1181 = arith.constant 128 : i32
    %add3A_1182 = vector.broadcast %add3A_1181 : i32 to vector<12x128xi32>
    %add3A_1183 = arith.addi %and3A_673, %add3A_1182 : vector<12x128xi32>
    %select_n3A_1184 = arith.select %lt3A_1180, %add3A_1183, %and3A_673 : vector<12x128xi1>, vector<12x128xi32>
    %reshape3A_1185 = vector.shape_cast %select_n3A_1184 : vector<12x128xi32> to vector<12x128x1xi32>
    %gather3A_1186 = vector.shape_cast %reshape3A_1185 : vector<12x128x1xi32> to vector<12x128xi32>
    %gather3A_1187 = tpu.dynamic_gather %slice3A_1177[%gather3A_1186] in [1] : vector<12x128xf32>, vector<12x128xi32> -> vector<12x128xf32>
    %slice3A_1188 = vector.extract_strided_slice %get3A_3 {offsets = [0, 4864], sizes = [12, 128], strides = [1, 1]} : vector<12x6144xf32> to vector<12x128xf32>
    %lt3A_1189 = arith.constant 0 : i32
    %lt3A_1190 = vector.broadcast %lt3A_1189 : i32 to vector<12x128xi32>
    %lt3A_1191 = arith.cmpi slt, %and3A_673, %lt3A_1190 : vector<12x128xi32>
    %add3A_1192 = arith.constant 128 : i32
    %add3A_1193 = vector.broadcast %add3A_1192 : i32 to vector<12x128xi32>
    %add3A_1194 = arith.addi %and3A_673, %add3A_1193 : vector<12x128xi32>
    %select_n3A_1195 = arith.select %lt3A_1191, %add3A_1194, %and3A_673 : vector<12x128xi1>, vector<12x128xi32>
    %reshape3A_1196 = vector.shape_cast %select_n3A_1195 : vector<12x128xi32> to vector<12x128x1xi32>
    %gather3A_1197 = vector.shape_cast %reshape3A_1196 : vector<12x128x1xi32> to vector<12x128xi32>
    %gather3A_1198 = tpu.dynamic_gather %slice3A_1188[%gather3A_1197] in [1] : vector<12x128xf32>, vector<12x128xi32> -> vector<12x128xf32>
    %eq3A_1199 = arith.constant 0 : i32
    %eq3A_1200 = vector.broadcast %eq3A_1199 : i32 to vector<12x128xi32>
    %eq3A_1201 = arith.cmpi eq, %shift_right_arithmetic3A_670, %eq3A_1200 : vector<12x128xi32>
    %eq3A_1202 = arith.constant 1 : i32
    %eq3A_1203 = vector.broadcast %eq3A_1202 : i32 to vector<12x128xi32>
    %eq3A_1204 = arith.cmpi eq, %shift_right_arithmetic3A_670, %eq3A_1203 : vector<12x128xi32>
    %select_n3A_1205 = arith.select %eq3A_1204, %gather3A_1187, %gather3A_1198 : vector<12x128xi1>, vector<12x128xf32>
    %select_n3A_1206 = arith.select %eq3A_1201, %gather3A_1176, %select_n3A_1205 : vector<12x128xi1>, vector<12x128xf32>
    %slice3A_1207 = vector.extract_strided_slice %get3A_3 {offsets = [0, 4992], sizes = [12, 128], strides = [1, 1]} : vector<12x6144xf32> to vector<12x128xf32>
    %lt3A_1208 = arith.constant 0 : i32
    %lt3A_1209 = vector.broadcast %lt3A_1208 : i32 to vector<12x128xi32>
    %lt3A_1210 = arith.cmpi slt, %and3A_673, %lt3A_1209 : vector<12x128xi32>
    %add3A_1211 = arith.constant 128 : i32
    %add3A_1212 = vector.broadcast %add3A_1211 : i32 to vector<12x128xi32>
    %add3A_1213 = arith.addi %and3A_673, %add3A_1212 : vector<12x128xi32>
    %select_n3A_1214 = arith.select %lt3A_1210, %add3A_1213, %and3A_673 : vector<12x128xi1>, vector<12x128xi32>
    %reshape3A_1215 = vector.shape_cast %select_n3A_1214 : vector<12x128xi32> to vector<12x128x1xi32>
    %gather3A_1216 = vector.shape_cast %reshape3A_1215 : vector<12x128x1xi32> to vector<12x128xi32>
    %gather3A_1217 = tpu.dynamic_gather %slice3A_1207[%gather3A_1216] in [1] : vector<12x128xf32>, vector<12x128xi32> -> vector<12x128xf32>
    %slice3A_1218 = vector.extract_strided_slice %get3A_3 {offsets = [0, 5120], sizes = [12, 128], strides = [1, 1]} : vector<12x6144xf32> to vector<12x128xf32>
    %lt3A_1219 = arith.constant 0 : i32
    %lt3A_1220 = vector.broadcast %lt3A_1219 : i32 to vector<12x128xi32>
    %lt3A_1221 = arith.cmpi slt, %and3A_673, %lt3A_1220 : vector<12x128xi32>
    %add3A_1222 = arith.constant 128 : i32
    %add3A_1223 = vector.broadcast %add3A_1222 : i32 to vector<12x128xi32>
    %add3A_1224 = arith.addi %and3A_673, %add3A_1223 : vector<12x128xi32>
    %select_n3A_1225 = arith.select %lt3A_1221, %add3A_1224, %and3A_673 : vector<12x128xi1>, vector<12x128xi32>
    %reshape3A_1226 = vector.shape_cast %select_n3A_1225 : vector<12x128xi32> to vector<12x128x1xi32>
    %gather3A_1227 = vector.shape_cast %reshape3A_1226 : vector<12x128x1xi32> to vector<12x128xi32>
    %gather3A_1228 = tpu.dynamic_gather %slice3A_1218[%gather3A_1227] in [1] : vector<12x128xf32>, vector<12x128xi32> -> vector<12x128xf32>
    %slice3A_1229 = vector.extract_strided_slice %get3A_3 {offsets = [0, 5248], sizes = [12, 128], strides = [1, 1]} : vector<12x6144xf32> to vector<12x128xf32>
    %lt3A_1230 = arith.constant 0 : i32
    %lt3A_1231 = vector.broadcast %lt3A_1230 : i32 to vector<12x128xi32>
    %lt3A_1232 = arith.cmpi slt, %and3A_673, %lt3A_1231 : vector<12x128xi32>
    %add3A_1233 = arith.constant 128 : i32
    %add3A_1234 = vector.broadcast %add3A_1233 : i32 to vector<12x128xi32>
    %add3A_1235 = arith.addi %and3A_673, %add3A_1234 : vector<12x128xi32>
    %select_n3A_1236 = arith.select %lt3A_1232, %add3A_1235, %and3A_673 : vector<12x128xi1>, vector<12x128xi32>
    %reshape3A_1237 = vector.shape_cast %select_n3A_1236 : vector<12x128xi32> to vector<12x128x1xi32>
    %gather3A_1238 = vector.shape_cast %reshape3A_1237 : vector<12x128x1xi32> to vector<12x128xi32>
    %gather3A_1239 = tpu.dynamic_gather %slice3A_1229[%gather3A_1238] in [1] : vector<12x128xf32>, vector<12x128xi32> -> vector<12x128xf32>
    %eq3A_1240 = arith.constant 0 : i32
    %eq3A_1241 = vector.broadcast %eq3A_1240 : i32 to vector<12x128xi32>
    %eq3A_1242 = arith.cmpi eq, %shift_right_arithmetic3A_670, %eq3A_1241 : vector<12x128xi32>
    %eq3A_1243 = arith.constant 1 : i32
    %eq3A_1244 = vector.broadcast %eq3A_1243 : i32 to vector<12x128xi32>
    %eq3A_1245 = arith.cmpi eq, %shift_right_arithmetic3A_670, %eq3A_1244 : vector<12x128xi32>
    %select_n3A_1246 = arith.select %eq3A_1245, %gather3A_1228, %gather3A_1239 : vector<12x128xi1>, vector<12x128xf32>
    %select_n3A_1247 = arith.select %eq3A_1242, %gather3A_1217, %select_n3A_1246 : vector<12x128xi1>, vector<12x128xf32>
    %slice3A_1248 = vector.extract_strided_slice %get3A_3 {offsets = [0, 5376], sizes = [12, 128], strides = [1, 1]} : vector<12x6144xf32> to vector<12x128xf32>
    %lt3A_1249 = arith.constant 0 : i32
    %lt3A_1250 = vector.broadcast %lt3A_1249 : i32 to vector<12x128xi32>
    %lt3A_1251 = arith.cmpi slt, %and3A_673, %lt3A_1250 : vector<12x128xi32>
    %add3A_1252 = arith.constant 128 : i32
    %add3A_1253 = vector.broadcast %add3A_1252 : i32 to vector<12x128xi32>
    %add3A_1254 = arith.addi %and3A_673, %add3A_1253 : vector<12x128xi32>
    %select_n3A_1255 = arith.select %lt3A_1251, %add3A_1254, %and3A_673 : vector<12x128xi1>, vector<12x128xi32>
    %reshape3A_1256 = vector.shape_cast %select_n3A_1255 : vector<12x128xi32> to vector<12x128x1xi32>
    %gather3A_1257 = vector.shape_cast %reshape3A_1256 : vector<12x128x1xi32> to vector<12x128xi32>
    %gather3A_1258 = tpu.dynamic_gather %slice3A_1248[%gather3A_1257] in [1] : vector<12x128xf32>, vector<12x128xi32> -> vector<12x128xf32>
    %slice3A_1259 = vector.extract_strided_slice %get3A_3 {offsets = [0, 5504], sizes = [12, 128], strides = [1, 1]} : vector<12x6144xf32> to vector<12x128xf32>
    %lt3A_1260 = arith.constant 0 : i32
    %lt3A_1261 = vector.broadcast %lt3A_1260 : i32 to vector<12x128xi32>
    %lt3A_1262 = arith.cmpi slt, %and3A_673, %lt3A_1261 : vector<12x128xi32>
    %add3A_1263 = arith.constant 128 : i32
    %add3A_1264 = vector.broadcast %add3A_1263 : i32 to vector<12x128xi32>
    %add3A_1265 = arith.addi %and3A_673, %add3A_1264 : vector<12x128xi32>
    %select_n3A_1266 = arith.select %lt3A_1262, %add3A_1265, %and3A_673 : vector<12x128xi1>, vector<12x128xi32>
    %reshape3A_1267 = vector.shape_cast %select_n3A_1266 : vector<12x128xi32> to vector<12x128x1xi32>
    %gather3A_1268 = vector.shape_cast %reshape3A_1267 : vector<12x128x1xi32> to vector<12x128xi32>
    %gather3A_1269 = tpu.dynamic_gather %slice3A_1259[%gather3A_1268] in [1] : vector<12x128xf32>, vector<12x128xi32> -> vector<12x128xf32>
    %slice3A_1270 = vector.extract_strided_slice %get3A_3 {offsets = [0, 5632], sizes = [12, 128], strides = [1, 1]} : vector<12x6144xf32> to vector<12x128xf32>
    %lt3A_1271 = arith.constant 0 : i32
    %lt3A_1272 = vector.broadcast %lt3A_1271 : i32 to vector<12x128xi32>
    %lt3A_1273 = arith.cmpi slt, %and3A_673, %lt3A_1272 : vector<12x128xi32>
    %add3A_1274 = arith.constant 128 : i32
    %add3A_1275 = vector.broadcast %add3A_1274 : i32 to vector<12x128xi32>
    %add3A_1276 = arith.addi %and3A_673, %add3A_1275 : vector<12x128xi32>
    %select_n3A_1277 = arith.select %lt3A_1273, %add3A_1276, %and3A_673 : vector<12x128xi1>, vector<12x128xi32>
    %reshape3A_1278 = vector.shape_cast %select_n3A_1277 : vector<12x128xi32> to vector<12x128x1xi32>
    %gather3A_1279 = vector.shape_cast %reshape3A_1278 : vector<12x128x1xi32> to vector<12x128xi32>
    %gather3A_1280 = tpu.dynamic_gather %slice3A_1270[%gather3A_1279] in [1] : vector<12x128xf32>, vector<12x128xi32> -> vector<12x128xf32>
    %eq3A_1281 = arith.constant 0 : i32
    %eq3A_1282 = vector.broadcast %eq3A_1281 : i32 to vector<12x128xi32>
    %eq3A_1283 = arith.cmpi eq, %shift_right_arithmetic3A_670, %eq3A_1282 : vector<12x128xi32>
    %eq3A_1284 = arith.constant 1 : i32
    %eq3A_1285 = vector.broadcast %eq3A_1284 : i32 to vector<12x128xi32>
    %eq3A_1286 = arith.cmpi eq, %shift_right_arithmetic3A_670, %eq3A_1285 : vector<12x128xi32>
    %select_n3A_1287 = arith.select %eq3A_1286, %gather3A_1269, %gather3A_1280 : vector<12x128xi1>, vector<12x128xf32>
    %select_n3A_1288 = arith.select %eq3A_1283, %gather3A_1258, %select_n3A_1287 : vector<12x128xi1>, vector<12x128xf32>
    %slice3A_1289 = vector.extract_strided_slice %get3A_3 {offsets = [0, 5760], sizes = [12, 128], strides = [1, 1]} : vector<12x6144xf32> to vector<12x128xf32>
    %lt3A_1290 = arith.constant 0 : i32
    %lt3A_1291 = vector.broadcast %lt3A_1290 : i32 to vector<12x128xi32>
    %lt3A_1292 = arith.cmpi slt, %and3A_673, %lt3A_1291 : vector<12x128xi32>
    %add3A_1293 = arith.constant 128 : i32
    %add3A_1294 = vector.broadcast %add3A_1293 : i32 to vector<12x128xi32>
    %add3A_1295 = arith.addi %and3A_673, %add3A_1294 : vector<12x128xi32>
    %select_n3A_1296 = arith.select %lt3A_1292, %add3A_1295, %and3A_673 : vector<12x128xi1>, vector<12x128xi32>
    %reshape3A_1297 = vector.shape_cast %select_n3A_1296 : vector<12x128xi32> to vector<12x128x1xi32>
    %gather3A_1298 = vector.shape_cast %reshape3A_1297 : vector<12x128x1xi32> to vector<12x128xi32>
    %gather3A_1299 = tpu.dynamic_gather %slice3A_1289[%gather3A_1298] in [1] : vector<12x128xf32>, vector<12x128xi32> -> vector<12x128xf32>
    %slice3A_1300 = vector.extract_strided_slice %get3A_3 {offsets = [0, 5888], sizes = [12, 128], strides = [1, 1]} : vector<12x6144xf32> to vector<12x128xf32>
    %lt3A_1301 = arith.constant 0 : i32
    %lt3A_1302 = vector.broadcast %lt3A_1301 : i32 to vector<12x128xi32>
    %lt3A_1303 = arith.cmpi slt, %and3A_673, %lt3A_1302 : vector<12x128xi32>
    %add3A_1304 = arith.constant 128 : i32
    %add3A_1305 = vector.broadcast %add3A_1304 : i32 to vector<12x128xi32>
    %add3A_1306 = arith.addi %and3A_673, %add3A_1305 : vector<12x128xi32>
    %select_n3A_1307 = arith.select %lt3A_1303, %add3A_1306, %and3A_673 : vector<12x128xi1>, vector<12x128xi32>
    %reshape3A_1308 = vector.shape_cast %select_n3A_1307 : vector<12x128xi32> to vector<12x128x1xi32>
    %gather3A_1309 = vector.shape_cast %reshape3A_1308 : vector<12x128x1xi32> to vector<12x128xi32>
    %gather3A_1310 = tpu.dynamic_gather %slice3A_1300[%gather3A_1309] in [1] : vector<12x128xf32>, vector<12x128xi32> -> vector<12x128xf32>
    %slice3A_1311 = vector.extract_strided_slice %get3A_3 {offsets = [0, 6016], sizes = [12, 128], strides = [1, 1]} : vector<12x6144xf32> to vector<12x128xf32>
    %lt3A_1312 = arith.constant 0 : i32
    %lt3A_1313 = vector.broadcast %lt3A_1312 : i32 to vector<12x128xi32>
    %lt3A_1314 = arith.cmpi slt, %and3A_673, %lt3A_1313 : vector<12x128xi32>
    %add3A_1315 = arith.constant 128 : i32
    %add3A_1316 = vector.broadcast %add3A_1315 : i32 to vector<12x128xi32>
    %add3A_1317 = arith.addi %and3A_673, %add3A_1316 : vector<12x128xi32>
    %select_n3A_1318 = arith.select %lt3A_1314, %add3A_1317, %and3A_673 : vector<12x128xi1>, vector<12x128xi32>
    %reshape3A_1319 = vector.shape_cast %select_n3A_1318 : vector<12x128xi32> to vector<12x128x1xi32>
    %gather3A_1320 = vector.shape_cast %reshape3A_1319 : vector<12x128x1xi32> to vector<12x128xi32>
    %gather3A_1321 = tpu.dynamic_gather %slice3A_1311[%gather3A_1320] in [1] : vector<12x128xf32>, vector<12x128xi32> -> vector<12x128xf32>
    %eq3A_1322 = arith.constant 0 : i32
    %eq3A_1323 = vector.broadcast %eq3A_1322 : i32 to vector<12x128xi32>
    %eq3A_1324 = arith.cmpi eq, %shift_right_arithmetic3A_670, %eq3A_1323 : vector<12x128xi32>
    %eq3A_1325 = arith.constant 1 : i32
    %eq3A_1326 = vector.broadcast %eq3A_1325 : i32 to vector<12x128xi32>
    %eq3A_1327 = arith.cmpi eq, %shift_right_arithmetic3A_670, %eq3A_1326 : vector<12x128xi32>
    %select_n3A_1328 = arith.select %eq3A_1327, %gather3A_1310, %gather3A_1321 : vector<12x128xi1>, vector<12x128xf32>
    %select_n3A_1329 = arith.select %eq3A_1324, %gather3A_1299, %select_n3A_1328 : vector<12x128xi1>, vector<12x128xf32>
    %concatenate3A_1330 = tpu.concatenate %select_n3A_714, %select_n3A_755, %select_n3A_796, %select_n3A_837, %select_n3A_878, %select_n3A_919, %select_n3A_960, %select_n3A_1001, %select_n3A_1042, %select_n3A_1083, %select_n3A_1124, %select_n3A_1165, %select_n3A_1206, %select_n3A_1247, %select_n3A_1288, %select_n3A_1329 in 1 : vector<12x128xf32>, vector<12x128xf32>, vector<12x128xf32>, vector<12x128xf32>, vector<12x128xf32>, vector<12x128xf32>, vector<12x128xf32>, vector<12x128xf32>, vector<12x128xf32>, vector<12x128xf32>, vector<12x128xf32>, vector<12x128xf32>, vector<12x128xf32>, vector<12x128xf32>, vector<12x128xf32>, vector<12x128xf32> -> vector<12x2048xf32>
    %mul3A_1331 = arith.constant 3 : i32
    %mul3A_1332 = vector.broadcast %mul3A_1331 : i32 to vector<12x128xi32>
    %mul3A_1333 = arith.muli %mul3A_1332, %iota3A : vector<12x128xi32>
    %add3A_1334 = arith.constant 2 : i32
    %add3A_1335 = vector.broadcast %add3A_1334 : i32 to vector<12x128xi32>
    %add3A_1336 = arith.addi %mul3A_1333, %add3A_1335 : vector<12x128xi32>
    %shift_right_arithmetic3A_1337 = arith.constant 7 : i32
    %shift_right_arithmetic3A_1338 = vector.broadcast %shift_right_arithmetic3A_1337 : i32 to vector<12x128xi32>
    %shift_right_arithmetic3A_1339 = arith.shrsi %add3A_1336, %shift_right_arithmetic3A_1338 : vector<12x128xi32>
    %and3A_1340 = arith.constant 127 : i32
    %and3A_1341 = vector.broadcast %and3A_1340 : i32 to vector<12x128xi32>
    %and3A_1342 = arith.andi %add3A_1336, %and3A_1341 : vector<12x128xi32>
    %slice3A_1343 = vector.extract_strided_slice %get3A_3 {offsets = [0, 0], sizes = [12, 128], strides = [1, 1]} : vector<12x6144xf32> to vector<12x128xf32>
    %lt3A_1344 = arith.constant 0 : i32
    %lt3A_1345 = vector.broadcast %lt3A_1344 : i32 to vector<12x128xi32>
    %lt3A_1346 = arith.cmpi slt, %and3A_1342, %lt3A_1345 : vector<12x128xi32>
    %add3A_1347 = arith.constant 128 : i32
    %add3A_1348 = vector.broadcast %add3A_1347 : i32 to vector<12x128xi32>
    %add3A_1349 = arith.addi %and3A_1342, %add3A_1348 : vector<12x128xi32>
    %select_n3A_1350 = arith.select %lt3A_1346, %add3A_1349, %and3A_1342 : vector<12x128xi1>, vector<12x128xi32>
    %reshape3A_1351 = vector.shape_cast %select_n3A_1350 : vector<12x128xi32> to vector<12x128x1xi32>
    %gather3A_1352 = vector.shape_cast %reshape3A_1351 : vector<12x128x1xi32> to vector<12x128xi32>
    %gather3A_1353 = tpu.dynamic_gather %slice3A_1343[%gather3A_1352] in [1] : vector<12x128xf32>, vector<12x128xi32> -> vector<12x128xf32>
    %slice3A_1354 = vector.extract_strided_slice %get3A_3 {offsets = [0, 128], sizes = [12, 128], strides = [1, 1]} : vector<12x6144xf32> to vector<12x128xf32>
    %lt3A_1355 = arith.constant 0 : i32
    %lt3A_1356 = vector.broadcast %lt3A_1355 : i32 to vector<12x128xi32>
    %lt3A_1357 = arith.cmpi slt, %and3A_1342, %lt3A_1356 : vector<12x128xi32>
    %add3A_1358 = arith.constant 128 : i32
    %add3A_1359 = vector.broadcast %add3A_1358 : i32 to vector<12x128xi32>
    %add3A_1360 = arith.addi %and3A_1342, %add3A_1359 : vector<12x128xi32>
    %select_n3A_1361 = arith.select %lt3A_1357, %add3A_1360, %and3A_1342 : vector<12x128xi1>, vector<12x128xi32>
    %reshape3A_1362 = vector.shape_cast %select_n3A_1361 : vector<12x128xi32> to vector<12x128x1xi32>
    %gather3A_1363 = vector.shape_cast %reshape3A_1362 : vector<12x128x1xi32> to vector<12x128xi32>
    %gather3A_1364 = tpu.dynamic_gather %slice3A_1354[%gather3A_1363] in [1] : vector<12x128xf32>, vector<12x128xi32> -> vector<12x128xf32>
    %slice3A_1365 = vector.extract_strided_slice %get3A_3 {offsets = [0, 256], sizes = [12, 128], strides = [1, 1]} : vector<12x6144xf32> to vector<12x128xf32>
    %lt3A_1366 = arith.constant 0 : i32
    %lt3A_1367 = vector.broadcast %lt3A_1366 : i32 to vector<12x128xi32>
    %lt3A_1368 = arith.cmpi slt, %and3A_1342, %lt3A_1367 : vector<12x128xi32>
    %add3A_1369 = arith.constant 128 : i32
    %add3A_1370 = vector.broadcast %add3A_1369 : i32 to vector<12x128xi32>
    %add3A_1371 = arith.addi %and3A_1342, %add3A_1370 : vector<12x128xi32>
    %select_n3A_1372 = arith.select %lt3A_1368, %add3A_1371, %and3A_1342 : vector<12x128xi1>, vector<12x128xi32>
    %reshape3A_1373 = vector.shape_cast %select_n3A_1372 : vector<12x128xi32> to vector<12x128x1xi32>
    %gather3A_1374 = vector.shape_cast %reshape3A_1373 : vector<12x128x1xi32> to vector<12x128xi32>
    %gather3A_1375 = tpu.dynamic_gather %slice3A_1365[%gather3A_1374] in [1] : vector<12x128xf32>, vector<12x128xi32> -> vector<12x128xf32>
    %eq3A_1376 = arith.constant 0 : i32
    %eq3A_1377 = vector.broadcast %eq3A_1376 : i32 to vector<12x128xi32>
    %eq3A_1378 = arith.cmpi eq, %shift_right_arithmetic3A_1339, %eq3A_1377 : vector<12x128xi32>
    %eq3A_1379 = arith.constant 1 : i32
    %eq3A_1380 = vector.broadcast %eq3A_1379 : i32 to vector<12x128xi32>
    %eq3A_1381 = arith.cmpi eq, %shift_right_arithmetic3A_1339, %eq3A_1380 : vector<12x128xi32>
    %select_n3A_1382 = arith.select %eq3A_1381, %gather3A_1364, %gather3A_1375 : vector<12x128xi1>, vector<12x128xf32>
    %select_n3A_1383 = arith.select %eq3A_1378, %gather3A_1353, %select_n3A_1382 : vector<12x128xi1>, vector<12x128xf32>
    %slice3A_1384 = vector.extract_strided_slice %get3A_3 {offsets = [0, 384], sizes = [12, 128], strides = [1, 1]} : vector<12x6144xf32> to vector<12x128xf32>
    %lt3A_1385 = arith.constant 0 : i32
    %lt3A_1386 = vector.broadcast %lt3A_1385 : i32 to vector<12x128xi32>
    %lt3A_1387 = arith.cmpi slt, %and3A_1342, %lt3A_1386 : vector<12x128xi32>
    %add3A_1388 = arith.constant 128 : i32
    %add3A_1389 = vector.broadcast %add3A_1388 : i32 to vector<12x128xi32>
    %add3A_1390 = arith.addi %and3A_1342, %add3A_1389 : vector<12x128xi32>
    %select_n3A_1391 = arith.select %lt3A_1387, %add3A_1390, %and3A_1342 : vector<12x128xi1>, vector<12x128xi32>
    %reshape3A_1392 = vector.shape_cast %select_n3A_1391 : vector<12x128xi32> to vector<12x128x1xi32>
    %gather3A_1393 = vector.shape_cast %reshape3A_1392 : vector<12x128x1xi32> to vector<12x128xi32>
    %gather3A_1394 = tpu.dynamic_gather %slice3A_1384[%gather3A_1393] in [1] : vector<12x128xf32>, vector<12x128xi32> -> vector<12x128xf32>
    %slice3A_1395 = vector.extract_strided_slice %get3A_3 {offsets = [0, 512], sizes = [12, 128], strides = [1, 1]} : vector<12x6144xf32> to vector<12x128xf32>
    %lt3A_1396 = arith.constant 0 : i32
    %lt3A_1397 = vector.broadcast %lt3A_1396 : i32 to vector<12x128xi32>
    %lt3A_1398 = arith.cmpi slt, %and3A_1342, %lt3A_1397 : vector<12x128xi32>
    %add3A_1399 = arith.constant 128 : i32
    %add3A_1400 = vector.broadcast %add3A_1399 : i32 to vector<12x128xi32>
    %add3A_1401 = arith.addi %and3A_1342, %add3A_1400 : vector<12x128xi32>
    %select_n3A_1402 = arith.select %lt3A_1398, %add3A_1401, %and3A_1342 : vector<12x128xi1>, vector<12x128xi32>
    %reshape3A_1403 = vector.shape_cast %select_n3A_1402 : vector<12x128xi32> to vector<12x128x1xi32>
    %gather3A_1404 = vector.shape_cast %reshape3A_1403 : vector<12x128x1xi32> to vector<12x128xi32>
    %gather3A_1405 = tpu.dynamic_gather %slice3A_1395[%gather3A_1404] in [1] : vector<12x128xf32>, vector<12x128xi32> -> vector<12x128xf32>
    %slice3A_1406 = vector.extract_strided_slice %get3A_3 {offsets = [0, 640], sizes = [12, 128], strides = [1, 1]} : vector<12x6144xf32> to vector<12x128xf32>
    %lt3A_1407 = arith.constant 0 : i32
    %lt3A_1408 = vector.broadcast %lt3A_1407 : i32 to vector<12x128xi32>
    %lt3A_1409 = arith.cmpi slt, %and3A_1342, %lt3A_1408 : vector<12x128xi32>
    %add3A_1410 = arith.constant 128 : i32
    %add3A_1411 = vector.broadcast %add3A_1410 : i32 to vector<12x128xi32>
    %add3A_1412 = arith.addi %and3A_1342, %add3A_1411 : vector<12x128xi32>
    %select_n3A_1413 = arith.select %lt3A_1409, %add3A_1412, %and3A_1342 : vector<12x128xi1>, vector<12x128xi32>
    %reshape3A_1414 = vector.shape_cast %select_n3A_1413 : vector<12x128xi32> to vector<12x128x1xi32>
    %gather3A_1415 = vector.shape_cast %reshape3A_1414 : vector<12x128x1xi32> to vector<12x128xi32>
    %gather3A_1416 = tpu.dynamic_gather %slice3A_1406[%gather3A_1415] in [1] : vector<12x128xf32>, vector<12x128xi32> -> vector<12x128xf32>
    %eq3A_1417 = arith.constant 0 : i32
    %eq3A_1418 = vector.broadcast %eq3A_1417 : i32 to vector<12x128xi32>
    %eq3A_1419 = arith.cmpi eq, %shift_right_arithmetic3A_1339, %eq3A_1418 : vector<12x128xi32>
    %eq3A_1420 = arith.constant 1 : i32
    %eq3A_1421 = vector.broadcast %eq3A_1420 : i32 to vector<12x128xi32>
    %eq3A_1422 = arith.cmpi eq, %shift_right_arithmetic3A_1339, %eq3A_1421 : vector<12x128xi32>
    %select_n3A_1423 = arith.select %eq3A_1422, %gather3A_1405, %gather3A_1416 : vector<12x128xi1>, vector<12x128xf32>
    %select_n3A_1424 = arith.select %eq3A_1419, %gather3A_1394, %select_n3A_1423 : vector<12x128xi1>, vector<12x128xf32>
    %slice3A_1425 = vector.extract_strided_slice %get3A_3 {offsets = [0, 768], sizes = [12, 128], strides = [1, 1]} : vector<12x6144xf32> to vector<12x128xf32>
    %lt3A_1426 = arith.constant 0 : i32
    %lt3A_1427 = vector.broadcast %lt3A_1426 : i32 to vector<12x128xi32>
    %lt3A_1428 = arith.cmpi slt, %and3A_1342, %lt3A_1427 : vector<12x128xi32>
    %add3A_1429 = arith.constant 128 : i32
    %add3A_1430 = vector.broadcast %add3A_1429 : i32 to vector<12x128xi32>
    %add3A_1431 = arith.addi %and3A_1342, %add3A_1430 : vector<12x128xi32>
    %select_n3A_1432 = arith.select %lt3A_1428, %add3A_1431, %and3A_1342 : vector<12x128xi1>, vector<12x128xi32>
    %reshape3A_1433 = vector.shape_cast %select_n3A_1432 : vector<12x128xi32> to vector<12x128x1xi32>
    %gather3A_1434 = vector.shape_cast %reshape3A_1433 : vector<12x128x1xi32> to vector<12x128xi32>
    %gather3A_1435 = tpu.dynamic_gather %slice3A_1425[%gather3A_1434] in [1] : vector<12x128xf32>, vector<12x128xi32> -> vector<12x128xf32>
    %slice3A_1436 = vector.extract_strided_slice %get3A_3 {offsets = [0, 896], sizes = [12, 128], strides = [1, 1]} : vector<12x6144xf32> to vector<12x128xf32>
    %lt3A_1437 = arith.constant 0 : i32
    %lt3A_1438 = vector.broadcast %lt3A_1437 : i32 to vector<12x128xi32>
    %lt3A_1439 = arith.cmpi slt, %and3A_1342, %lt3A_1438 : vector<12x128xi32>
    %add3A_1440 = arith.constant 128 : i32
    %add3A_1441 = vector.broadcast %add3A_1440 : i32 to vector<12x128xi32>
    %add3A_1442 = arith.addi %and3A_1342, %add3A_1441 : vector<12x128xi32>
    %select_n3A_1443 = arith.select %lt3A_1439, %add3A_1442, %and3A_1342 : vector<12x128xi1>, vector<12x128xi32>
    %reshape3A_1444 = vector.shape_cast %select_n3A_1443 : vector<12x128xi32> to vector<12x128x1xi32>
    %gather3A_1445 = vector.shape_cast %reshape3A_1444 : vector<12x128x1xi32> to vector<12x128xi32>
    %gather3A_1446 = tpu.dynamic_gather %slice3A_1436[%gather3A_1445] in [1] : vector<12x128xf32>, vector<12x128xi32> -> vector<12x128xf32>
    %slice3A_1447 = vector.extract_strided_slice %get3A_3 {offsets = [0, 1024], sizes = [12, 128], strides = [1, 1]} : vector<12x6144xf32> to vector<12x128xf32>
    %lt3A_1448 = arith.constant 0 : i32
    %lt3A_1449 = vector.broadcast %lt3A_1448 : i32 to vector<12x128xi32>
    %lt3A_1450 = arith.cmpi slt, %and3A_1342, %lt3A_1449 : vector<12x128xi32>
    %add3A_1451 = arith.constant 128 : i32
    %add3A_1452 = vector.broadcast %add3A_1451 : i32 to vector<12x128xi32>
    %add3A_1453 = arith.addi %and3A_1342, %add3A_1452 : vector<12x128xi32>
    %select_n3A_1454 = arith.select %lt3A_1450, %add3A_1453, %and3A_1342 : vector<12x128xi1>, vector<12x128xi32>
    %reshape3A_1455 = vector.shape_cast %select_n3A_1454 : vector<12x128xi32> to vector<12x128x1xi32>
    %gather3A_1456 = vector.shape_cast %reshape3A_1455 : vector<12x128x1xi32> to vector<12x128xi32>
    %gather3A_1457 = tpu.dynamic_gather %slice3A_1447[%gather3A_1456] in [1] : vector<12x128xf32>, vector<12x128xi32> -> vector<12x128xf32>
    %eq3A_1458 = arith.constant 0 : i32
    %eq3A_1459 = vector.broadcast %eq3A_1458 : i32 to vector<12x128xi32>
    %eq3A_1460 = arith.cmpi eq, %shift_right_arithmetic3A_1339, %eq3A_1459 : vector<12x128xi32>
    %eq3A_1461 = arith.constant 1 : i32
    %eq3A_1462 = vector.broadcast %eq3A_1461 : i32 to vector<12x128xi32>
    %eq3A_1463 = arith.cmpi eq, %shift_right_arithmetic3A_1339, %eq3A_1462 : vector<12x128xi32>
    %select_n3A_1464 = arith.select %eq3A_1463, %gather3A_1446, %gather3A_1457 : vector<12x128xi1>, vector<12x128xf32>
    %select_n3A_1465 = arith.select %eq3A_1460, %gather3A_1435, %select_n3A_1464 : vector<12x128xi1>, vector<12x128xf32>
    %slice3A_1466 = vector.extract_strided_slice %get3A_3 {offsets = [0, 1152], sizes = [12, 128], strides = [1, 1]} : vector<12x6144xf32> to vector<12x128xf32>
    %lt3A_1467 = arith.constant 0 : i32
    %lt3A_1468 = vector.broadcast %lt3A_1467 : i32 to vector<12x128xi32>
    %lt3A_1469 = arith.cmpi slt, %and3A_1342, %lt3A_1468 : vector<12x128xi32>
    %add3A_1470 = arith.constant 128 : i32
    %add3A_1471 = vector.broadcast %add3A_1470 : i32 to vector<12x128xi32>
    %add3A_1472 = arith.addi %and3A_1342, %add3A_1471 : vector<12x128xi32>
    %select_n3A_1473 = arith.select %lt3A_1469, %add3A_1472, %and3A_1342 : vector<12x128xi1>, vector<12x128xi32>
    %reshape3A_1474 = vector.shape_cast %select_n3A_1473 : vector<12x128xi32> to vector<12x128x1xi32>
    %gather3A_1475 = vector.shape_cast %reshape3A_1474 : vector<12x128x1xi32> to vector<12x128xi32>
    %gather3A_1476 = tpu.dynamic_gather %slice3A_1466[%gather3A_1475] in [1] : vector<12x128xf32>, vector<12x128xi32> -> vector<12x128xf32>
    %slice3A_1477 = vector.extract_strided_slice %get3A_3 {offsets = [0, 1280], sizes = [12, 128], strides = [1, 1]} : vector<12x6144xf32> to vector<12x128xf32>
    %lt3A_1478 = arith.constant 0 : i32
    %lt3A_1479 = vector.broadcast %lt3A_1478 : i32 to vector<12x128xi32>
    %lt3A_1480 = arith.cmpi slt, %and3A_1342, %lt3A_1479 : vector<12x128xi32>
    %add3A_1481 = arith.constant 128 : i32
    %add3A_1482 = vector.broadcast %add3A_1481 : i32 to vector<12x128xi32>
    %add3A_1483 = arith.addi %and3A_1342, %add3A_1482 : vector<12x128xi32>
    %select_n3A_1484 = arith.select %lt3A_1480, %add3A_1483, %and3A_1342 : vector<12x128xi1>, vector<12x128xi32>
    %reshape3A_1485 = vector.shape_cast %select_n3A_1484 : vector<12x128xi32> to vector<12x128x1xi32>
    %gather3A_1486 = vector.shape_cast %reshape3A_1485 : vector<12x128x1xi32> to vector<12x128xi32>
    %gather3A_1487 = tpu.dynamic_gather %slice3A_1477[%gather3A_1486] in [1] : vector<12x128xf32>, vector<12x128xi32> -> vector<12x128xf32>
    %slice3A_1488 = vector.extract_strided_slice %get3A_3 {offsets = [0, 1408], sizes = [12, 128], strides = [1, 1]} : vector<12x6144xf32> to vector<12x128xf32>
    %lt3A_1489 = arith.constant 0 : i32
    %lt3A_1490 = vector.broadcast %lt3A_1489 : i32 to vector<12x128xi32>
    %lt3A_1491 = arith.cmpi slt, %and3A_1342, %lt3A_1490 : vector<12x128xi32>
    %add3A_1492 = arith.constant 128 : i32
    %add3A_1493 = vector.broadcast %add3A_1492 : i32 to vector<12x128xi32>
    %add3A_1494 = arith.addi %and3A_1342, %add3A_1493 : vector<12x128xi32>
    %select_n3A_1495 = arith.select %lt3A_1491, %add3A_1494, %and3A_1342 : vector<12x128xi1>, vector<12x128xi32>
    %reshape3A_1496 = vector.shape_cast %select_n3A_1495 : vector<12x128xi32> to vector<12x128x1xi32>
    %gather3A_1497 = vector.shape_cast %reshape3A_1496 : vector<12x128x1xi32> to vector<12x128xi32>
    %gather3A_1498 = tpu.dynamic_gather %slice3A_1488[%gather3A_1497] in [1] : vector<12x128xf32>, vector<12x128xi32> -> vector<12x128xf32>
    %eq3A_1499 = arith.constant 0 : i32
    %eq3A_1500 = vector.broadcast %eq3A_1499 : i32 to vector<12x128xi32>
    %eq3A_1501 = arith.cmpi eq, %shift_right_arithmetic3A_1339, %eq3A_1500 : vector<12x128xi32>
    %eq3A_1502 = arith.constant 1 : i32
    %eq3A_1503 = vector.broadcast %eq3A_1502 : i32 to vector<12x128xi32>
    %eq3A_1504 = arith.cmpi eq, %shift_right_arithmetic3A_1339, %eq3A_1503 : vector<12x128xi32>
    %select_n3A_1505 = arith.select %eq3A_1504, %gather3A_1487, %gather3A_1498 : vector<12x128xi1>, vector<12x128xf32>
    %select_n3A_1506 = arith.select %eq3A_1501, %gather3A_1476, %select_n3A_1505 : vector<12x128xi1>, vector<12x128xf32>
    %slice3A_1507 = vector.extract_strided_slice %get3A_3 {offsets = [0, 1536], sizes = [12, 128], strides = [1, 1]} : vector<12x6144xf32> to vector<12x128xf32>
    %lt3A_1508 = arith.constant 0 : i32
    %lt3A_1509 = vector.broadcast %lt3A_1508 : i32 to vector<12x128xi32>
    %lt3A_1510 = arith.cmpi slt, %and3A_1342, %lt3A_1509 : vector<12x128xi32>
    %add3A_1511 = arith.constant 128 : i32
    %add3A_1512 = vector.broadcast %add3A_1511 : i32 to vector<12x128xi32>
    %add3A_1513 = arith.addi %and3A_1342, %add3A_1512 : vector<12x128xi32>
    %select_n3A_1514 = arith.select %lt3A_1510, %add3A_1513, %and3A_1342 : vector<12x128xi1>, vector<12x128xi32>
    %reshape3A_1515 = vector.shape_cast %select_n3A_1514 : vector<12x128xi32> to vector<12x128x1xi32>
    %gather3A_1516 = vector.shape_cast %reshape3A_1515 : vector<12x128x1xi32> to vector<12x128xi32>
    %gather3A_1517 = tpu.dynamic_gather %slice3A_1507[%gather3A_1516] in [1] : vector<12x128xf32>, vector<12x128xi32> -> vector<12x128xf32>
    %slice3A_1518 = vector.extract_strided_slice %get3A_3 {offsets = [0, 1664], sizes = [12, 128], strides = [1, 1]} : vector<12x6144xf32> to vector<12x128xf32>
    %lt3A_1519 = arith.constant 0 : i32
    %lt3A_1520 = vector.broadcast %lt3A_1519 : i32 to vector<12x128xi32>
    %lt3A_1521 = arith.cmpi slt, %and3A_1342, %lt3A_1520 : vector<12x128xi32>
    %add3A_1522 = arith.constant 128 : i32
    %add3A_1523 = vector.broadcast %add3A_1522 : i32 to vector<12x128xi32>
    %add3A_1524 = arith.addi %and3A_1342, %add3A_1523 : vector<12x128xi32>
    %select_n3A_1525 = arith.select %lt3A_1521, %add3A_1524, %and3A_1342 : vector<12x128xi1>, vector<12x128xi32>
    %reshape3A_1526 = vector.shape_cast %select_n3A_1525 : vector<12x128xi32> to vector<12x128x1xi32>
    %gather3A_1527 = vector.shape_cast %reshape3A_1526 : vector<12x128x1xi32> to vector<12x128xi32>
    %gather3A_1528 = tpu.dynamic_gather %slice3A_1518[%gather3A_1527] in [1] : vector<12x128xf32>, vector<12x128xi32> -> vector<12x128xf32>
    %slice3A_1529 = vector.extract_strided_slice %get3A_3 {offsets = [0, 1792], sizes = [12, 128], strides = [1, 1]} : vector<12x6144xf32> to vector<12x128xf32>
    %lt3A_1530 = arith.constant 0 : i32
    %lt3A_1531 = vector.broadcast %lt3A_1530 : i32 to vector<12x128xi32>
    %lt3A_1532 = arith.cmpi slt, %and3A_1342, %lt3A_1531 : vector<12x128xi32>
    %add3A_1533 = arith.constant 128 : i32
    %add3A_1534 = vector.broadcast %add3A_1533 : i32 to vector<12x128xi32>
    %add3A_1535 = arith.addi %and3A_1342, %add3A_1534 : vector<12x128xi32>
    %select_n3A_1536 = arith.select %lt3A_1532, %add3A_1535, %and3A_1342 : vector<12x128xi1>, vector<12x128xi32>
    %reshape3A_1537 = vector.shape_cast %select_n3A_1536 : vector<12x128xi32> to vector<12x128x1xi32>
    %gather3A_1538 = vector.shape_cast %reshape3A_1537 : vector<12x128x1xi32> to vector<12x128xi32>
    %gather3A_1539 = tpu.dynamic_gather %slice3A_1529[%gather3A_1538] in [1] : vector<12x128xf32>, vector<12x128xi32> -> vector<12x128xf32>
    %eq3A_1540 = arith.constant 0 : i32
    %eq3A_1541 = vector.broadcast %eq3A_1540 : i32 to vector<12x128xi32>
    %eq3A_1542 = arith.cmpi eq, %shift_right_arithmetic3A_1339, %eq3A_1541 : vector<12x128xi32>
    %eq3A_1543 = arith.constant 1 : i32
    %eq3A_1544 = vector.broadcast %eq3A_1543 : i32 to vector<12x128xi32>
    %eq3A_1545 = arith.cmpi eq, %shift_right_arithmetic3A_1339, %eq3A_1544 : vector<12x128xi32>
    %select_n3A_1546 = arith.select %eq3A_1545, %gather3A_1528, %gather3A_1539 : vector<12x128xi1>, vector<12x128xf32>
    %select_n3A_1547 = arith.select %eq3A_1542, %gather3A_1517, %select_n3A_1546 : vector<12x128xi1>, vector<12x128xf32>
    %slice3A_1548 = vector.extract_strided_slice %get3A_3 {offsets = [0, 1920], sizes = [12, 128], strides = [1, 1]} : vector<12x6144xf32> to vector<12x128xf32>
    %lt3A_1549 = arith.constant 0 : i32
    %lt3A_1550 = vector.broadcast %lt3A_1549 : i32 to vector<12x128xi32>
    %lt3A_1551 = arith.cmpi slt, %and3A_1342, %lt3A_1550 : vector<12x128xi32>
    %add3A_1552 = arith.constant 128 : i32
    %add3A_1553 = vector.broadcast %add3A_1552 : i32 to vector<12x128xi32>
    %add3A_1554 = arith.addi %and3A_1342, %add3A_1553 : vector<12x128xi32>
    %select_n3A_1555 = arith.select %lt3A_1551, %add3A_1554, %and3A_1342 : vector<12x128xi1>, vector<12x128xi32>
    %reshape3A_1556 = vector.shape_cast %select_n3A_1555 : vector<12x128xi32> to vector<12x128x1xi32>
    %gather3A_1557 = vector.shape_cast %reshape3A_1556 : vector<12x128x1xi32> to vector<12x128xi32>
    %gather3A_1558 = tpu.dynamic_gather %slice3A_1548[%gather3A_1557] in [1] : vector<12x128xf32>, vector<12x128xi32> -> vector<12x128xf32>
    %slice3A_1559 = vector.extract_strided_slice %get3A_3 {offsets = [0, 2048], sizes = [12, 128], strides = [1, 1]} : vector<12x6144xf32> to vector<12x128xf32>
    %lt3A_1560 = arith.constant 0 : i32
    %lt3A_1561 = vector.broadcast %lt3A_1560 : i32 to vector<12x128xi32>
    %lt3A_1562 = arith.cmpi slt, %and3A_1342, %lt3A_1561 : vector<12x128xi32>
    %add3A_1563 = arith.constant 128 : i32
    %add3A_1564 = vector.broadcast %add3A_1563 : i32 to vector<12x128xi32>
    %add3A_1565 = arith.addi %and3A_1342, %add3A_1564 : vector<12x128xi32>
    %select_n3A_1566 = arith.select %lt3A_1562, %add3A_1565, %and3A_1342 : vector<12x128xi1>, vector<12x128xi32>
    %reshape3A_1567 = vector.shape_cast %select_n3A_1566 : vector<12x128xi32> to vector<12x128x1xi32>
    %gather3A_1568 = vector.shape_cast %reshape3A_1567 : vector<12x128x1xi32> to vector<12x128xi32>
    %gather3A_1569 = tpu.dynamic_gather %slice3A_1559[%gather3A_1568] in [1] : vector<12x128xf32>, vector<12x128xi32> -> vector<12x128xf32>
    %slice3A_1570 = vector.extract_strided_slice %get3A_3 {offsets = [0, 2176], sizes = [12, 128], strides = [1, 1]} : vector<12x6144xf32> to vector<12x128xf32>
    %lt3A_1571 = arith.constant 0 : i32
    %lt3A_1572 = vector.broadcast %lt3A_1571 : i32 to vector<12x128xi32>
    %lt3A_1573 = arith.cmpi slt, %and3A_1342, %lt3A_1572 : vector<12x128xi32>
    %add3A_1574 = arith.constant 128 : i32
    %add3A_1575 = vector.broadcast %add3A_1574 : i32 to vector<12x128xi32>
    %add3A_1576 = arith.addi %and3A_1342, %add3A_1575 : vector<12x128xi32>
    %select_n3A_1577 = arith.select %lt3A_1573, %add3A_1576, %and3A_1342 : vector<12x128xi1>, vector<12x128xi32>
    %reshape3A_1578 = vector.shape_cast %select_n3A_1577 : vector<12x128xi32> to vector<12x128x1xi32>
    %gather3A_1579 = vector.shape_cast %reshape3A_1578 : vector<12x128x1xi32> to vector<12x128xi32>
    %gather3A_1580 = tpu.dynamic_gather %slice3A_1570[%gather3A_1579] in [1] : vector<12x128xf32>, vector<12x128xi32> -> vector<12x128xf32>
    %eq3A_1581 = arith.constant 0 : i32
    %eq3A_1582 = vector.broadcast %eq3A_1581 : i32 to vector<12x128xi32>
    %eq3A_1583 = arith.cmpi eq, %shift_right_arithmetic3A_1339, %eq3A_1582 : vector<12x128xi32>
    %eq3A_1584 = arith.constant 1 : i32
    %eq3A_1585 = vector.broadcast %eq3A_1584 : i32 to vector<12x128xi32>
    %eq3A_1586 = arith.cmpi eq, %shift_right_arithmetic3A_1339, %eq3A_1585 : vector<12x128xi32>
    %select_n3A_1587 = arith.select %eq3A_1586, %gather3A_1569, %gather3A_1580 : vector<12x128xi1>, vector<12x128xf32>
    %select_n3A_1588 = arith.select %eq3A_1583, %gather3A_1558, %select_n3A_1587 : vector<12x128xi1>, vector<12x128xf32>
    %slice3A_1589 = vector.extract_strided_slice %get3A_3 {offsets = [0, 2304], sizes = [12, 128], strides = [1, 1]} : vector<12x6144xf32> to vector<12x128xf32>
    %lt3A_1590 = arith.constant 0 : i32
    %lt3A_1591 = vector.broadcast %lt3A_1590 : i32 to vector<12x128xi32>
    %lt3A_1592 = arith.cmpi slt, %and3A_1342, %lt3A_1591 : vector<12x128xi32>
    %add3A_1593 = arith.constant 128 : i32
    %add3A_1594 = vector.broadcast %add3A_1593 : i32 to vector<12x128xi32>
    %add3A_1595 = arith.addi %and3A_1342, %add3A_1594 : vector<12x128xi32>
    %select_n3A_1596 = arith.select %lt3A_1592, %add3A_1595, %and3A_1342 : vector<12x128xi1>, vector<12x128xi32>
    %reshape3A_1597 = vector.shape_cast %select_n3A_1596 : vector<12x128xi32> to vector<12x128x1xi32>
    %gather3A_1598 = vector.shape_cast %reshape3A_1597 : vector<12x128x1xi32> to vector<12x128xi32>
    %gather3A_1599 = tpu.dynamic_gather %slice3A_1589[%gather3A_1598] in [1] : vector<12x128xf32>, vector<12x128xi32> -> vector<12x128xf32>
    %slice3A_1600 = vector.extract_strided_slice %get3A_3 {offsets = [0, 2432], sizes = [12, 128], strides = [1, 1]} : vector<12x6144xf32> to vector<12x128xf32>
    %lt3A_1601 = arith.constant 0 : i32
    %lt3A_1602 = vector.broadcast %lt3A_1601 : i32 to vector<12x128xi32>
    %lt3A_1603 = arith.cmpi slt, %and3A_1342, %lt3A_1602 : vector<12x128xi32>
    %add3A_1604 = arith.constant 128 : i32
    %add3A_1605 = vector.broadcast %add3A_1604 : i32 to vector<12x128xi32>
    %add3A_1606 = arith.addi %and3A_1342, %add3A_1605 : vector<12x128xi32>
    %select_n3A_1607 = arith.select %lt3A_1603, %add3A_1606, %and3A_1342 : vector<12x128xi1>, vector<12x128xi32>
    %reshape3A_1608 = vector.shape_cast %select_n3A_1607 : vector<12x128xi32> to vector<12x128x1xi32>
    %gather3A_1609 = vector.shape_cast %reshape3A_1608 : vector<12x128x1xi32> to vector<12x128xi32>
    %gather3A_1610 = tpu.dynamic_gather %slice3A_1600[%gather3A_1609] in [1] : vector<12x128xf32>, vector<12x128xi32> -> vector<12x128xf32>
    %slice3A_1611 = vector.extract_strided_slice %get3A_3 {offsets = [0, 2560], sizes = [12, 128], strides = [1, 1]} : vector<12x6144xf32> to vector<12x128xf32>
    %lt3A_1612 = arith.constant 0 : i32
    %lt3A_1613 = vector.broadcast %lt3A_1612 : i32 to vector<12x128xi32>
    %lt3A_1614 = arith.cmpi slt, %and3A_1342, %lt3A_1613 : vector<12x128xi32>
    %add3A_1615 = arith.constant 128 : i32
    %add3A_1616 = vector.broadcast %add3A_1615 : i32 to vector<12x128xi32>
    %add3A_1617 = arith.addi %and3A_1342, %add3A_1616 : vector<12x128xi32>
    %select_n3A_1618 = arith.select %lt3A_1614, %add3A_1617, %and3A_1342 : vector<12x128xi1>, vector<12x128xi32>
    %reshape3A_1619 = vector.shape_cast %select_n3A_1618 : vector<12x128xi32> to vector<12x128x1xi32>
    %gather3A_1620 = vector.shape_cast %reshape3A_1619 : vector<12x128x1xi32> to vector<12x128xi32>
    %gather3A_1621 = tpu.dynamic_gather %slice3A_1611[%gather3A_1620] in [1] : vector<12x128xf32>, vector<12x128xi32> -> vector<12x128xf32>
    %eq3A_1622 = arith.constant 0 : i32
    %eq3A_1623 = vector.broadcast %eq3A_1622 : i32 to vector<12x128xi32>
    %eq3A_1624 = arith.cmpi eq, %shift_right_arithmetic3A_1339, %eq3A_1623 : vector<12x128xi32>
    %eq3A_1625 = arith.constant 1 : i32
    %eq3A_1626 = vector.broadcast %eq3A_1625 : i32 to vector<12x128xi32>
    %eq3A_1627 = arith.cmpi eq, %shift_right_arithmetic3A_1339, %eq3A_1626 : vector<12x128xi32>
    %select_n3A_1628 = arith.select %eq3A_1627, %gather3A_1610, %gather3A_1621 : vector<12x128xi1>, vector<12x128xf32>
    %select_n3A_1629 = arith.select %eq3A_1624, %gather3A_1599, %select_n3A_1628 : vector<12x128xi1>, vector<12x128xf32>
    %slice3A_1630 = vector.extract_strided_slice %get3A_3 {offsets = [0, 2688], sizes = [12, 128], strides = [1, 1]} : vector<12x6144xf32> to vector<12x128xf32>
    %lt3A_1631 = arith.constant 0 : i32
    %lt3A_1632 = vector.broadcast %lt3A_1631 : i32 to vector<12x128xi32>
    %lt3A_1633 = arith.cmpi slt, %and3A_1342, %lt3A_1632 : vector<12x128xi32>
    %add3A_1634 = arith.constant 128 : i32
    %add3A_1635 = vector.broadcast %add3A_1634 : i32 to vector<12x128xi32>
    %add3A_1636 = arith.addi %and3A_1342, %add3A_1635 : vector<12x128xi32>
    %select_n3A_1637 = arith.select %lt3A_1633, %add3A_1636, %and3A_1342 : vector<12x128xi1>, vector<12x128xi32>
    %reshape3A_1638 = vector.shape_cast %select_n3A_1637 : vector<12x128xi32> to vector<12x128x1xi32>
    %gather3A_1639 = vector.shape_cast %reshape3A_1638 : vector<12x128x1xi32> to vector<12x128xi32>
    %gather3A_1640 = tpu.dynamic_gather %slice3A_1630[%gather3A_1639] in [1] : vector<12x128xf32>, vector<12x128xi32> -> vector<12x128xf32>
    %slice3A_1641 = vector.extract_strided_slice %get3A_3 {offsets = [0, 2816], sizes = [12, 128], strides = [1, 1]} : vector<12x6144xf32> to vector<12x128xf32>
    %lt3A_1642 = arith.constant 0 : i32
    %lt3A_1643 = vector.broadcast %lt3A_1642 : i32 to vector<12x128xi32>
    %lt3A_1644 = arith.cmpi slt, %and3A_1342, %lt3A_1643 : vector<12x128xi32>
    %add3A_1645 = arith.constant 128 : i32
    %add3A_1646 = vector.broadcast %add3A_1645 : i32 to vector<12x128xi32>
    %add3A_1647 = arith.addi %and3A_1342, %add3A_1646 : vector<12x128xi32>
    %select_n3A_1648 = arith.select %lt3A_1644, %add3A_1647, %and3A_1342 : vector<12x128xi1>, vector<12x128xi32>
    %reshape3A_1649 = vector.shape_cast %select_n3A_1648 : vector<12x128xi32> to vector<12x128x1xi32>
    %gather3A_1650 = vector.shape_cast %reshape3A_1649 : vector<12x128x1xi32> to vector<12x128xi32>
    %gather3A_1651 = tpu.dynamic_gather %slice3A_1641[%gather3A_1650] in [1] : vector<12x128xf32>, vector<12x128xi32> -> vector<12x128xf32>
    %slice3A_1652 = vector.extract_strided_slice %get3A_3 {offsets = [0, 2944], sizes = [12, 128], strides = [1, 1]} : vector<12x6144xf32> to vector<12x128xf32>
    %lt3A_1653 = arith.constant 0 : i32
    %lt3A_1654 = vector.broadcast %lt3A_1653 : i32 to vector<12x128xi32>
    %lt3A_1655 = arith.cmpi slt, %and3A_1342, %lt3A_1654 : vector<12x128xi32>
    %add3A_1656 = arith.constant 128 : i32
    %add3A_1657 = vector.broadcast %add3A_1656 : i32 to vector<12x128xi32>
    %add3A_1658 = arith.addi %and3A_1342, %add3A_1657 : vector<12x128xi32>
    %select_n3A_1659 = arith.select %lt3A_1655, %add3A_1658, %and3A_1342 : vector<12x128xi1>, vector<12x128xi32>
    %reshape3A_1660 = vector.shape_cast %select_n3A_1659 : vector<12x128xi32> to vector<12x128x1xi32>
    %gather3A_1661 = vector.shape_cast %reshape3A_1660 : vector<12x128x1xi32> to vector<12x128xi32>
    %gather3A_1662 = tpu.dynamic_gather %slice3A_1652[%gather3A_1661] in [1] : vector<12x128xf32>, vector<12x128xi32> -> vector<12x128xf32>
    %eq3A_1663 = arith.constant 0 : i32
    %eq3A_1664 = vector.broadcast %eq3A_1663 : i32 to vector<12x128xi32>
    %eq3A_1665 = arith.cmpi eq, %shift_right_arithmetic3A_1339, %eq3A_1664 : vector<12x128xi32>
    %eq3A_1666 = arith.constant 1 : i32
    %eq3A_1667 = vector.broadcast %eq3A_1666 : i32 to vector<12x128xi32>
    %eq3A_1668 = arith.cmpi eq, %shift_right_arithmetic3A_1339, %eq3A_1667 : vector<12x128xi32>
    %select_n3A_1669 = arith.select %eq3A_1668, %gather3A_1651, %gather3A_1662 : vector<12x128xi1>, vector<12x128xf32>
    %select_n3A_1670 = arith.select %eq3A_1665, %gather3A_1640, %select_n3A_1669 : vector<12x128xi1>, vector<12x128xf32>
    %slice3A_1671 = vector.extract_strided_slice %get3A_3 {offsets = [0, 3072], sizes = [12, 128], strides = [1, 1]} : vector<12x6144xf32> to vector<12x128xf32>
    %lt3A_1672 = arith.constant 0 : i32
    %lt3A_1673 = vector.broadcast %lt3A_1672 : i32 to vector<12x128xi32>
    %lt3A_1674 = arith.cmpi slt, %and3A_1342, %lt3A_1673 : vector<12x128xi32>
    %add3A_1675 = arith.constant 128 : i32
    %add3A_1676 = vector.broadcast %add3A_1675 : i32 to vector<12x128xi32>
    %add3A_1677 = arith.addi %and3A_1342, %add3A_1676 : vector<12x128xi32>
    %select_n3A_1678 = arith.select %lt3A_1674, %add3A_1677, %and3A_1342 : vector<12x128xi1>, vector<12x128xi32>
    %reshape3A_1679 = vector.shape_cast %select_n3A_1678 : vector<12x128xi32> to vector<12x128x1xi32>
    %gather3A_1680 = vector.shape_cast %reshape3A_1679 : vector<12x128x1xi32> to vector<12x128xi32>
    %gather3A_1681 = tpu.dynamic_gather %slice3A_1671[%gather3A_1680] in [1] : vector<12x128xf32>, vector<12x128xi32> -> vector<12x128xf32>
    %slice3A_1682 = vector.extract_strided_slice %get3A_3 {offsets = [0, 3200], sizes = [12, 128], strides = [1, 1]} : vector<12x6144xf32> to vector<12x128xf32>
    %lt3A_1683 = arith.constant 0 : i32
    %lt3A_1684 = vector.broadcast %lt3A_1683 : i32 to vector<12x128xi32>
    %lt3A_1685 = arith.cmpi slt, %and3A_1342, %lt3A_1684 : vector<12x128xi32>
    %add3A_1686 = arith.constant 128 : i32
    %add3A_1687 = vector.broadcast %add3A_1686 : i32 to vector<12x128xi32>
    %add3A_1688 = arith.addi %and3A_1342, %add3A_1687 : vector<12x128xi32>
    %select_n3A_1689 = arith.select %lt3A_1685, %add3A_1688, %and3A_1342 : vector<12x128xi1>, vector<12x128xi32>
    %reshape3A_1690 = vector.shape_cast %select_n3A_1689 : vector<12x128xi32> to vector<12x128x1xi32>
    %gather3A_1691 = vector.shape_cast %reshape3A_1690 : vector<12x128x1xi32> to vector<12x128xi32>
    %gather3A_1692 = tpu.dynamic_gather %slice3A_1682[%gather3A_1691] in [1] : vector<12x128xf32>, vector<12x128xi32> -> vector<12x128xf32>
    %slice3A_1693 = vector.extract_strided_slice %get3A_3 {offsets = [0, 3328], sizes = [12, 128], strides = [1, 1]} : vector<12x6144xf32> to vector<12x128xf32>
    %lt3A_1694 = arith.constant 0 : i32
    %lt3A_1695 = vector.broadcast %lt3A_1694 : i32 to vector<12x128xi32>
    %lt3A_1696 = arith.cmpi slt, %and3A_1342, %lt3A_1695 : vector<12x128xi32>
    %add3A_1697 = arith.constant 128 : i32
    %add3A_1698 = vector.broadcast %add3A_1697 : i32 to vector<12x128xi32>
    %add3A_1699 = arith.addi %and3A_1342, %add3A_1698 : vector<12x128xi32>
    %select_n3A_1700 = arith.select %lt3A_1696, %add3A_1699, %and3A_1342 : vector<12x128xi1>, vector<12x128xi32>
    %reshape3A_1701 = vector.shape_cast %select_n3A_1700 : vector<12x128xi32> to vector<12x128x1xi32>
    %gather3A_1702 = vector.shape_cast %reshape3A_1701 : vector<12x128x1xi32> to vector<12x128xi32>
    %gather3A_1703 = tpu.dynamic_gather %slice3A_1693[%gather3A_1702] in [1] : vector<12x128xf32>, vector<12x128xi32> -> vector<12x128xf32>
    %eq3A_1704 = arith.constant 0 : i32
    %eq3A_1705 = vector.broadcast %eq3A_1704 : i32 to vector<12x128xi32>
    %eq3A_1706 = arith.cmpi eq, %shift_right_arithmetic3A_1339, %eq3A_1705 : vector<12x128xi32>
    %eq3A_1707 = arith.constant 1 : i32
    %eq3A_1708 = vector.broadcast %eq3A_1707 : i32 to vector<12x128xi32>
    %eq3A_1709 = arith.cmpi eq, %shift_right_arithmetic3A_1339, %eq3A_1708 : vector<12x128xi32>
    %select_n3A_1710 = arith.select %eq3A_1709, %gather3A_1692, %gather3A_1703 : vector<12x128xi1>, vector<12x128xf32>
    %select_n3A_1711 = arith.select %eq3A_1706, %gather3A_1681, %select_n3A_1710 : vector<12x128xi1>, vector<12x128xf32>
    %slice3A_1712 = vector.extract_strided_slice %get3A_3 {offsets = [0, 3456], sizes = [12, 128], strides = [1, 1]} : vector<12x6144xf32> to vector<12x128xf32>
    %lt3A_1713 = arith.constant 0 : i32
    %lt3A_1714 = vector.broadcast %lt3A_1713 : i32 to vector<12x128xi32>
    %lt3A_1715 = arith.cmpi slt, %and3A_1342, %lt3A_1714 : vector<12x128xi32>
    %add3A_1716 = arith.constant 128 : i32
    %add3A_1717 = vector.broadcast %add3A_1716 : i32 to vector<12x128xi32>
    %add3A_1718 = arith.addi %and3A_1342, %add3A_1717 : vector<12x128xi32>
    %select_n3A_1719 = arith.select %lt3A_1715, %add3A_1718, %and3A_1342 : vector<12x128xi1>, vector<12x128xi32>
    %reshape3A_1720 = vector.shape_cast %select_n3A_1719 : vector<12x128xi32> to vector<12x128x1xi32>
    %gather3A_1721 = vector.shape_cast %reshape3A_1720 : vector<12x128x1xi32> to vector<12x128xi32>
    %gather3A_1722 = tpu.dynamic_gather %slice3A_1712[%gather3A_1721] in [1] : vector<12x128xf32>, vector<12x128xi32> -> vector<12x128xf32>
    %slice3A_1723 = vector.extract_strided_slice %get3A_3 {offsets = [0, 3584], sizes = [12, 128], strides = [1, 1]} : vector<12x6144xf32> to vector<12x128xf32>
    %lt3A_1724 = arith.constant 0 : i32
    %lt3A_1725 = vector.broadcast %lt3A_1724 : i32 to vector<12x128xi32>
    %lt3A_1726 = arith.cmpi slt, %and3A_1342, %lt3A_1725 : vector<12x128xi32>
    %add3A_1727 = arith.constant 128 : i32
    %add3A_1728 = vector.broadcast %add3A_1727 : i32 to vector<12x128xi32>
    %add3A_1729 = arith.addi %and3A_1342, %add3A_1728 : vector<12x128xi32>
    %select_n3A_1730 = arith.select %lt3A_1726, %add3A_1729, %and3A_1342 : vector<12x128xi1>, vector<12x128xi32>
    %reshape3A_1731 = vector.shape_cast %select_n3A_1730 : vector<12x128xi32> to vector<12x128x1xi32>
    %gather3A_1732 = vector.shape_cast %reshape3A_1731 : vector<12x128x1xi32> to vector<12x128xi32>
    %gather3A_1733 = tpu.dynamic_gather %slice3A_1723[%gather3A_1732] in [1] : vector<12x128xf32>, vector<12x128xi32> -> vector<12x128xf32>
    %slice3A_1734 = vector.extract_strided_slice %get3A_3 {offsets = [0, 3712], sizes = [12, 128], strides = [1, 1]} : vector<12x6144xf32> to vector<12x128xf32>
    %lt3A_1735 = arith.constant 0 : i32
    %lt3A_1736 = vector.broadcast %lt3A_1735 : i32 to vector<12x128xi32>
    %lt3A_1737 = arith.cmpi slt, %and3A_1342, %lt3A_1736 : vector<12x128xi32>
    %add3A_1738 = arith.constant 128 : i32
    %add3A_1739 = vector.broadcast %add3A_1738 : i32 to vector<12x128xi32>
    %add3A_1740 = arith.addi %and3A_1342, %add3A_1739 : vector<12x128xi32>
    %select_n3A_1741 = arith.select %lt3A_1737, %add3A_1740, %and3A_1342 : vector<12x128xi1>, vector<12x128xi32>
    %reshape3A_1742 = vector.shape_cast %select_n3A_1741 : vector<12x128xi32> to vector<12x128x1xi32>
    %gather3A_1743 = vector.shape_cast %reshape3A_1742 : vector<12x128x1xi32> to vector<12x128xi32>
    %gather3A_1744 = tpu.dynamic_gather %slice3A_1734[%gather3A_1743] in [1] : vector<12x128xf32>, vector<12x128xi32> -> vector<12x128xf32>
    %eq3A_1745 = arith.constant 0 : i32
    %eq3A_1746 = vector.broadcast %eq3A_1745 : i32 to vector<12x128xi32>
    %eq3A_1747 = arith.cmpi eq, %shift_right_arithmetic3A_1339, %eq3A_1746 : vector<12x128xi32>
    %eq3A_1748 = arith.constant 1 : i32
    %eq3A_1749 = vector.broadcast %eq3A_1748 : i32 to vector<12x128xi32>
    %eq3A_1750 = arith.cmpi eq, %shift_right_arithmetic3A_1339, %eq3A_1749 : vector<12x128xi32>
    %select_n3A_1751 = arith.select %eq3A_1750, %gather3A_1733, %gather3A_1744 : vector<12x128xi1>, vector<12x128xf32>
    %select_n3A_1752 = arith.select %eq3A_1747, %gather3A_1722, %select_n3A_1751 : vector<12x128xi1>, vector<12x128xf32>
    %slice3A_1753 = vector.extract_strided_slice %get3A_3 {offsets = [0, 3840], sizes = [12, 128], strides = [1, 1]} : vector<12x6144xf32> to vector<12x128xf32>
    %lt3A_1754 = arith.constant 0 : i32
    %lt3A_1755 = vector.broadcast %lt3A_1754 : i32 to vector<12x128xi32>
    %lt3A_1756 = arith.cmpi slt, %and3A_1342, %lt3A_1755 : vector<12x128xi32>
    %add3A_1757 = arith.constant 128 : i32
    %add3A_1758 = vector.broadcast %add3A_1757 : i32 to vector<12x128xi32>
    %add3A_1759 = arith.addi %and3A_1342, %add3A_1758 : vector<12x128xi32>
    %select_n3A_1760 = arith.select %lt3A_1756, %add3A_1759, %and3A_1342 : vector<12x128xi1>, vector<12x128xi32>
    %reshape3A_1761 = vector.shape_cast %select_n3A_1760 : vector<12x128xi32> to vector<12x128x1xi32>
    %gather3A_1762 = vector.shape_cast %reshape3A_1761 : vector<12x128x1xi32> to vector<12x128xi32>
    %gather3A_1763 = tpu.dynamic_gather %slice3A_1753[%gather3A_1762] in [1] : vector<12x128xf32>, vector<12x128xi32> -> vector<12x128xf32>
    %slice3A_1764 = vector.extract_strided_slice %get3A_3 {offsets = [0, 3968], sizes = [12, 128], strides = [1, 1]} : vector<12x6144xf32> to vector<12x128xf32>
    %lt3A_1765 = arith.constant 0 : i32
    %lt3A_1766 = vector.broadcast %lt3A_1765 : i32 to vector<12x128xi32>
    %lt3A_1767 = arith.cmpi slt, %and3A_1342, %lt3A_1766 : vector<12x128xi32>
    %add3A_1768 = arith.constant 128 : i32
    %add3A_1769 = vector.broadcast %add3A_1768 : i32 to vector<12x128xi32>
    %add3A_1770 = arith.addi %and3A_1342, %add3A_1769 : vector<12x128xi32>
    %select_n3A_1771 = arith.select %lt3A_1767, %add3A_1770, %and3A_1342 : vector<12x128xi1>, vector<12x128xi32>
    %reshape3A_1772 = vector.shape_cast %select_n3A_1771 : vector<12x128xi32> to vector<12x128x1xi32>
    %gather3A_1773 = vector.shape_cast %reshape3A_1772 : vector<12x128x1xi32> to vector<12x128xi32>
    %gather3A_1774 = tpu.dynamic_gather %slice3A_1764[%gather3A_1773] in [1] : vector<12x128xf32>, vector<12x128xi32> -> vector<12x128xf32>
    %slice3A_1775 = vector.extract_strided_slice %get3A_3 {offsets = [0, 4096], sizes = [12, 128], strides = [1, 1]} : vector<12x6144xf32> to vector<12x128xf32>
    %lt3A_1776 = arith.constant 0 : i32
    %lt3A_1777 = vector.broadcast %lt3A_1776 : i32 to vector<12x128xi32>
    %lt3A_1778 = arith.cmpi slt, %and3A_1342, %lt3A_1777 : vector<12x128xi32>
    %add3A_1779 = arith.constant 128 : i32
    %add3A_1780 = vector.broadcast %add3A_1779 : i32 to vector<12x128xi32>
    %add3A_1781 = arith.addi %and3A_1342, %add3A_1780 : vector<12x128xi32>
    %select_n3A_1782 = arith.select %lt3A_1778, %add3A_1781, %and3A_1342 : vector<12x128xi1>, vector<12x128xi32>
    %reshape3A_1783 = vector.shape_cast %select_n3A_1782 : vector<12x128xi32> to vector<12x128x1xi32>
    %gather3A_1784 = vector.shape_cast %reshape3A_1783 : vector<12x128x1xi32> to vector<12x128xi32>
    %gather3A_1785 = tpu.dynamic_gather %slice3A_1775[%gather3A_1784] in [1] : vector<12x128xf32>, vector<12x128xi32> -> vector<12x128xf32>
    %eq3A_1786 = arith.constant 0 : i32
    %eq3A_1787 = vector.broadcast %eq3A_1786 : i32 to vector<12x128xi32>
    %eq3A_1788 = arith.cmpi eq, %shift_right_arithmetic3A_1339, %eq3A_1787 : vector<12x128xi32>
    %eq3A_1789 = arith.constant 1 : i32
    %eq3A_1790 = vector.broadcast %eq3A_1789 : i32 to vector<12x128xi32>
    %eq3A_1791 = arith.cmpi eq, %shift_right_arithmetic3A_1339, %eq3A_1790 : vector<12x128xi32>
    %select_n3A_1792 = arith.select %eq3A_1791, %gather3A_1774, %gather3A_1785 : vector<12x128xi1>, vector<12x128xf32>
    %select_n3A_1793 = arith.select %eq3A_1788, %gather3A_1763, %select_n3A_1792 : vector<12x128xi1>, vector<12x128xf32>
    %slice3A_1794 = vector.extract_strided_slice %get3A_3 {offsets = [0, 4224], sizes = [12, 128], strides = [1, 1]} : vector<12x6144xf32> to vector<12x128xf32>
    %lt3A_1795 = arith.constant 0 : i32
    %lt3A_1796 = vector.broadcast %lt3A_1795 : i32 to vector<12x128xi32>
    %lt3A_1797 = arith.cmpi slt, %and3A_1342, %lt3A_1796 : vector<12x128xi32>
    %add3A_1798 = arith.constant 128 : i32
    %add3A_1799 = vector.broadcast %add3A_1798 : i32 to vector<12x128xi32>
    %add3A_1800 = arith.addi %and3A_1342, %add3A_1799 : vector<12x128xi32>
    %select_n3A_1801 = arith.select %lt3A_1797, %add3A_1800, %and3A_1342 : vector<12x128xi1>, vector<12x128xi32>
    %reshape3A_1802 = vector.shape_cast %select_n3A_1801 : vector<12x128xi32> to vector<12x128x1xi32>
    %gather3A_1803 = vector.shape_cast %reshape3A_1802 : vector<12x128x1xi32> to vector<12x128xi32>
    %gather3A_1804 = tpu.dynamic_gather %slice3A_1794[%gather3A_1803] in [1] : vector<12x128xf32>, vector<12x128xi32> -> vector<12x128xf32>
    %slice3A_1805 = vector.extract_strided_slice %get3A_3 {offsets = [0, 4352], sizes = [12, 128], strides = [1, 1]} : vector<12x6144xf32> to vector<12x128xf32>
    %lt3A_1806 = arith.constant 0 : i32
    %lt3A_1807 = vector.broadcast %lt3A_1806 : i32 to vector<12x128xi32>
    %lt3A_1808 = arith.cmpi slt, %and3A_1342, %lt3A_1807 : vector<12x128xi32>
    %add3A_1809 = arith.constant 128 : i32
    %add3A_1810 = vector.broadcast %add3A_1809 : i32 to vector<12x128xi32>
    %add3A_1811 = arith.addi %and3A_1342, %add3A_1810 : vector<12x128xi32>
    %select_n3A_1812 = arith.select %lt3A_1808, %add3A_1811, %and3A_1342 : vector<12x128xi1>, vector<12x128xi32>
    %reshape3A_1813 = vector.shape_cast %select_n3A_1812 : vector<12x128xi32> to vector<12x128x1xi32>
    %gather3A_1814 = vector.shape_cast %reshape3A_1813 : vector<12x128x1xi32> to vector<12x128xi32>
    %gather3A_1815 = tpu.dynamic_gather %slice3A_1805[%gather3A_1814] in [1] : vector<12x128xf32>, vector<12x128xi32> -> vector<12x128xf32>
    %slice3A_1816 = vector.extract_strided_slice %get3A_3 {offsets = [0, 4480], sizes = [12, 128], strides = [1, 1]} : vector<12x6144xf32> to vector<12x128xf32>
    %lt3A_1817 = arith.constant 0 : i32
    %lt3A_1818 = vector.broadcast %lt3A_1817 : i32 to vector<12x128xi32>
    %lt3A_1819 = arith.cmpi slt, %and3A_1342, %lt3A_1818 : vector<12x128xi32>
    %add3A_1820 = arith.constant 128 : i32
    %add3A_1821 = vector.broadcast %add3A_1820 : i32 to vector<12x128xi32>
    %add3A_1822 = arith.addi %and3A_1342, %add3A_1821 : vector<12x128xi32>
    %select_n3A_1823 = arith.select %lt3A_1819, %add3A_1822, %and3A_1342 : vector<12x128xi1>, vector<12x128xi32>
    %reshape3A_1824 = vector.shape_cast %select_n3A_1823 : vector<12x128xi32> to vector<12x128x1xi32>
    %gather3A_1825 = vector.shape_cast %reshape3A_1824 : vector<12x128x1xi32> to vector<12x128xi32>
    %gather3A_1826 = tpu.dynamic_gather %slice3A_1816[%gather3A_1825] in [1] : vector<12x128xf32>, vector<12x128xi32> -> vector<12x128xf32>
    %eq3A_1827 = arith.constant 0 : i32
    %eq3A_1828 = vector.broadcast %eq3A_1827 : i32 to vector<12x128xi32>
    %eq3A_1829 = arith.cmpi eq, %shift_right_arithmetic3A_1339, %eq3A_1828 : vector<12x128xi32>
    %eq3A_1830 = arith.constant 1 : i32
    %eq3A_1831 = vector.broadcast %eq3A_1830 : i32 to vector<12x128xi32>
    %eq3A_1832 = arith.cmpi eq, %shift_right_arithmetic3A_1339, %eq3A_1831 : vector<12x128xi32>
    %select_n3A_1833 = arith.select %eq3A_1832, %gather3A_1815, %gather3A_1826 : vector<12x128xi1>, vector<12x128xf32>
    %select_n3A_1834 = arith.select %eq3A_1829, %gather3A_1804, %select_n3A_1833 : vector<12x128xi1>, vector<12x128xf32>
    %slice3A_1835 = vector.extract_strided_slice %get3A_3 {offsets = [0, 4608], sizes = [12, 128], strides = [1, 1]} : vector<12x6144xf32> to vector<12x128xf32>
    %lt3A_1836 = arith.constant 0 : i32
    %lt3A_1837 = vector.broadcast %lt3A_1836 : i32 to vector<12x128xi32>
    %lt3A_1838 = arith.cmpi slt, %and3A_1342, %lt3A_1837 : vector<12x128xi32>
    %add3A_1839 = arith.constant 128 : i32
    %add3A_1840 = vector.broadcast %add3A_1839 : i32 to vector<12x128xi32>
    %add3A_1841 = arith.addi %and3A_1342, %add3A_1840 : vector<12x128xi32>
    %select_n3A_1842 = arith.select %lt3A_1838, %add3A_1841, %and3A_1342 : vector<12x128xi1>, vector<12x128xi32>
    %reshape3A_1843 = vector.shape_cast %select_n3A_1842 : vector<12x128xi32> to vector<12x128x1xi32>
    %gather3A_1844 = vector.shape_cast %reshape3A_1843 : vector<12x128x1xi32> to vector<12x128xi32>
    %gather3A_1845 = tpu.dynamic_gather %slice3A_1835[%gather3A_1844] in [1] : vector<12x128xf32>, vector<12x128xi32> -> vector<12x128xf32>
    %slice3A_1846 = vector.extract_strided_slice %get3A_3 {offsets = [0, 4736], sizes = [12, 128], strides = [1, 1]} : vector<12x6144xf32> to vector<12x128xf32>
    %lt3A_1847 = arith.constant 0 : i32
    %lt3A_1848 = vector.broadcast %lt3A_1847 : i32 to vector<12x128xi32>
    %lt3A_1849 = arith.cmpi slt, %and3A_1342, %lt3A_1848 : vector<12x128xi32>
    %add3A_1850 = arith.constant 128 : i32
    %add3A_1851 = vector.broadcast %add3A_1850 : i32 to vector<12x128xi32>
    %add3A_1852 = arith.addi %and3A_1342, %add3A_1851 : vector<12x128xi32>
    %select_n3A_1853 = arith.select %lt3A_1849, %add3A_1852, %and3A_1342 : vector<12x128xi1>, vector<12x128xi32>
    %reshape3A_1854 = vector.shape_cast %select_n3A_1853 : vector<12x128xi32> to vector<12x128x1xi32>
    %gather3A_1855 = vector.shape_cast %reshape3A_1854 : vector<12x128x1xi32> to vector<12x128xi32>
    %gather3A_1856 = tpu.dynamic_gather %slice3A_1846[%gather3A_1855] in [1] : vector<12x128xf32>, vector<12x128xi32> -> vector<12x128xf32>
    %slice3A_1857 = vector.extract_strided_slice %get3A_3 {offsets = [0, 4864], sizes = [12, 128], strides = [1, 1]} : vector<12x6144xf32> to vector<12x128xf32>
    %lt3A_1858 = arith.constant 0 : i32
    %lt3A_1859 = vector.broadcast %lt3A_1858 : i32 to vector<12x128xi32>
    %lt3A_1860 = arith.cmpi slt, %and3A_1342, %lt3A_1859 : vector<12x128xi32>
    %add3A_1861 = arith.constant 128 : i32
    %add3A_1862 = vector.broadcast %add3A_1861 : i32 to vector<12x128xi32>
    %add3A_1863 = arith.addi %and3A_1342, %add3A_1862 : vector<12x128xi32>
    %select_n3A_1864 = arith.select %lt3A_1860, %add3A_1863, %and3A_1342 : vector<12x128xi1>, vector<12x128xi32>
    %reshape3A_1865 = vector.shape_cast %select_n3A_1864 : vector<12x128xi32> to vector<12x128x1xi32>
    %gather3A_1866 = vector.shape_cast %reshape3A_1865 : vector<12x128x1xi32> to vector<12x128xi32>
    %gather3A_1867 = tpu.dynamic_gather %slice3A_1857[%gather3A_1866] in [1] : vector<12x128xf32>, vector<12x128xi32> -> vector<12x128xf32>
    %eq3A_1868 = arith.constant 0 : i32
    %eq3A_1869 = vector.broadcast %eq3A_1868 : i32 to vector<12x128xi32>
    %eq3A_1870 = arith.cmpi eq, %shift_right_arithmetic3A_1339, %eq3A_1869 : vector<12x128xi32>
    %eq3A_1871 = arith.constant 1 : i32
    %eq3A_1872 = vector.broadcast %eq3A_1871 : i32 to vector<12x128xi32>
    %eq3A_1873 = arith.cmpi eq, %shift_right_arithmetic3A_1339, %eq3A_1872 : vector<12x128xi32>
    %select_n3A_1874 = arith.select %eq3A_1873, %gather3A_1856, %gather3A_1867 : vector<12x128xi1>, vector<12x128xf32>
    %select_n3A_1875 = arith.select %eq3A_1870, %gather3A_1845, %select_n3A_1874 : vector<12x128xi1>, vector<12x128xf32>
    %slice3A_1876 = vector.extract_strided_slice %get3A_3 {offsets = [0, 4992], sizes = [12, 128], strides = [1, 1]} : vector<12x6144xf32> to vector<12x128xf32>
    %lt3A_1877 = arith.constant 0 : i32
    %lt3A_1878 = vector.broadcast %lt3A_1877 : i32 to vector<12x128xi32>
    %lt3A_1879 = arith.cmpi slt, %and3A_1342, %lt3A_1878 : vector<12x128xi32>
    %add3A_1880 = arith.constant 128 : i32
    %add3A_1881 = vector.broadcast %add3A_1880 : i32 to vector<12x128xi32>
    %add3A_1882 = arith.addi %and3A_1342, %add3A_1881 : vector<12x128xi32>
    %select_n3A_1883 = arith.select %lt3A_1879, %add3A_1882, %and3A_1342 : vector<12x128xi1>, vector<12x128xi32>
    %reshape3A_1884 = vector.shape_cast %select_n3A_1883 : vector<12x128xi32> to vector<12x128x1xi32>
    %gather3A_1885 = vector.shape_cast %reshape3A_1884 : vector<12x128x1xi32> to vector<12x128xi32>
    %gather3A_1886 = tpu.dynamic_gather %slice3A_1876[%gather3A_1885] in [1] : vector<12x128xf32>, vector<12x128xi32> -> vector<12x128xf32>
    %slice3A_1887 = vector.extract_strided_slice %get3A_3 {offsets = [0, 5120], sizes = [12, 128], strides = [1, 1]} : vector<12x6144xf32> to vector<12x128xf32>
    %lt3A_1888 = arith.constant 0 : i32
    %lt3A_1889 = vector.broadcast %lt3A_1888 : i32 to vector<12x128xi32>
    %lt3A_1890 = arith.cmpi slt, %and3A_1342, %lt3A_1889 : vector<12x128xi32>
    %add3A_1891 = arith.constant 128 : i32
    %add3A_1892 = vector.broadcast %add3A_1891 : i32 to vector<12x128xi32>
    %add3A_1893 = arith.addi %and3A_1342, %add3A_1892 : vector<12x128xi32>
    %select_n3A_1894 = arith.select %lt3A_1890, %add3A_1893, %and3A_1342 : vector<12x128xi1>, vector<12x128xi32>
    %reshape3A_1895 = vector.shape_cast %select_n3A_1894 : vector<12x128xi32> to vector<12x128x1xi32>
    %gather3A_1896 = vector.shape_cast %reshape3A_1895 : vector<12x128x1xi32> to vector<12x128xi32>
    %gather3A_1897 = tpu.dynamic_gather %slice3A_1887[%gather3A_1896] in [1] : vector<12x128xf32>, vector<12x128xi32> -> vector<12x128xf32>
    %slice3A_1898 = vector.extract_strided_slice %get3A_3 {offsets = [0, 5248], sizes = [12, 128], strides = [1, 1]} : vector<12x6144xf32> to vector<12x128xf32>
    %lt3A_1899 = arith.constant 0 : i32
    %lt3A_1900 = vector.broadcast %lt3A_1899 : i32 to vector<12x128xi32>
    %lt3A_1901 = arith.cmpi slt, %and3A_1342, %lt3A_1900 : vector<12x128xi32>
    %add3A_1902 = arith.constant 128 : i32
    %add3A_1903 = vector.broadcast %add3A_1902 : i32 to vector<12x128xi32>
    %add3A_1904 = arith.addi %and3A_1342, %add3A_1903 : vector<12x128xi32>
    %select_n3A_1905 = arith.select %lt3A_1901, %add3A_1904, %and3A_1342 : vector<12x128xi1>, vector<12x128xi32>
    %reshape3A_1906 = vector.shape_cast %select_n3A_1905 : vector<12x128xi32> to vector<12x128x1xi32>
    %gather3A_1907 = vector.shape_cast %reshape3A_1906 : vector<12x128x1xi32> to vector<12x128xi32>
    %gather3A_1908 = tpu.dynamic_gather %slice3A_1898[%gather3A_1907] in [1] : vector<12x128xf32>, vector<12x128xi32> -> vector<12x128xf32>
    %eq3A_1909 = arith.constant 0 : i32
    %eq3A_1910 = vector.broadcast %eq3A_1909 : i32 to vector<12x128xi32>
    %eq3A_1911 = arith.cmpi eq, %shift_right_arithmetic3A_1339, %eq3A_1910 : vector<12x128xi32>
    %eq3A_1912 = arith.constant 1 : i32
    %eq3A_1913 = vector.broadcast %eq3A_1912 : i32 to vector<12x128xi32>
    %eq3A_1914 = arith.cmpi eq, %shift_right_arithmetic3A_1339, %eq3A_1913 : vector<12x128xi32>
    %select_n3A_1915 = arith.select %eq3A_1914, %gather3A_1897, %gather3A_1908 : vector<12x128xi1>, vector<12x128xf32>
    %select_n3A_1916 = arith.select %eq3A_1911, %gather3A_1886, %select_n3A_1915 : vector<12x128xi1>, vector<12x128xf32>
    %slice3A_1917 = vector.extract_strided_slice %get3A_3 {offsets = [0, 5376], sizes = [12, 128], strides = [1, 1]} : vector<12x6144xf32> to vector<12x128xf32>
    %lt3A_1918 = arith.constant 0 : i32
    %lt3A_1919 = vector.broadcast %lt3A_1918 : i32 to vector<12x128xi32>
    %lt3A_1920 = arith.cmpi slt, %and3A_1342, %lt3A_1919 : vector<12x128xi32>
    %add3A_1921 = arith.constant 128 : i32
    %add3A_1922 = vector.broadcast %add3A_1921 : i32 to vector<12x128xi32>
    %add3A_1923 = arith.addi %and3A_1342, %add3A_1922 : vector<12x128xi32>
    %select_n3A_1924 = arith.select %lt3A_1920, %add3A_1923, %and3A_1342 : vector<12x128xi1>, vector<12x128xi32>
    %reshape3A_1925 = vector.shape_cast %select_n3A_1924 : vector<12x128xi32> to vector<12x128x1xi32>
    %gather3A_1926 = vector.shape_cast %reshape3A_1925 : vector<12x128x1xi32> to vector<12x128xi32>
    %gather3A_1927 = tpu.dynamic_gather %slice3A_1917[%gather3A_1926] in [1] : vector<12x128xf32>, vector<12x128xi32> -> vector<12x128xf32>
    %slice3A_1928 = vector.extract_strided_slice %get3A_3 {offsets = [0, 5504], sizes = [12, 128], strides = [1, 1]} : vector<12x6144xf32> to vector<12x128xf32>
    %lt3A_1929 = arith.constant 0 : i32
    %lt3A_1930 = vector.broadcast %lt3A_1929 : i32 to vector<12x128xi32>
    %lt3A_1931 = arith.cmpi slt, %and3A_1342, %lt3A_1930 : vector<12x128xi32>
    %add3A_1932 = arith.constant 128 : i32
    %add3A_1933 = vector.broadcast %add3A_1932 : i32 to vector<12x128xi32>
    %add3A_1934 = arith.addi %and3A_1342, %add3A_1933 : vector<12x128xi32>
    %select_n3A_1935 = arith.select %lt3A_1931, %add3A_1934, %and3A_1342 : vector<12x128xi1>, vector<12x128xi32>
    %reshape3A_1936 = vector.shape_cast %select_n3A_1935 : vector<12x128xi32> to vector<12x128x1xi32>
    %gather3A_1937 = vector.shape_cast %reshape3A_1936 : vector<12x128x1xi32> to vector<12x128xi32>
    %gather3A_1938 = tpu.dynamic_gather %slice3A_1928[%gather3A_1937] in [1] : vector<12x128xf32>, vector<12x128xi32> -> vector<12x128xf32>
    %slice3A_1939 = vector.extract_strided_slice %get3A_3 {offsets = [0, 5632], sizes = [12, 128], strides = [1, 1]} : vector<12x6144xf32> to vector<12x128xf32>
    %lt3A_1940 = arith.constant 0 : i32
    %lt3A_1941 = vector.broadcast %lt3A_1940 : i32 to vector<12x128xi32>
    %lt3A_1942 = arith.cmpi slt, %and3A_1342, %lt3A_1941 : vector<12x128xi32>
    %add3A_1943 = arith.constant 128 : i32
    %add3A_1944 = vector.broadcast %add3A_1943 : i32 to vector<12x128xi32>
    %add3A_1945 = arith.addi %and3A_1342, %add3A_1944 : vector<12x128xi32>
    %select_n3A_1946 = arith.select %lt3A_1942, %add3A_1945, %and3A_1342 : vector<12x128xi1>, vector<12x128xi32>
    %reshape3A_1947 = vector.shape_cast %select_n3A_1946 : vector<12x128xi32> to vector<12x128x1xi32>
    %gather3A_1948 = vector.shape_cast %reshape3A_1947 : vector<12x128x1xi32> to vector<12x128xi32>
    %gather3A_1949 = tpu.dynamic_gather %slice3A_1939[%gather3A_1948] in [1] : vector<12x128xf32>, vector<12x128xi32> -> vector<12x128xf32>
    %eq3A_1950 = arith.constant 0 : i32
    %eq3A_1951 = vector.broadcast %eq3A_1950 : i32 to vector<12x128xi32>
    %eq3A_1952 = arith.cmpi eq, %shift_right_arithmetic3A_1339, %eq3A_1951 : vector<12x128xi32>
    %eq3A_1953 = arith.constant 1 : i32
    %eq3A_1954 = vector.broadcast %eq3A_1953 : i32 to vector<12x128xi32>
    %eq3A_1955 = arith.cmpi eq, %shift_right_arithmetic3A_1339, %eq3A_1954 : vector<12x128xi32>
    %select_n3A_1956 = arith.select %eq3A_1955, %gather3A_1938, %gather3A_1949 : vector<12x128xi1>, vector<12x128xf32>
    %select_n3A_1957 = arith.select %eq3A_1952, %gather3A_1927, %select_n3A_1956 : vector<12x128xi1>, vector<12x128xf32>
    %slice3A_1958 = vector.extract_strided_slice %get3A_3 {offsets = [0, 5760], sizes = [12, 128], strides = [1, 1]} : vector<12x6144xf32> to vector<12x128xf32>
    %lt3A_1959 = arith.constant 0 : i32
    %lt3A_1960 = vector.broadcast %lt3A_1959 : i32 to vector<12x128xi32>
    %lt3A_1961 = arith.cmpi slt, %and3A_1342, %lt3A_1960 : vector<12x128xi32>
    %add3A_1962 = arith.constant 128 : i32
    %add3A_1963 = vector.broadcast %add3A_1962 : i32 to vector<12x128xi32>
    %add3A_1964 = arith.addi %and3A_1342, %add3A_1963 : vector<12x128xi32>
    %select_n3A_1965 = arith.select %lt3A_1961, %add3A_1964, %and3A_1342 : vector<12x128xi1>, vector<12x128xi32>
    %reshape3A_1966 = vector.shape_cast %select_n3A_1965 : vector<12x128xi32> to vector<12x128x1xi32>
    %gather3A_1967 = vector.shape_cast %reshape3A_1966 : vector<12x128x1xi32> to vector<12x128xi32>
    %gather3A_1968 = tpu.dynamic_gather %slice3A_1958[%gather3A_1967] in [1] : vector<12x128xf32>, vector<12x128xi32> -> vector<12x128xf32>
    %slice3A_1969 = vector.extract_strided_slice %get3A_3 {offsets = [0, 5888], sizes = [12, 128], strides = [1, 1]} : vector<12x6144xf32> to vector<12x128xf32>
    %lt3A_1970 = arith.constant 0 : i32
    %lt3A_1971 = vector.broadcast %lt3A_1970 : i32 to vector<12x128xi32>
    %lt3A_1972 = arith.cmpi slt, %and3A_1342, %lt3A_1971 : vector<12x128xi32>
    %add3A_1973 = arith.constant 128 : i32
    %add3A_1974 = vector.broadcast %add3A_1973 : i32 to vector<12x128xi32>
    %add3A_1975 = arith.addi %and3A_1342, %add3A_1974 : vector<12x128xi32>
    %select_n3A_1976 = arith.select %lt3A_1972, %add3A_1975, %and3A_1342 : vector<12x128xi1>, vector<12x128xi32>
    %reshape3A_1977 = vector.shape_cast %select_n3A_1976 : vector<12x128xi32> to vector<12x128x1xi32>
    %gather3A_1978 = vector.shape_cast %reshape3A_1977 : vector<12x128x1xi32> to vector<12x128xi32>
    %gather3A_1979 = tpu.dynamic_gather %slice3A_1969[%gather3A_1978] in [1] : vector<12x128xf32>, vector<12x128xi32> -> vector<12x128xf32>
    %slice3A_1980 = vector.extract_strided_slice %get3A_3 {offsets = [0, 6016], sizes = [12, 128], strides = [1, 1]} : vector<12x6144xf32> to vector<12x128xf32>
    %lt3A_1981 = arith.constant 0 : i32
    %lt3A_1982 = vector.broadcast %lt3A_1981 : i32 to vector<12x128xi32>
    %lt3A_1983 = arith.cmpi slt, %and3A_1342, %lt3A_1982 : vector<12x128xi32>
    %add3A_1984 = arith.constant 128 : i32
    %add3A_1985 = vector.broadcast %add3A_1984 : i32 to vector<12x128xi32>
    %add3A_1986 = arith.addi %and3A_1342, %add3A_1985 : vector<12x128xi32>
    %select_n3A_1987 = arith.select %lt3A_1983, %add3A_1986, %and3A_1342 : vector<12x128xi1>, vector<12x128xi32>
    %reshape3A_1988 = vector.shape_cast %select_n3A_1987 : vector<12x128xi32> to vector<12x128x1xi32>
    %gather3A_1989 = vector.shape_cast %reshape3A_1988 : vector<12x128x1xi32> to vector<12x128xi32>
    %gather3A_1990 = tpu.dynamic_gather %slice3A_1980[%gather3A_1989] in [1] : vector<12x128xf32>, vector<12x128xi32> -> vector<12x128xf32>
    %eq3A_1991 = arith.constant 0 : i32
    %eq3A_1992 = vector.broadcast %eq3A_1991 : i32 to vector<12x128xi32>
    %eq3A_1993 = arith.cmpi eq, %shift_right_arithmetic3A_1339, %eq3A_1992 : vector<12x128xi32>
    %eq3A_1994 = arith.constant 1 : i32
    %eq3A_1995 = vector.broadcast %eq3A_1994 : i32 to vector<12x128xi32>
    %eq3A_1996 = arith.cmpi eq, %shift_right_arithmetic3A_1339, %eq3A_1995 : vector<12x128xi32>
    %select_n3A_1997 = arith.select %eq3A_1996, %gather3A_1979, %gather3A_1990 : vector<12x128xi1>, vector<12x128xf32>
    %select_n3A_1998 = arith.select %eq3A_1993, %gather3A_1968, %select_n3A_1997 : vector<12x128xi1>, vector<12x128xf32>
    %concatenate3A_1999 = tpu.concatenate %select_n3A_1383, %select_n3A_1424, %select_n3A_1465, %select_n3A_1506, %select_n3A_1547, %select_n3A_1588, %select_n3A_1629, %select_n3A_1670, %select_n3A_1711, %select_n3A_1752, %select_n3A_1793, %select_n3A_1834, %select_n3A_1875, %select_n3A_1916, %select_n3A_1957, %select_n3A_1998 in 1 : vector<12x128xf32>, vector<12x128xf32>, vector<12x128xf32>, vector<12x128xf32>, vector<12x128xf32>, vector<12x128xf32>, vector<12x128xf32>, vector<12x128xf32>, vector<12x128xf32>, vector<12x128xf32>, vector<12x128xf32>, vector<12x128xf32>, vector<12x128xf32>, vector<12x128xf32>, vector<12x128xf32>, vector<12x128xf32> -> vector<12x2048xf32>
    %get3A_2000 = arith.constant 0 : index
    %get3A_2001 = arith.constant 0 : index
    %get3A_2002 = vector.load %arg4[%get3A_2000, %get3A_2001] : memref<32x1xf32, #tpu.memory_space<vmem>>, vector<32x1xf32>
    %get3A_2003 = arith.constant 0 : index
    %get3A_2004 = arith.constant 0 : index
    %get3A_2005 = arith.constant 0 : index
    %get3A_2006 = vector.load %arg3[%get3A_2003, %get3A_2004, %get3A_2005] : memref<3x32x12xf32, #tpu.memory_space<vmem>>, vector<1x32x12xf32>
    %get3A_2007 = vector.shape_cast %get3A_2006 : vector<1x32x12xf32> to vector<32x12xf32>
    %dot_general3A = arith.constant dense<0.000000e+00> : vector<32x2048xf32>
    %dot_general3A_2008 = tpu.matmul %get3A_2007, %concatenate3A, %dot_general3A {dimension_numbers = #tpu.dot_dimension_numbers<[1], [0], [0], [1], [0, 0, 1, 1], [], []>, transpose_lhs_hint = false} : vector<32x12xf32>, vector<12x2048xf32>, vector<32x2048xf32> -> vector<32x2048xf32>
    %add3A_2009 = vector.broadcast %get3A_2002 : vector<32x1xf32> to vector<32x2048xf32>
    %add3A_2010 = arith.addf %add3A_2009, %dot_general3A_2008 : vector<32x2048xf32>
    %get3A_2011 = arith.constant 1 : index
    %get3A_2012 = arith.constant 0 : index
    %get3A_2013 = arith.constant 0 : index
    %get3A_2014 = vector.load %arg3[%get3A_2011, %get3A_2012, %get3A_2013] : memref<3x32x12xf32, #tpu.memory_space<vmem>>, vector<1x32x12xf32>
    %get3A_2015 = vector.shape_cast %get3A_2014 : vector<1x32x12xf32> to vector<32x12xf32>
    %dot_general3A_2016 = arith.constant dense<0.000000e+00> : vector<32x2048xf32>
    %dot_general3A_2017 = tpu.matmul %get3A_2015, %concatenate3A_1330, %dot_general3A_2016 {dimension_numbers = #tpu.dot_dimension_numbers<[1], [0], [0], [1], [0, 0, 1, 1], [], []>, transpose_lhs_hint = false} : vector<32x12xf32>, vector<12x2048xf32>, vector<32x2048xf32> -> vector<32x2048xf32>
    %add3A_2018 = arith.addf %add3A_2010, %dot_general3A_2017 : vector<32x2048xf32>
    %get3A_2019 = arith.constant 2 : index
    %get3A_2020 = arith.constant 0 : index
    %get3A_2021 = arith.constant 0 : index
    %get3A_2022 = vector.load %arg3[%get3A_2019, %get3A_2020, %get3A_2021] : memref<3x32x12xf32, #tpu.memory_space<vmem>>, vector<1x32x12xf32>
    %get3A_2023 = vector.shape_cast %get3A_2022 : vector<1x32x12xf32> to vector<32x12xf32>
    %dot_general3A_2024 = arith.constant dense<0.000000e+00> : vector<32x2048xf32>
    %dot_general3A_2025 = tpu.matmul %get3A_2023, %concatenate3A_1999, %dot_general3A_2024 {dimension_numbers = #tpu.dot_dimension_numbers<[1], [0], [0], [1], [0, 0, 1, 1], [], []>, transpose_lhs_hint = false} : vector<32x12xf32>, vector<12x2048xf32>, vector<32x2048xf32> -> vector<32x2048xf32>
    %add3A_2026 = arith.addf %add3A_2018, %dot_general3A_2025 : vector<32x2048xf32>
    %slice3A_2027 = vector.extract_strided_slice %concatenate3A_1330 {offsets = [11, 0], sizes = [1, 2048], strides = [1, 1]} : vector<12x2048xf32> to vector<1x2048xf32>
    %mul3A_2028 = arith.constant 2.880000e+02 : f32
    %mul3A_2029 = vector.broadcast %mul3A_2028 : f32 to vector<1x2048xf32>
    %mul3A_2030 = arith.mulf %slice3A_2027, %mul3A_2029 : vector<1x2048xf32>
    %convert_element_type3A = arith.fptosi %mul3A_2030 : vector<1x2048xf32> to vector<1x2048xi32>
    %jit3A = arith.constant 0 : i32
    %jit3A_2031 = arith.constant 287 : i32
    %max3A = vector.broadcast %jit3A : i32 to vector<1x2048xi32>
    %max3A_2032 = arith.maxsi %max3A, %convert_element_type3A : vector<1x2048xi32>
    %min3A = vector.broadcast %jit3A_2031 : i32 to vector<1x2048xi32>
    %min3A_2033 = arith.minsi %min3A, %max3A_2032 : vector<1x2048xi32>
    %slice3A_2034 = vector.extract_strided_slice %concatenate3A_1999 {offsets = [11, 0], sizes = [1, 2048], strides = [1, 1]} : vector<12x2048xf32> to vector<1x2048xf32>
    %mul3A_2035 = arith.constant 7.000000e+00 : f32
    %mul3A_2036 = vector.broadcast %mul3A_2035 : f32 to vector<1x2048xf32>
    %mul3A_2037 = arith.mulf %slice3A_2034, %mul3A_2036 : vector<1x2048xf32>
    %convert_element_type3A_2038 = arith.fptosi %mul3A_2037 : vector<1x2048xf32> to vector<1x2048xi32>
    %jit3A_2039 = arith.constant 0 : i32
    %jit3A_2040 = arith.constant 6 : i32
    %max3A_2041 = vector.broadcast %jit3A_2039 : i32 to vector<1x2048xi32>
    %max3A_2042 = arith.maxsi %max3A_2041, %convert_element_type3A_2038 : vector<1x2048xi32>
    %min3A_2043 = vector.broadcast %jit3A_2040 : i32 to vector<1x2048xi32>
    %min3A_2044 = arith.minsi %min3A_2043, %max3A_2042 : vector<1x2048xi32>
    %get3A_2045 = arith.constant 0 : index
    %get3A_2046 = arith.constant 0 : index
    %get3A_2047 = vector.load %arg6[%get3A_2045, %get3A_2046] : memref<32x384xf32, #tpu.memory_space<vmem>>, vector<32x128xf32>
    %get3A_2048 = arith.constant 0 : index
    %get3A_2049 = arith.constant 128 : index
    %get3A_2050 = vector.load %arg6[%get3A_2048, %get3A_2049] : memref<32x384xf32, #tpu.memory_space<vmem>>, vector<32x128xf32>
    %get3A_2051 = arith.constant 0 : index
    %get3A_2052 = arith.constant 256 : index
    %get3A_2053 = vector.load %arg6[%get3A_2051, %get3A_2052] : memref<32x384xf32, #tpu.memory_space<vmem>>, vector<32x128xf32>
    %get3A_2054 = arith.constant 0 : index
    %get3A_2055 = arith.constant 0 : index
    %get3A_2056 = vector.load %arg7[%get3A_2054, %get3A_2055] : memref<32x128xf32, #tpu.memory_space<vmem>>, vector<32x128xf32>
    %slice3A_2057 = vector.extract_strided_slice %min3A_2033 {offsets = [0, 0], sizes = [1, 128], strides = [1, 1]} : vector<1x2048xi32> to vector<1x128xi32>
    %broadcast_in_dim3A = vector.shape_cast %slice3A_2057 : vector<1x128xi32> to vector<1x128xi32>
    %broadcast_in_dim3A_2058 = vector.broadcast %broadcast_in_dim3A : vector<1x128xi32> to vector<32x128xi32>
    %jit3A_2059 = arith.constant 0 : i32
    %jit3A_2060 = arith.constant 127 : i32
    %max3A_2061 = vector.broadcast %jit3A_2059 : i32 to vector<32x128xi32>
    %max3A_2062 = arith.maxsi %max3A_2061, %broadcast_in_dim3A_2058 : vector<32x128xi32>
    %min3A_2063 = vector.broadcast %jit3A_2060 : i32 to vector<32x128xi32>
    %min3A_2064 = arith.minsi %min3A_2063, %max3A_2062 : vector<32x128xi32>
    %lt3A_2065 = arith.constant 0 : i32
    %lt3A_2066 = vector.broadcast %lt3A_2065 : i32 to vector<32x128xi32>
    %lt3A_2067 = arith.cmpi slt, %min3A_2064, %lt3A_2066 : vector<32x128xi32>
    %add3A_2068 = arith.constant 128 : i32
    %add3A_2069 = vector.broadcast %add3A_2068 : i32 to vector<32x128xi32>
    %add3A_2070 = arith.addi %min3A_2064, %add3A_2069 : vector<32x128xi32>
    %select_n3A_2071 = arith.select %lt3A_2067, %add3A_2070, %min3A_2064 : vector<32x128xi1>, vector<32x128xi32>
    %reshape3A_2072 = vector.shape_cast %select_n3A_2071 : vector<32x128xi32> to vector<32x128x1xi32>
    %gather3A_2073 = vector.shape_cast %reshape3A_2072 : vector<32x128x1xi32> to vector<32x128xi32>
    %gather3A_2074 = tpu.dynamic_gather %get3A_2047[%gather3A_2073] in [1] : vector<32x128xf32>, vector<32x128xi32> -> vector<32x128xf32>
    %sub3A = arith.constant 128 : i32
    %sub3A_2075 = vector.broadcast %sub3A : i32 to vector<32x128xi32>
    %sub3A_2076 = arith.subi %broadcast_in_dim3A_2058, %sub3A_2075 : vector<32x128xi32>
    %jit3A_2077 = arith.constant 0 : i32
    %jit3A_2078 = arith.constant 127 : i32
    %max3A_2079 = vector.broadcast %jit3A_2077 : i32 to vector<32x128xi32>
    %max3A_2080 = arith.maxsi %max3A_2079, %sub3A_2076 : vector<32x128xi32>
    %min3A_2081 = vector.broadcast %jit3A_2078 : i32 to vector<32x128xi32>
    %min3A_2082 = arith.minsi %min3A_2081, %max3A_2080 : vector<32x128xi32>
    %lt3A_2083 = arith.constant 0 : i32
    %lt3A_2084 = vector.broadcast %lt3A_2083 : i32 to vector<32x128xi32>
    %lt3A_2085 = arith.cmpi slt, %min3A_2082, %lt3A_2084 : vector<32x128xi32>
    %add3A_2086 = arith.constant 128 : i32
    %add3A_2087 = vector.broadcast %add3A_2086 : i32 to vector<32x128xi32>
    %add3A_2088 = arith.addi %min3A_2082, %add3A_2087 : vector<32x128xi32>
    %select_n3A_2089 = arith.select %lt3A_2085, %add3A_2088, %min3A_2082 : vector<32x128xi1>, vector<32x128xi32>
    %reshape3A_2090 = vector.shape_cast %select_n3A_2089 : vector<32x128xi32> to vector<32x128x1xi32>
    %gather3A_2091 = vector.shape_cast %reshape3A_2090 : vector<32x128x1xi32> to vector<32x128xi32>
    %gather3A_2092 = tpu.dynamic_gather %get3A_2050[%gather3A_2091] in [1] : vector<32x128xf32>, vector<32x128xi32> -> vector<32x128xf32>
    %sub3A_2093 = arith.constant 256 : i32
    %sub3A_2094 = vector.broadcast %sub3A_2093 : i32 to vector<32x128xi32>
    %sub3A_2095 = arith.subi %broadcast_in_dim3A_2058, %sub3A_2094 : vector<32x128xi32>
    %jit3A_2096 = arith.constant 0 : i32
    %jit3A_2097 = arith.constant 127 : i32
    %max3A_2098 = vector.broadcast %jit3A_2096 : i32 to vector<32x128xi32>
    %max3A_2099 = arith.maxsi %max3A_2098, %sub3A_2095 : vector<32x128xi32>
    %min3A_2100 = vector.broadcast %jit3A_2097 : i32 to vector<32x128xi32>
    %min3A_2101 = arith.minsi %min3A_2100, %max3A_2099 : vector<32x128xi32>
    %lt3A_2102 = arith.constant 0 : i32
    %lt3A_2103 = vector.broadcast %lt3A_2102 : i32 to vector<32x128xi32>
    %lt3A_2104 = arith.cmpi slt, %min3A_2101, %lt3A_2103 : vector<32x128xi32>
    %add3A_2105 = arith.constant 128 : i32
    %add3A_2106 = vector.broadcast %add3A_2105 : i32 to vector<32x128xi32>
    %add3A_2107 = arith.addi %min3A_2101, %add3A_2106 : vector<32x128xi32>
    %select_n3A_2108 = arith.select %lt3A_2104, %add3A_2107, %min3A_2101 : vector<32x128xi1>, vector<32x128xi32>
    %reshape3A_2109 = vector.shape_cast %select_n3A_2108 : vector<32x128xi32> to vector<32x128x1xi32>
    %gather3A_2110 = vector.shape_cast %reshape3A_2109 : vector<32x128x1xi32> to vector<32x128xi32>
    %gather3A_2111 = tpu.dynamic_gather %get3A_2053[%gather3A_2110] in [1] : vector<32x128xf32>, vector<32x128xi32> -> vector<32x128xf32>
    %lt3A_2112 = arith.constant 128 : i32
    %lt3A_2113 = vector.broadcast %lt3A_2112 : i32 to vector<32x128xi32>
    %lt3A_2114 = arith.cmpi slt, %broadcast_in_dim3A_2058, %lt3A_2113 : vector<32x128xi32>
    %lt3A_2115 = arith.constant 256 : i32
    %lt3A_2116 = vector.broadcast %lt3A_2115 : i32 to vector<32x128xi32>
    %lt3A_2117 = arith.cmpi slt, %broadcast_in_dim3A_2058, %lt3A_2116 : vector<32x128xi32>
    %select_n3A_2118 = arith.select %lt3A_2117, %gather3A_2092, %gather3A_2111 : vector<32x128xi1>, vector<32x128xf32>
    %select_n3A_2119 = arith.select %lt3A_2114, %gather3A_2074, %select_n3A_2118 : vector<32x128xi1>, vector<32x128xf32>
    %slice3A_2120 = vector.extract_strided_slice %min3A_2044 {offsets = [0, 0], sizes = [1, 128], strides = [1, 1]} : vector<1x2048xi32> to vector<1x128xi32>
    %broadcast_in_dim3A_2121 = vector.shape_cast %slice3A_2120 : vector<1x128xi32> to vector<1x128xi32>
    %broadcast_in_dim3A_2122 = vector.broadcast %broadcast_in_dim3A_2121 : vector<1x128xi32> to vector<32x128xi32>
    %lt3A_2123 = arith.constant 0 : i32
    %lt3A_2124 = vector.broadcast %lt3A_2123 : i32 to vector<32x128xi32>
    %lt3A_2125 = arith.cmpi slt, %broadcast_in_dim3A_2122, %lt3A_2124 : vector<32x128xi32>
    %add3A_2126 = arith.constant 128 : i32
    %add3A_2127 = vector.broadcast %add3A_2126 : i32 to vector<32x128xi32>
    %add3A_2128 = arith.addi %broadcast_in_dim3A_2122, %add3A_2127 : vector<32x128xi32>
    %select_n3A_2129 = arith.select %lt3A_2125, %add3A_2128, %broadcast_in_dim3A_2122 : vector<32x128xi1>, vector<32x128xi32>
    %reshape3A_2130 = vector.shape_cast %select_n3A_2129 : vector<32x128xi32> to vector<32x128x1xi32>
    %gather3A_2131 = vector.shape_cast %reshape3A_2130 : vector<32x128x1xi32> to vector<32x128xi32>
    %gather3A_2132 = tpu.dynamic_gather %get3A_2056[%gather3A_2131] in [1] : vector<32x128xf32>, vector<32x128xi32> -> vector<32x128xf32>
    %slice3A_2133 = vector.extract_strided_slice %min3A_2033 {offsets = [0, 128], sizes = [1, 128], strides = [1, 1]} : vector<1x2048xi32> to vector<1x128xi32>
    %broadcast_in_dim3A_2134 = vector.shape_cast %slice3A_2133 : vector<1x128xi32> to vector<1x128xi32>
    %broadcast_in_dim3A_2135 = vector.broadcast %broadcast_in_dim3A_2134 : vector<1x128xi32> to vector<32x128xi32>
    %jit3A_2136 = arith.constant 0 : i32
    %jit3A_2137 = arith.constant 127 : i32
    %max3A_2138 = vector.broadcast %jit3A_2136 : i32 to vector<32x128xi32>
    %max3A_2139 = arith.maxsi %max3A_2138, %broadcast_in_dim3A_2135 : vector<32x128xi32>
    %min3A_2140 = vector.broadcast %jit3A_2137 : i32 to vector<32x128xi32>
    %min3A_2141 = arith.minsi %min3A_2140, %max3A_2139 : vector<32x128xi32>
    %lt3A_2142 = arith.constant 0 : i32
    %lt3A_2143 = vector.broadcast %lt3A_2142 : i32 to vector<32x128xi32>
    %lt3A_2144 = arith.cmpi slt, %min3A_2141, %lt3A_2143 : vector<32x128xi32>
    %add3A_2145 = arith.constant 128 : i32
    %add3A_2146 = vector.broadcast %add3A_2145 : i32 to vector<32x128xi32>
    %add3A_2147 = arith.addi %min3A_2141, %add3A_2146 : vector<32x128xi32>
    %select_n3A_2148 = arith.select %lt3A_2144, %add3A_2147, %min3A_2141 : vector<32x128xi1>, vector<32x128xi32>
    %reshape3A_2149 = vector.shape_cast %select_n3A_2148 : vector<32x128xi32> to vector<32x128x1xi32>
    %gather3A_2150 = vector.shape_cast %reshape3A_2149 : vector<32x128x1xi32> to vector<32x128xi32>
    %gather3A_2151 = tpu.dynamic_gather %get3A_2047[%gather3A_2150] in [1] : vector<32x128xf32>, vector<32x128xi32> -> vector<32x128xf32>
    %sub3A_2152 = arith.constant 128 : i32
    %sub3A_2153 = vector.broadcast %sub3A_2152 : i32 to vector<32x128xi32>
    %sub3A_2154 = arith.subi %broadcast_in_dim3A_2135, %sub3A_2153 : vector<32x128xi32>
    %jit3A_2155 = arith.constant 0 : i32
    %jit3A_2156 = arith.constant 127 : i32
    %max3A_2157 = vector.broadcast %jit3A_2155 : i32 to vector<32x128xi32>
    %max3A_2158 = arith.maxsi %max3A_2157, %sub3A_2154 : vector<32x128xi32>
    %min3A_2159 = vector.broadcast %jit3A_2156 : i32 to vector<32x128xi32>
    %min3A_2160 = arith.minsi %min3A_2159, %max3A_2158 : vector<32x128xi32>
    %lt3A_2161 = arith.constant 0 : i32
    %lt3A_2162 = vector.broadcast %lt3A_2161 : i32 to vector<32x128xi32>
    %lt3A_2163 = arith.cmpi slt, %min3A_2160, %lt3A_2162 : vector<32x128xi32>
    %add3A_2164 = arith.constant 128 : i32
    %add3A_2165 = vector.broadcast %add3A_2164 : i32 to vector<32x128xi32>
    %add3A_2166 = arith.addi %min3A_2160, %add3A_2165 : vector<32x128xi32>
    %select_n3A_2167 = arith.select %lt3A_2163, %add3A_2166, %min3A_2160 : vector<32x128xi1>, vector<32x128xi32>
    %reshape3A_2168 = vector.shape_cast %select_n3A_2167 : vector<32x128xi32> to vector<32x128x1xi32>
    %gather3A_2169 = vector.shape_cast %reshape3A_2168 : vector<32x128x1xi32> to vector<32x128xi32>
    %gather3A_2170 = tpu.dynamic_gather %get3A_2050[%gather3A_2169] in [1] : vector<32x128xf32>, vector<32x128xi32> -> vector<32x128xf32>
    %sub3A_2171 = arith.constant 256 : i32
    %sub3A_2172 = vector.broadcast %sub3A_2171 : i32 to vector<32x128xi32>
    %sub3A_2173 = arith.subi %broadcast_in_dim3A_2135, %sub3A_2172 : vector<32x128xi32>
    %jit3A_2174 = arith.constant 0 : i32
    %jit3A_2175 = arith.constant 127 : i32
    %max3A_2176 = vector.broadcast %jit3A_2174 : i32 to vector<32x128xi32>
    %max3A_2177 = arith.maxsi %max3A_2176, %sub3A_2173 : vector<32x128xi32>
    %min3A_2178 = vector.broadcast %jit3A_2175 : i32 to vector<32x128xi32>
    %min3A_2179 = arith.minsi %min3A_2178, %max3A_2177 : vector<32x128xi32>
    %lt3A_2180 = arith.constant 0 : i32
    %lt3A_2181 = vector.broadcast %lt3A_2180 : i32 to vector<32x128xi32>
    %lt3A_2182 = arith.cmpi slt, %min3A_2179, %lt3A_2181 : vector<32x128xi32>
    %add3A_2183 = arith.constant 128 : i32
    %add3A_2184 = vector.broadcast %add3A_2183 : i32 to vector<32x128xi32>
    %add3A_2185 = arith.addi %min3A_2179, %add3A_2184 : vector<32x128xi32>
    %select_n3A_2186 = arith.select %lt3A_2182, %add3A_2185, %min3A_2179 : vector<32x128xi1>, vector<32x128xi32>
    %reshape3A_2187 = vector.shape_cast %select_n3A_2186 : vector<32x128xi32> to vector<32x128x1xi32>
    %gather3A_2188 = vector.shape_cast %reshape3A_2187 : vector<32x128x1xi32> to vector<32x128xi32>
    %gather3A_2189 = tpu.dynamic_gather %get3A_2053[%gather3A_2188] in [1] : vector<32x128xf32>, vector<32x128xi32> -> vector<32x128xf32>
    %lt3A_2190 = arith.constant 128 : i32
    %lt3A_2191 = vector.broadcast %lt3A_2190 : i32 to vector<32x128xi32>
    %lt3A_2192 = arith.cmpi slt, %broadcast_in_dim3A_2135, %lt3A_2191 : vector<32x128xi32>
    %lt3A_2193 = arith.constant 256 : i32
    %lt3A_2194 = vector.broadcast %lt3A_2193 : i32 to vector<32x128xi32>
    %lt3A_2195 = arith.cmpi slt, %broadcast_in_dim3A_2135, %lt3A_2194 : vector<32x128xi32>
    %select_n3A_2196 = arith.select %lt3A_2195, %gather3A_2170, %gather3A_2189 : vector<32x128xi1>, vector<32x128xf32>
    %select_n3A_2197 = arith.select %lt3A_2192, %gather3A_2151, %select_n3A_2196 : vector<32x128xi1>, vector<32x128xf32>
    %slice3A_2198 = vector.extract_strided_slice %min3A_2044 {offsets = [0, 128], sizes = [1, 128], strides = [1, 1]} : vector<1x2048xi32> to vector<1x128xi32>
    %broadcast_in_dim3A_2199 = vector.shape_cast %slice3A_2198 : vector<1x128xi32> to vector<1x128xi32>
    %broadcast_in_dim3A_2200 = vector.broadcast %broadcast_in_dim3A_2199 : vector<1x128xi32> to vector<32x128xi32>
    %lt3A_2201 = arith.constant 0 : i32
    %lt3A_2202 = vector.broadcast %lt3A_2201 : i32 to vector<32x128xi32>
    %lt3A_2203 = arith.cmpi slt, %broadcast_in_dim3A_2200, %lt3A_2202 : vector<32x128xi32>
    %add3A_2204 = arith.constant 128 : i32
    %add3A_2205 = vector.broadcast %add3A_2204 : i32 to vector<32x128xi32>
    %add3A_2206 = arith.addi %broadcast_in_dim3A_2200, %add3A_2205 : vector<32x128xi32>
    %select_n3A_2207 = arith.select %lt3A_2203, %add3A_2206, %broadcast_in_dim3A_2200 : vector<32x128xi1>, vector<32x128xi32>
    %reshape3A_2208 = vector.shape_cast %select_n3A_2207 : vector<32x128xi32> to vector<32x128x1xi32>
    %gather3A_2209 = vector.shape_cast %reshape3A_2208 : vector<32x128x1xi32> to vector<32x128xi32>
    %gather3A_2210 = tpu.dynamic_gather %get3A_2056[%gather3A_2209] in [1] : vector<32x128xf32>, vector<32x128xi32> -> vector<32x128xf32>
    %slice3A_2211 = vector.extract_strided_slice %min3A_2033 {offsets = [0, 256], sizes = [1, 128], strides = [1, 1]} : vector<1x2048xi32> to vector<1x128xi32>
    %broadcast_in_dim3A_2212 = vector.shape_cast %slice3A_2211 : vector<1x128xi32> to vector<1x128xi32>
    %broadcast_in_dim3A_2213 = vector.broadcast %broadcast_in_dim3A_2212 : vector<1x128xi32> to vector<32x128xi32>
    %jit3A_2214 = arith.constant 0 : i32
    %jit3A_2215 = arith.constant 127 : i32
    %max3A_2216 = vector.broadcast %jit3A_2214 : i32 to vector<32x128xi32>
    %max3A_2217 = arith.maxsi %max3A_2216, %broadcast_in_dim3A_2213 : vector<32x128xi32>
    %min3A_2218 = vector.broadcast %jit3A_2215 : i32 to vector<32x128xi32>
    %min3A_2219 = arith.minsi %min3A_2218, %max3A_2217 : vector<32x128xi32>
    %lt3A_2220 = arith.constant 0 : i32
    %lt3A_2221 = vector.broadcast %lt3A_2220 : i32 to vector<32x128xi32>
    %lt3A_2222 = arith.cmpi slt, %min3A_2219, %lt3A_2221 : vector<32x128xi32>
    %add3A_2223 = arith.constant 128 : i32
    %add3A_2224 = vector.broadcast %add3A_2223 : i32 to vector<32x128xi32>
    %add3A_2225 = arith.addi %min3A_2219, %add3A_2224 : vector<32x128xi32>
    %select_n3A_2226 = arith.select %lt3A_2222, %add3A_2225, %min3A_2219 : vector<32x128xi1>, vector<32x128xi32>
    %reshape3A_2227 = vector.shape_cast %select_n3A_2226 : vector<32x128xi32> to vector<32x128x1xi32>
    %gather3A_2228 = vector.shape_cast %reshape3A_2227 : vector<32x128x1xi32> to vector<32x128xi32>
    %gather3A_2229 = tpu.dynamic_gather %get3A_2047[%gather3A_2228] in [1] : vector<32x128xf32>, vector<32x128xi32> -> vector<32x128xf32>
    %sub3A_2230 = arith.constant 128 : i32
    %sub3A_2231 = vector.broadcast %sub3A_2230 : i32 to vector<32x128xi32>
    %sub3A_2232 = arith.subi %broadcast_in_dim3A_2213, %sub3A_2231 : vector<32x128xi32>
    %jit3A_2233 = arith.constant 0 : i32
    %jit3A_2234 = arith.constant 127 : i32
    %max3A_2235 = vector.broadcast %jit3A_2233 : i32 to vector<32x128xi32>
    %max3A_2236 = arith.maxsi %max3A_2235, %sub3A_2232 : vector<32x128xi32>
    %min3A_2237 = vector.broadcast %jit3A_2234 : i32 to vector<32x128xi32>
    %min3A_2238 = arith.minsi %min3A_2237, %max3A_2236 : vector<32x128xi32>
    %lt3A_2239 = arith.constant 0 : i32
    %lt3A_2240 = vector.broadcast %lt3A_2239 : i32 to vector<32x128xi32>
    %lt3A_2241 = arith.cmpi slt, %min3A_2238, %lt3A_2240 : vector<32x128xi32>
    %add3A_2242 = arith.constant 128 : i32
    %add3A_2243 = vector.broadcast %add3A_2242 : i32 to vector<32x128xi32>
    %add3A_2244 = arith.addi %min3A_2238, %add3A_2243 : vector<32x128xi32>
    %select_n3A_2245 = arith.select %lt3A_2241, %add3A_2244, %min3A_2238 : vector<32x128xi1>, vector<32x128xi32>
    %reshape3A_2246 = vector.shape_cast %select_n3A_2245 : vector<32x128xi32> to vector<32x128x1xi32>
    %gather3A_2247 = vector.shape_cast %reshape3A_2246 : vector<32x128x1xi32> to vector<32x128xi32>
    %gather3A_2248 = tpu.dynamic_gather %get3A_2050[%gather3A_2247] in [1] : vector<32x128xf32>, vector<32x128xi32> -> vector<32x128xf32>
    %sub3A_2249 = arith.constant 256 : i32
    %sub3A_2250 = vector.broadcast %sub3A_2249 : i32 to vector<32x128xi32>
    %sub3A_2251 = arith.subi %broadcast_in_dim3A_2213, %sub3A_2250 : vector<32x128xi32>
    %jit3A_2252 = arith.constant 0 : i32
    %jit3A_2253 = arith.constant 127 : i32
    %max3A_2254 = vector.broadcast %jit3A_2252 : i32 to vector<32x128xi32>
    %max3A_2255 = arith.maxsi %max3A_2254, %sub3A_2251 : vector<32x128xi32>
    %min3A_2256 = vector.broadcast %jit3A_2253 : i32 to vector<32x128xi32>
    %min3A_2257 = arith.minsi %min3A_2256, %max3A_2255 : vector<32x128xi32>
    %lt3A_2258 = arith.constant 0 : i32
    %lt3A_2259 = vector.broadcast %lt3A_2258 : i32 to vector<32x128xi32>
    %lt3A_2260 = arith.cmpi slt, %min3A_2257, %lt3A_2259 : vector<32x128xi32>
    %add3A_2261 = arith.constant 128 : i32
    %add3A_2262 = vector.broadcast %add3A_2261 : i32 to vector<32x128xi32>
    %add3A_2263 = arith.addi %min3A_2257, %add3A_2262 : vector<32x128xi32>
    %select_n3A_2264 = arith.select %lt3A_2260, %add3A_2263, %min3A_2257 : vector<32x128xi1>, vector<32x128xi32>
    %reshape3A_2265 = vector.shape_cast %select_n3A_2264 : vector<32x128xi32> to vector<32x128x1xi32>
    %gather3A_2266 = vector.shape_cast %reshape3A_2265 : vector<32x128x1xi32> to vector<32x128xi32>
    %gather3A_2267 = tpu.dynamic_gather %get3A_2053[%gather3A_2266] in [1] : vector<32x128xf32>, vector<32x128xi32> -> vector<32x128xf32>
    %lt3A_2268 = arith.constant 128 : i32
    %lt3A_2269 = vector.broadcast %lt3A_2268 : i32 to vector<32x128xi32>
    %lt3A_2270 = arith.cmpi slt, %broadcast_in_dim3A_2213, %lt3A_2269 : vector<32x128xi32>
    %lt3A_2271 = arith.constant 256 : i32
    %lt3A_2272 = vector.broadcast %lt3A_2271 : i32 to vector<32x128xi32>
    %lt3A_2273 = arith.cmpi slt, %broadcast_in_dim3A_2213, %lt3A_2272 : vector<32x128xi32>
    %select_n3A_2274 = arith.select %lt3A_2273, %gather3A_2248, %gather3A_2267 : vector<32x128xi1>, vector<32x128xf32>
    %select_n3A_2275 = arith.select %lt3A_2270, %gather3A_2229, %select_n3A_2274 : vector<32x128xi1>, vector<32x128xf32>
    %slice3A_2276 = vector.extract_strided_slice %min3A_2044 {offsets = [0, 256], sizes = [1, 128], strides = [1, 1]} : vector<1x2048xi32> to vector<1x128xi32>
    %broadcast_in_dim3A_2277 = vector.shape_cast %slice3A_2276 : vector<1x128xi32> to vector<1x128xi32>
    %broadcast_in_dim3A_2278 = vector.broadcast %broadcast_in_dim3A_2277 : vector<1x128xi32> to vector<32x128xi32>
    %lt3A_2279 = arith.constant 0 : i32
    %lt3A_2280 = vector.broadcast %lt3A_2279 : i32 to vector<32x128xi32>
    %lt3A_2281 = arith.cmpi slt, %broadcast_in_dim3A_2278, %lt3A_2280 : vector<32x128xi32>
    %add3A_2282 = arith.constant 128 : i32
    %add3A_2283 = vector.broadcast %add3A_2282 : i32 to vector<32x128xi32>
    %add3A_2284 = arith.addi %broadcast_in_dim3A_2278, %add3A_2283 : vector<32x128xi32>
    %select_n3A_2285 = arith.select %lt3A_2281, %add3A_2284, %broadcast_in_dim3A_2278 : vector<32x128xi1>, vector<32x128xi32>
    %reshape3A_2286 = vector.shape_cast %select_n3A_2285 : vector<32x128xi32> to vector<32x128x1xi32>
    %gather3A_2287 = vector.shape_cast %reshape3A_2286 : vector<32x128x1xi32> to vector<32x128xi32>
    %gather3A_2288 = tpu.dynamic_gather %get3A_2056[%gather3A_2287] in [1] : vector<32x128xf32>, vector<32x128xi32> -> vector<32x128xf32>
    %slice3A_2289 = vector.extract_strided_slice %min3A_2033 {offsets = [0, 384], sizes = [1, 128], strides = [1, 1]} : vector<1x2048xi32> to vector<1x128xi32>
    %broadcast_in_dim3A_2290 = vector.shape_cast %slice3A_2289 : vector<1x128xi32> to vector<1x128xi32>
    %broadcast_in_dim3A_2291 = vector.broadcast %broadcast_in_dim3A_2290 : vector<1x128xi32> to vector<32x128xi32>
    %jit3A_2292 = arith.constant 0 : i32
    %jit3A_2293 = arith.constant 127 : i32
    %max3A_2294 = vector.broadcast %jit3A_2292 : i32 to vector<32x128xi32>
    %max3A_2295 = arith.maxsi %max3A_2294, %broadcast_in_dim3A_2291 : vector<32x128xi32>
    %min3A_2296 = vector.broadcast %jit3A_2293 : i32 to vector<32x128xi32>
    %min3A_2297 = arith.minsi %min3A_2296, %max3A_2295 : vector<32x128xi32>
    %lt3A_2298 = arith.constant 0 : i32
    %lt3A_2299 = vector.broadcast %lt3A_2298 : i32 to vector<32x128xi32>
    %lt3A_2300 = arith.cmpi slt, %min3A_2297, %lt3A_2299 : vector<32x128xi32>
    %add3A_2301 = arith.constant 128 : i32
    %add3A_2302 = vector.broadcast %add3A_2301 : i32 to vector<32x128xi32>
    %add3A_2303 = arith.addi %min3A_2297, %add3A_2302 : vector<32x128xi32>
    %select_n3A_2304 = arith.select %lt3A_2300, %add3A_2303, %min3A_2297 : vector<32x128xi1>, vector<32x128xi32>
    %reshape3A_2305 = vector.shape_cast %select_n3A_2304 : vector<32x128xi32> to vector<32x128x1xi32>
    %gather3A_2306 = vector.shape_cast %reshape3A_2305 : vector<32x128x1xi32> to vector<32x128xi32>
    %gather3A_2307 = tpu.dynamic_gather %get3A_2047[%gather3A_2306] in [1] : vector<32x128xf32>, vector<32x128xi32> -> vector<32x128xf32>
    %sub3A_2308 = arith.constant 128 : i32
    %sub3A_2309 = vector.broadcast %sub3A_2308 : i32 to vector<32x128xi32>
    %sub3A_2310 = arith.subi %broadcast_in_dim3A_2291, %sub3A_2309 : vector<32x128xi32>
    %jit3A_2311 = arith.constant 0 : i32
    %jit3A_2312 = arith.constant 127 : i32
    %max3A_2313 = vector.broadcast %jit3A_2311 : i32 to vector<32x128xi32>
    %max3A_2314 = arith.maxsi %max3A_2313, %sub3A_2310 : vector<32x128xi32>
    %min3A_2315 = vector.broadcast %jit3A_2312 : i32 to vector<32x128xi32>
    %min3A_2316 = arith.minsi %min3A_2315, %max3A_2314 : vector<32x128xi32>
    %lt3A_2317 = arith.constant 0 : i32
    %lt3A_2318 = vector.broadcast %lt3A_2317 : i32 to vector<32x128xi32>
    %lt3A_2319 = arith.cmpi slt, %min3A_2316, %lt3A_2318 : vector<32x128xi32>
    %add3A_2320 = arith.constant 128 : i32
    %add3A_2321 = vector.broadcast %add3A_2320 : i32 to vector<32x128xi32>
    %add3A_2322 = arith.addi %min3A_2316, %add3A_2321 : vector<32x128xi32>
    %select_n3A_2323 = arith.select %lt3A_2319, %add3A_2322, %min3A_2316 : vector<32x128xi1>, vector<32x128xi32>
    %reshape3A_2324 = vector.shape_cast %select_n3A_2323 : vector<32x128xi32> to vector<32x128x1xi32>
    %gather3A_2325 = vector.shape_cast %reshape3A_2324 : vector<32x128x1xi32> to vector<32x128xi32>
    %gather3A_2326 = tpu.dynamic_gather %get3A_2050[%gather3A_2325] in [1] : vector<32x128xf32>, vector<32x128xi32> -> vector<32x128xf32>
    %sub3A_2327 = arith.constant 256 : i32
    %sub3A_2328 = vector.broadcast %sub3A_2327 : i32 to vector<32x128xi32>
    %sub3A_2329 = arith.subi %broadcast_in_dim3A_2291, %sub3A_2328 : vector<32x128xi32>
    %jit3A_2330 = arith.constant 0 : i32
    %jit3A_2331 = arith.constant 127 : i32
    %max3A_2332 = vector.broadcast %jit3A_2330 : i32 to vector<32x128xi32>
    %max3A_2333 = arith.maxsi %max3A_2332, %sub3A_2329 : vector<32x128xi32>
    %min3A_2334 = vector.broadcast %jit3A_2331 : i32 to vector<32x128xi32>
    %min3A_2335 = arith.minsi %min3A_2334, %max3A_2333 : vector<32x128xi32>
    %lt3A_2336 = arith.constant 0 : i32
    %lt3A_2337 = vector.broadcast %lt3A_2336 : i32 to vector<32x128xi32>
    %lt3A_2338 = arith.cmpi slt, %min3A_2335, %lt3A_2337 : vector<32x128xi32>
    %add3A_2339 = arith.constant 128 : i32
    %add3A_2340 = vector.broadcast %add3A_2339 : i32 to vector<32x128xi32>
    %add3A_2341 = arith.addi %min3A_2335, %add3A_2340 : vector<32x128xi32>
    %select_n3A_2342 = arith.select %lt3A_2338, %add3A_2341, %min3A_2335 : vector<32x128xi1>, vector<32x128xi32>
    %reshape3A_2343 = vector.shape_cast %select_n3A_2342 : vector<32x128xi32> to vector<32x128x1xi32>
    %gather3A_2344 = vector.shape_cast %reshape3A_2343 : vector<32x128x1xi32> to vector<32x128xi32>
    %gather3A_2345 = tpu.dynamic_gather %get3A_2053[%gather3A_2344] in [1] : vector<32x128xf32>, vector<32x128xi32> -> vector<32x128xf32>
    %lt3A_2346 = arith.constant 128 : i32
    %lt3A_2347 = vector.broadcast %lt3A_2346 : i32 to vector<32x128xi32>
    %lt3A_2348 = arith.cmpi slt, %broadcast_in_dim3A_2291, %lt3A_2347 : vector<32x128xi32>
    %lt3A_2349 = arith.constant 256 : i32
    %lt3A_2350 = vector.broadcast %lt3A_2349 : i32 to vector<32x128xi32>
    %lt3A_2351 = arith.cmpi slt, %broadcast_in_dim3A_2291, %lt3A_2350 : vector<32x128xi32>
    %select_n3A_2352 = arith.select %lt3A_2351, %gather3A_2326, %gather3A_2345 : vector<32x128xi1>, vector<32x128xf32>
    %select_n3A_2353 = arith.select %lt3A_2348, %gather3A_2307, %select_n3A_2352 : vector<32x128xi1>, vector<32x128xf32>
    %slice3A_2354 = vector.extract_strided_slice %min3A_2044 {offsets = [0, 384], sizes = [1, 128], strides = [1, 1]} : vector<1x2048xi32> to vector<1x128xi32>
    %broadcast_in_dim3A_2355 = vector.shape_cast %slice3A_2354 : vector<1x128xi32> to vector<1x128xi32>
    %broadcast_in_dim3A_2356 = vector.broadcast %broadcast_in_dim3A_2355 : vector<1x128xi32> to vector<32x128xi32>
    %lt3A_2357 = arith.constant 0 : i32
    %lt3A_2358 = vector.broadcast %lt3A_2357 : i32 to vector<32x128xi32>
    %lt3A_2359 = arith.cmpi slt, %broadcast_in_dim3A_2356, %lt3A_2358 : vector<32x128xi32>
    %add3A_2360 = arith.constant 128 : i32
    %add3A_2361 = vector.broadcast %add3A_2360 : i32 to vector<32x128xi32>
    %add3A_2362 = arith.addi %broadcast_in_dim3A_2356, %add3A_2361 : vector<32x128xi32>
    %select_n3A_2363 = arith.select %lt3A_2359, %add3A_2362, %broadcast_in_dim3A_2356 : vector<32x128xi1>, vector<32x128xi32>
    %reshape3A_2364 = vector.shape_cast %select_n3A_2363 : vector<32x128xi32> to vector<32x128x1xi32>
    %gather3A_2365 = vector.shape_cast %reshape3A_2364 : vector<32x128x1xi32> to vector<32x128xi32>
    %gather3A_2366 = tpu.dynamic_gather %get3A_2056[%gather3A_2365] in [1] : vector<32x128xf32>, vector<32x128xi32> -> vector<32x128xf32>
    %slice3A_2367 = vector.extract_strided_slice %min3A_2033 {offsets = [0, 512], sizes = [1, 128], strides = [1, 1]} : vector<1x2048xi32> to vector<1x128xi32>
    %broadcast_in_dim3A_2368 = vector.shape_cast %slice3A_2367 : vector<1x128xi32> to vector<1x128xi32>
    %broadcast_in_dim3A_2369 = vector.broadcast %broadcast_in_dim3A_2368 : vector<1x128xi32> to vector<32x128xi32>
    %jit3A_2370 = arith.constant 0 : i32
    %jit3A_2371 = arith.constant 127 : i32
    %max3A_2372 = vector.broadcast %jit3A_2370 : i32 to vector<32x128xi32>
    %max3A_2373 = arith.maxsi %max3A_2372, %broadcast_in_dim3A_2369 : vector<32x128xi32>
    %min3A_2374 = vector.broadcast %jit3A_2371 : i32 to vector<32x128xi32>
    %min3A_2375 = arith.minsi %min3A_2374, %max3A_2373 : vector<32x128xi32>
    %lt3A_2376 = arith.constant 0 : i32
    %lt3A_2377 = vector.broadcast %lt3A_2376 : i32 to vector<32x128xi32>
    %lt3A_2378 = arith.cmpi slt, %min3A_2375, %lt3A_2377 : vector<32x128xi32>
    %add3A_2379 = arith.constant 128 : i32
    %add3A_2380 = vector.broadcast %add3A_2379 : i32 to vector<32x128xi32>
    %add3A_2381 = arith.addi %min3A_2375, %add3A_2380 : vector<32x128xi32>
    %select_n3A_2382 = arith.select %lt3A_2378, %add3A_2381, %min3A_2375 : vector<32x128xi1>, vector<32x128xi32>
    %reshape3A_2383 = vector.shape_cast %select_n3A_2382 : vector<32x128xi32> to vector<32x128x1xi32>
    %gather3A_2384 = vector.shape_cast %reshape3A_2383 : vector<32x128x1xi32> to vector<32x128xi32>
    %gather3A_2385 = tpu.dynamic_gather %get3A_2047[%gather3A_2384] in [1] : vector<32x128xf32>, vector<32x128xi32> -> vector<32x128xf32>
    %sub3A_2386 = arith.constant 128 : i32
    %sub3A_2387 = vector.broadcast %sub3A_2386 : i32 to vector<32x128xi32>
    %sub3A_2388 = arith.subi %broadcast_in_dim3A_2369, %sub3A_2387 : vector<32x128xi32>
    %jit3A_2389 = arith.constant 0 : i32
    %jit3A_2390 = arith.constant 127 : i32
    %max3A_2391 = vector.broadcast %jit3A_2389 : i32 to vector<32x128xi32>
    %max3A_2392 = arith.maxsi %max3A_2391, %sub3A_2388 : vector<32x128xi32>
    %min3A_2393 = vector.broadcast %jit3A_2390 : i32 to vector<32x128xi32>
    %min3A_2394 = arith.minsi %min3A_2393, %max3A_2392 : vector<32x128xi32>
    %lt3A_2395 = arith.constant 0 : i32
    %lt3A_2396 = vector.broadcast %lt3A_2395 : i32 to vector<32x128xi32>
    %lt3A_2397 = arith.cmpi slt, %min3A_2394, %lt3A_2396 : vector<32x128xi32>
    %add3A_2398 = arith.constant 128 : i32
    %add3A_2399 = vector.broadcast %add3A_2398 : i32 to vector<32x128xi32>
    %add3A_2400 = arith.addi %min3A_2394, %add3A_2399 : vector<32x128xi32>
    %select_n3A_2401 = arith.select %lt3A_2397, %add3A_2400, %min3A_2394 : vector<32x128xi1>, vector<32x128xi32>
    %reshape3A_2402 = vector.shape_cast %select_n3A_2401 : vector<32x128xi32> to vector<32x128x1xi32>
    %gather3A_2403 = vector.shape_cast %reshape3A_2402 : vector<32x128x1xi32> to vector<32x128xi32>
    %gather3A_2404 = tpu.dynamic_gather %get3A_2050[%gather3A_2403] in [1] : vector<32x128xf32>, vector<32x128xi32> -> vector<32x128xf32>
    %sub3A_2405 = arith.constant 256 : i32
    %sub3A_2406 = vector.broadcast %sub3A_2405 : i32 to vector<32x128xi32>
    %sub3A_2407 = arith.subi %broadcast_in_dim3A_2369, %sub3A_2406 : vector<32x128xi32>
    %jit3A_2408 = arith.constant 0 : i32
    %jit3A_2409 = arith.constant 127 : i32
    %max3A_2410 = vector.broadcast %jit3A_2408 : i32 to vector<32x128xi32>
    %max3A_2411 = arith.maxsi %max3A_2410, %sub3A_2407 : vector<32x128xi32>
    %min3A_2412 = vector.broadcast %jit3A_2409 : i32 to vector<32x128xi32>
    %min3A_2413 = arith.minsi %min3A_2412, %max3A_2411 : vector<32x128xi32>
    %lt3A_2414 = arith.constant 0 : i32
    %lt3A_2415 = vector.broadcast %lt3A_2414 : i32 to vector<32x128xi32>
    %lt3A_2416 = arith.cmpi slt, %min3A_2413, %lt3A_2415 : vector<32x128xi32>
    %add3A_2417 = arith.constant 128 : i32
    %add3A_2418 = vector.broadcast %add3A_2417 : i32 to vector<32x128xi32>
    %add3A_2419 = arith.addi %min3A_2413, %add3A_2418 : vector<32x128xi32>
    %select_n3A_2420 = arith.select %lt3A_2416, %add3A_2419, %min3A_2413 : vector<32x128xi1>, vector<32x128xi32>
    %reshape3A_2421 = vector.shape_cast %select_n3A_2420 : vector<32x128xi32> to vector<32x128x1xi32>
    %gather3A_2422 = vector.shape_cast %reshape3A_2421 : vector<32x128x1xi32> to vector<32x128xi32>
    %gather3A_2423 = tpu.dynamic_gather %get3A_2053[%gather3A_2422] in [1] : vector<32x128xf32>, vector<32x128xi32> -> vector<32x128xf32>
    %lt3A_2424 = arith.constant 128 : i32
    %lt3A_2425 = vector.broadcast %lt3A_2424 : i32 to vector<32x128xi32>
    %lt3A_2426 = arith.cmpi slt, %broadcast_in_dim3A_2369, %lt3A_2425 : vector<32x128xi32>
    %lt3A_2427 = arith.constant 256 : i32
    %lt3A_2428 = vector.broadcast %lt3A_2427 : i32 to vector<32x128xi32>
    %lt3A_2429 = arith.cmpi slt, %broadcast_in_dim3A_2369, %lt3A_2428 : vector<32x128xi32>
    %select_n3A_2430 = arith.select %lt3A_2429, %gather3A_2404, %gather3A_2423 : vector<32x128xi1>, vector<32x128xf32>
    %select_n3A_2431 = arith.select %lt3A_2426, %gather3A_2385, %select_n3A_2430 : vector<32x128xi1>, vector<32x128xf32>
    %slice3A_2432 = vector.extract_strided_slice %min3A_2044 {offsets = [0, 512], sizes = [1, 128], strides = [1, 1]} : vector<1x2048xi32> to vector<1x128xi32>
    %broadcast_in_dim3A_2433 = vector.shape_cast %slice3A_2432 : vector<1x128xi32> to vector<1x128xi32>
    %broadcast_in_dim3A_2434 = vector.broadcast %broadcast_in_dim3A_2433 : vector<1x128xi32> to vector<32x128xi32>
    %lt3A_2435 = arith.constant 0 : i32
    %lt3A_2436 = vector.broadcast %lt3A_2435 : i32 to vector<32x128xi32>
    %lt3A_2437 = arith.cmpi slt, %broadcast_in_dim3A_2434, %lt3A_2436 : vector<32x128xi32>
    %add3A_2438 = arith.constant 128 : i32
    %add3A_2439 = vector.broadcast %add3A_2438 : i32 to vector<32x128xi32>
    %add3A_2440 = arith.addi %broadcast_in_dim3A_2434, %add3A_2439 : vector<32x128xi32>
    %select_n3A_2441 = arith.select %lt3A_2437, %add3A_2440, %broadcast_in_dim3A_2434 : vector<32x128xi1>, vector<32x128xi32>
    %reshape3A_2442 = vector.shape_cast %select_n3A_2441 : vector<32x128xi32> to vector<32x128x1xi32>
    %gather3A_2443 = vector.shape_cast %reshape3A_2442 : vector<32x128x1xi32> to vector<32x128xi32>
    %gather3A_2444 = tpu.dynamic_gather %get3A_2056[%gather3A_2443] in [1] : vector<32x128xf32>, vector<32x128xi32> -> vector<32x128xf32>
    %slice3A_2445 = vector.extract_strided_slice %min3A_2033 {offsets = [0, 640], sizes = [1, 128], strides = [1, 1]} : vector<1x2048xi32> to vector<1x128xi32>
    %broadcast_in_dim3A_2446 = vector.shape_cast %slice3A_2445 : vector<1x128xi32> to vector<1x128xi32>
    %broadcast_in_dim3A_2447 = vector.broadcast %broadcast_in_dim3A_2446 : vector<1x128xi32> to vector<32x128xi32>
    %jit3A_2448 = arith.constant 0 : i32
    %jit3A_2449 = arith.constant 127 : i32
    %max3A_2450 = vector.broadcast %jit3A_2448 : i32 to vector<32x128xi32>
    %max3A_2451 = arith.maxsi %max3A_2450, %broadcast_in_dim3A_2447 : vector<32x128xi32>
    %min3A_2452 = vector.broadcast %jit3A_2449 : i32 to vector<32x128xi32>
    %min3A_2453 = arith.minsi %min3A_2452, %max3A_2451 : vector<32x128xi32>
    %lt3A_2454 = arith.constant 0 : i32
    %lt3A_2455 = vector.broadcast %lt3A_2454 : i32 to vector<32x128xi32>
    %lt3A_2456 = arith.cmpi slt, %min3A_2453, %lt3A_2455 : vector<32x128xi32>
    %add3A_2457 = arith.constant 128 : i32
    %add3A_2458 = vector.broadcast %add3A_2457 : i32 to vector<32x128xi32>
    %add3A_2459 = arith.addi %min3A_2453, %add3A_2458 : vector<32x128xi32>
    %select_n3A_2460 = arith.select %lt3A_2456, %add3A_2459, %min3A_2453 : vector<32x128xi1>, vector<32x128xi32>
    %reshape3A_2461 = vector.shape_cast %select_n3A_2460 : vector<32x128xi32> to vector<32x128x1xi32>
    %gather3A_2462 = vector.shape_cast %reshape3A_2461 : vector<32x128x1xi32> to vector<32x128xi32>
    %gather3A_2463 = tpu.dynamic_gather %get3A_2047[%gather3A_2462] in [1] : vector<32x128xf32>, vector<32x128xi32> -> vector<32x128xf32>
    %sub3A_2464 = arith.constant 128 : i32
    %sub3A_2465 = vector.broadcast %sub3A_2464 : i32 to vector<32x128xi32>
    %sub3A_2466 = arith.subi %broadcast_in_dim3A_2447, %sub3A_2465 : vector<32x128xi32>
    %jit3A_2467 = arith.constant 0 : i32
    %jit3A_2468 = arith.constant 127 : i32
    %max3A_2469 = vector.broadcast %jit3A_2467 : i32 to vector<32x128xi32>
    %max3A_2470 = arith.maxsi %max3A_2469, %sub3A_2466 : vector<32x128xi32>
    %min3A_2471 = vector.broadcast %jit3A_2468 : i32 to vector<32x128xi32>
    %min3A_2472 = arith.minsi %min3A_2471, %max3A_2470 : vector<32x128xi32>
    %lt3A_2473 = arith.constant 0 : i32
    %lt3A_2474 = vector.broadcast %lt3A_2473 : i32 to vector<32x128xi32>
    %lt3A_2475 = arith.cmpi slt, %min3A_2472, %lt3A_2474 : vector<32x128xi32>
    %add3A_2476 = arith.constant 128 : i32
    %add3A_2477 = vector.broadcast %add3A_2476 : i32 to vector<32x128xi32>
    %add3A_2478 = arith.addi %min3A_2472, %add3A_2477 : vector<32x128xi32>
    %select_n3A_2479 = arith.select %lt3A_2475, %add3A_2478, %min3A_2472 : vector<32x128xi1>, vector<32x128xi32>
    %reshape3A_2480 = vector.shape_cast %select_n3A_2479 : vector<32x128xi32> to vector<32x128x1xi32>
    %gather3A_2481 = vector.shape_cast %reshape3A_2480 : vector<32x128x1xi32> to vector<32x128xi32>
    %gather3A_2482 = tpu.dynamic_gather %get3A_2050[%gather3A_2481] in [1] : vector<32x128xf32>, vector<32x128xi32> -> vector<32x128xf32>
    %sub3A_2483 = arith.constant 256 : i32
    %sub3A_2484 = vector.broadcast %sub3A_2483 : i32 to vector<32x128xi32>
    %sub3A_2485 = arith.subi %broadcast_in_dim3A_2447, %sub3A_2484 : vector<32x128xi32>
    %jit3A_2486 = arith.constant 0 : i32
    %jit3A_2487 = arith.constant 127 : i32
    %max3A_2488 = vector.broadcast %jit3A_2486 : i32 to vector<32x128xi32>
    %max3A_2489 = arith.maxsi %max3A_2488, %sub3A_2485 : vector<32x128xi32>
    %min3A_2490 = vector.broadcast %jit3A_2487 : i32 to vector<32x128xi32>
    %min3A_2491 = arith.minsi %min3A_2490, %max3A_2489 : vector<32x128xi32>
    %lt3A_2492 = arith.constant 0 : i32
    %lt3A_2493 = vector.broadcast %lt3A_2492 : i32 to vector<32x128xi32>
    %lt3A_2494 = arith.cmpi slt, %min3A_2491, %lt3A_2493 : vector<32x128xi32>
    %add3A_2495 = arith.constant 128 : i32
    %add3A_2496 = vector.broadcast %add3A_2495 : i32 to vector<32x128xi32>
    %add3A_2497 = arith.addi %min3A_2491, %add3A_2496 : vector<32x128xi32>
    %select_n3A_2498 = arith.select %lt3A_2494, %add3A_2497, %min3A_2491 : vector<32x128xi1>, vector<32x128xi32>
    %reshape3A_2499 = vector.shape_cast %select_n3A_2498 : vector<32x128xi32> to vector<32x128x1xi32>
    %gather3A_2500 = vector.shape_cast %reshape3A_2499 : vector<32x128x1xi32> to vector<32x128xi32>
    %gather3A_2501 = tpu.dynamic_gather %get3A_2053[%gather3A_2500] in [1] : vector<32x128xf32>, vector<32x128xi32> -> vector<32x128xf32>
    %lt3A_2502 = arith.constant 128 : i32
    %lt3A_2503 = vector.broadcast %lt3A_2502 : i32 to vector<32x128xi32>
    %lt3A_2504 = arith.cmpi slt, %broadcast_in_dim3A_2447, %lt3A_2503 : vector<32x128xi32>
    %lt3A_2505 = arith.constant 256 : i32
    %lt3A_2506 = vector.broadcast %lt3A_2505 : i32 to vector<32x128xi32>
    %lt3A_2507 = arith.cmpi slt, %broadcast_in_dim3A_2447, %lt3A_2506 : vector<32x128xi32>
    %select_n3A_2508 = arith.select %lt3A_2507, %gather3A_2482, %gather3A_2501 : vector<32x128xi1>, vector<32x128xf32>
    %select_n3A_2509 = arith.select %lt3A_2504, %gather3A_2463, %select_n3A_2508 : vector<32x128xi1>, vector<32x128xf32>
    %slice3A_2510 = vector.extract_strided_slice %min3A_2044 {offsets = [0, 640], sizes = [1, 128], strides = [1, 1]} : vector<1x2048xi32> to vector<1x128xi32>
    %broadcast_in_dim3A_2511 = vector.shape_cast %slice3A_2510 : vector<1x128xi32> to vector<1x128xi32>
    %broadcast_in_dim3A_2512 = vector.broadcast %broadcast_in_dim3A_2511 : vector<1x128xi32> to vector<32x128xi32>
    %lt3A_2513 = arith.constant 0 : i32
    %lt3A_2514 = vector.broadcast %lt3A_2513 : i32 to vector<32x128xi32>
    %lt3A_2515 = arith.cmpi slt, %broadcast_in_dim3A_2512, %lt3A_2514 : vector<32x128xi32>
    %add3A_2516 = arith.constant 128 : i32
    %add3A_2517 = vector.broadcast %add3A_2516 : i32 to vector<32x128xi32>
    %add3A_2518 = arith.addi %broadcast_in_dim3A_2512, %add3A_2517 : vector<32x128xi32>
    %select_n3A_2519 = arith.select %lt3A_2515, %add3A_2518, %broadcast_in_dim3A_2512 : vector<32x128xi1>, vector<32x128xi32>
    %reshape3A_2520 = vector.shape_cast %select_n3A_2519 : vector<32x128xi32> to vector<32x128x1xi32>
    %gather3A_2521 = vector.shape_cast %reshape3A_2520 : vector<32x128x1xi32> to vector<32x128xi32>
    %gather3A_2522 = tpu.dynamic_gather %get3A_2056[%gather3A_2521] in [1] : vector<32x128xf32>, vector<32x128xi32> -> vector<32x128xf32>
    %slice3A_2523 = vector.extract_strided_slice %min3A_2033 {offsets = [0, 768], sizes = [1, 128], strides = [1, 1]} : vector<1x2048xi32> to vector<1x128xi32>
    %broadcast_in_dim3A_2524 = vector.shape_cast %slice3A_2523 : vector<1x128xi32> to vector<1x128xi32>
    %broadcast_in_dim3A_2525 = vector.broadcast %broadcast_in_dim3A_2524 : vector<1x128xi32> to vector<32x128xi32>
    %jit3A_2526 = arith.constant 0 : i32
    %jit3A_2527 = arith.constant 127 : i32
    %max3A_2528 = vector.broadcast %jit3A_2526 : i32 to vector<32x128xi32>
    %max3A_2529 = arith.maxsi %max3A_2528, %broadcast_in_dim3A_2525 : vector<32x128xi32>
    %min3A_2530 = vector.broadcast %jit3A_2527 : i32 to vector<32x128xi32>
    %min3A_2531 = arith.minsi %min3A_2530, %max3A_2529 : vector<32x128xi32>
    %lt3A_2532 = arith.constant 0 : i32
    %lt3A_2533 = vector.broadcast %lt3A_2532 : i32 to vector<32x128xi32>
    %lt3A_2534 = arith.cmpi slt, %min3A_2531, %lt3A_2533 : vector<32x128xi32>
    %add3A_2535 = arith.constant 128 : i32
    %add3A_2536 = vector.broadcast %add3A_2535 : i32 to vector<32x128xi32>
    %add3A_2537 = arith.addi %min3A_2531, %add3A_2536 : vector<32x128xi32>
    %select_n3A_2538 = arith.select %lt3A_2534, %add3A_2537, %min3A_2531 : vector<32x128xi1>, vector<32x128xi32>
    %reshape3A_2539 = vector.shape_cast %select_n3A_2538 : vector<32x128xi32> to vector<32x128x1xi32>
    %gather3A_2540 = vector.shape_cast %reshape3A_2539 : vector<32x128x1xi32> to vector<32x128xi32>
    %gather3A_2541 = tpu.dynamic_gather %get3A_2047[%gather3A_2540] in [1] : vector<32x128xf32>, vector<32x128xi32> -> vector<32x128xf32>
    %sub3A_2542 = arith.constant 128 : i32
    %sub3A_2543 = vector.broadcast %sub3A_2542 : i32 to vector<32x128xi32>
    %sub3A_2544 = arith.subi %broadcast_in_dim3A_2525, %sub3A_2543 : vector<32x128xi32>
    %jit3A_2545 = arith.constant 0 : i32
    %jit3A_2546 = arith.constant 127 : i32
    %max3A_2547 = vector.broadcast %jit3A_2545 : i32 to vector<32x128xi32>
    %max3A_2548 = arith.maxsi %max3A_2547, %sub3A_2544 : vector<32x128xi32>
    %min3A_2549 = vector.broadcast %jit3A_2546 : i32 to vector<32x128xi32>
    %min3A_2550 = arith.minsi %min3A_2549, %max3A_2548 : vector<32x128xi32>
    %lt3A_2551 = arith.constant 0 : i32
    %lt3A_2552 = vector.broadcast %lt3A_2551 : i32 to vector<32x128xi32>
    %lt3A_2553 = arith.cmpi slt, %min3A_2550, %lt3A_2552 : vector<32x128xi32>
    %add3A_2554 = arith.constant 128 : i32
    %add3A_2555 = vector.broadcast %add3A_2554 : i32 to vector<32x128xi32>
    %add3A_2556 = arith.addi %min3A_2550, %add3A_2555 : vector<32x128xi32>
    %select_n3A_2557 = arith.select %lt3A_2553, %add3A_2556, %min3A_2550 : vector<32x128xi1>, vector<32x128xi32>
    %reshape3A_2558 = vector.shape_cast %select_n3A_2557 : vector<32x128xi32> to vector<32x128x1xi32>
    %gather3A_2559 = vector.shape_cast %reshape3A_2558 : vector<32x128x1xi32> to vector<32x128xi32>
    %gather3A_2560 = tpu.dynamic_gather %get3A_2050[%gather3A_2559] in [1] : vector<32x128xf32>, vector<32x128xi32> -> vector<32x128xf32>
    %sub3A_2561 = arith.constant 256 : i32
    %sub3A_2562 = vector.broadcast %sub3A_2561 : i32 to vector<32x128xi32>
    %sub3A_2563 = arith.subi %broadcast_in_dim3A_2525, %sub3A_2562 : vector<32x128xi32>
    %jit3A_2564 = arith.constant 0 : i32
    %jit3A_2565 = arith.constant 127 : i32
    %max3A_2566 = vector.broadcast %jit3A_2564 : i32 to vector<32x128xi32>
    %max3A_2567 = arith.maxsi %max3A_2566, %sub3A_2563 : vector<32x128xi32>
    %min3A_2568 = vector.broadcast %jit3A_2565 : i32 to vector<32x128xi32>
    %min3A_2569 = arith.minsi %min3A_2568, %max3A_2567 : vector<32x128xi32>
    %lt3A_2570 = arith.constant 0 : i32
    %lt3A_2571 = vector.broadcast %lt3A_2570 : i32 to vector<32x128xi32>
    %lt3A_2572 = arith.cmpi slt, %min3A_2569, %lt3A_2571 : vector<32x128xi32>
    %add3A_2573 = arith.constant 128 : i32
    %add3A_2574 = vector.broadcast %add3A_2573 : i32 to vector<32x128xi32>
    %add3A_2575 = arith.addi %min3A_2569, %add3A_2574 : vector<32x128xi32>
    %select_n3A_2576 = arith.select %lt3A_2572, %add3A_2575, %min3A_2569 : vector<32x128xi1>, vector<32x128xi32>
    %reshape3A_2577 = vector.shape_cast %select_n3A_2576 : vector<32x128xi32> to vector<32x128x1xi32>
    %gather3A_2578 = vector.shape_cast %reshape3A_2577 : vector<32x128x1xi32> to vector<32x128xi32>
    %gather3A_2579 = tpu.dynamic_gather %get3A_2053[%gather3A_2578] in [1] : vector<32x128xf32>, vector<32x128xi32> -> vector<32x128xf32>
    %lt3A_2580 = arith.constant 128 : i32
    %lt3A_2581 = vector.broadcast %lt3A_2580 : i32 to vector<32x128xi32>
    %lt3A_2582 = arith.cmpi slt, %broadcast_in_dim3A_2525, %lt3A_2581 : vector<32x128xi32>
    %lt3A_2583 = arith.constant 256 : i32
    %lt3A_2584 = vector.broadcast %lt3A_2583 : i32 to vector<32x128xi32>
    %lt3A_2585 = arith.cmpi slt, %broadcast_in_dim3A_2525, %lt3A_2584 : vector<32x128xi32>
    %select_n3A_2586 = arith.select %lt3A_2585, %gather3A_2560, %gather3A_2579 : vector<32x128xi1>, vector<32x128xf32>
    %select_n3A_2587 = arith.select %lt3A_2582, %gather3A_2541, %select_n3A_2586 : vector<32x128xi1>, vector<32x128xf32>
    %slice3A_2588 = vector.extract_strided_slice %min3A_2044 {offsets = [0, 768], sizes = [1, 128], strides = [1, 1]} : vector<1x2048xi32> to vector<1x128xi32>
    %broadcast_in_dim3A_2589 = vector.shape_cast %slice3A_2588 : vector<1x128xi32> to vector<1x128xi32>
    %broadcast_in_dim3A_2590 = vector.broadcast %broadcast_in_dim3A_2589 : vector<1x128xi32> to vector<32x128xi32>
    %lt3A_2591 = arith.constant 0 : i32
    %lt3A_2592 = vector.broadcast %lt3A_2591 : i32 to vector<32x128xi32>
    %lt3A_2593 = arith.cmpi slt, %broadcast_in_dim3A_2590, %lt3A_2592 : vector<32x128xi32>
    %add3A_2594 = arith.constant 128 : i32
    %add3A_2595 = vector.broadcast %add3A_2594 : i32 to vector<32x128xi32>
    %add3A_2596 = arith.addi %broadcast_in_dim3A_2590, %add3A_2595 : vector<32x128xi32>
    %select_n3A_2597 = arith.select %lt3A_2593, %add3A_2596, %broadcast_in_dim3A_2590 : vector<32x128xi1>, vector<32x128xi32>
    %reshape3A_2598 = vector.shape_cast %select_n3A_2597 : vector<32x128xi32> to vector<32x128x1xi32>
    %gather3A_2599 = vector.shape_cast %reshape3A_2598 : vector<32x128x1xi32> to vector<32x128xi32>
    %gather3A_2600 = tpu.dynamic_gather %get3A_2056[%gather3A_2599] in [1] : vector<32x128xf32>, vector<32x128xi32> -> vector<32x128xf32>
    %slice3A_2601 = vector.extract_strided_slice %min3A_2033 {offsets = [0, 896], sizes = [1, 128], strides = [1, 1]} : vector<1x2048xi32> to vector<1x128xi32>
    %broadcast_in_dim3A_2602 = vector.shape_cast %slice3A_2601 : vector<1x128xi32> to vector<1x128xi32>
    %broadcast_in_dim3A_2603 = vector.broadcast %broadcast_in_dim3A_2602 : vector<1x128xi32> to vector<32x128xi32>
    %jit3A_2604 = arith.constant 0 : i32
    %jit3A_2605 = arith.constant 127 : i32
    %max3A_2606 = vector.broadcast %jit3A_2604 : i32 to vector<32x128xi32>
    %max3A_2607 = arith.maxsi %max3A_2606, %broadcast_in_dim3A_2603 : vector<32x128xi32>
    %min3A_2608 = vector.broadcast %jit3A_2605 : i32 to vector<32x128xi32>
    %min3A_2609 = arith.minsi %min3A_2608, %max3A_2607 : vector<32x128xi32>
    %lt3A_2610 = arith.constant 0 : i32
    %lt3A_2611 = vector.broadcast %lt3A_2610 : i32 to vector<32x128xi32>
    %lt3A_2612 = arith.cmpi slt, %min3A_2609, %lt3A_2611 : vector<32x128xi32>
    %add3A_2613 = arith.constant 128 : i32
    %add3A_2614 = vector.broadcast %add3A_2613 : i32 to vector<32x128xi32>
    %add3A_2615 = arith.addi %min3A_2609, %add3A_2614 : vector<32x128xi32>
    %select_n3A_2616 = arith.select %lt3A_2612, %add3A_2615, %min3A_2609 : vector<32x128xi1>, vector<32x128xi32>
    %reshape3A_2617 = vector.shape_cast %select_n3A_2616 : vector<32x128xi32> to vector<32x128x1xi32>
    %gather3A_2618 = vector.shape_cast %reshape3A_2617 : vector<32x128x1xi32> to vector<32x128xi32>
    %gather3A_2619 = tpu.dynamic_gather %get3A_2047[%gather3A_2618] in [1] : vector<32x128xf32>, vector<32x128xi32> -> vector<32x128xf32>
    %sub3A_2620 = arith.constant 128 : i32
    %sub3A_2621 = vector.broadcast %sub3A_2620 : i32 to vector<32x128xi32>
    %sub3A_2622 = arith.subi %broadcast_in_dim3A_2603, %sub3A_2621 : vector<32x128xi32>
    %jit3A_2623 = arith.constant 0 : i32
    %jit3A_2624 = arith.constant 127 : i32
    %max3A_2625 = vector.broadcast %jit3A_2623 : i32 to vector<32x128xi32>
    %max3A_2626 = arith.maxsi %max3A_2625, %sub3A_2622 : vector<32x128xi32>
    %min3A_2627 = vector.broadcast %jit3A_2624 : i32 to vector<32x128xi32>
    %min3A_2628 = arith.minsi %min3A_2627, %max3A_2626 : vector<32x128xi32>
    %lt3A_2629 = arith.constant 0 : i32
    %lt3A_2630 = vector.broadcast %lt3A_2629 : i32 to vector<32x128xi32>
    %lt3A_2631 = arith.cmpi slt, %min3A_2628, %lt3A_2630 : vector<32x128xi32>
    %add3A_2632 = arith.constant 128 : i32
    %add3A_2633 = vector.broadcast %add3A_2632 : i32 to vector<32x128xi32>
    %add3A_2634 = arith.addi %min3A_2628, %add3A_2633 : vector<32x128xi32>
    %select_n3A_2635 = arith.select %lt3A_2631, %add3A_2634, %min3A_2628 : vector<32x128xi1>, vector<32x128xi32>
    %reshape3A_2636 = vector.shape_cast %select_n3A_2635 : vector<32x128xi32> to vector<32x128x1xi32>
    %gather3A_2637 = vector.shape_cast %reshape3A_2636 : vector<32x128x1xi32> to vector<32x128xi32>
    %gather3A_2638 = tpu.dynamic_gather %get3A_2050[%gather3A_2637] in [1] : vector<32x128xf32>, vector<32x128xi32> -> vector<32x128xf32>
    %sub3A_2639 = arith.constant 256 : i32
    %sub3A_2640 = vector.broadcast %sub3A_2639 : i32 to vector<32x128xi32>
    %sub3A_2641 = arith.subi %broadcast_in_dim3A_2603, %sub3A_2640 : vector<32x128xi32>
    %jit3A_2642 = arith.constant 0 : i32
    %jit3A_2643 = arith.constant 127 : i32
    %max3A_2644 = vector.broadcast %jit3A_2642 : i32 to vector<32x128xi32>
    %max3A_2645 = arith.maxsi %max3A_2644, %sub3A_2641 : vector<32x128xi32>
    %min3A_2646 = vector.broadcast %jit3A_2643 : i32 to vector<32x128xi32>
    %min3A_2647 = arith.minsi %min3A_2646, %max3A_2645 : vector<32x128xi32>
    %lt3A_2648 = arith.constant 0 : i32
    %lt3A_2649 = vector.broadcast %lt3A_2648 : i32 to vector<32x128xi32>
    %lt3A_2650 = arith.cmpi slt, %min3A_2647, %lt3A_2649 : vector<32x128xi32>
    %add3A_2651 = arith.constant 128 : i32
    %add3A_2652 = vector.broadcast %add3A_2651 : i32 to vector<32x128xi32>
    %add3A_2653 = arith.addi %min3A_2647, %add3A_2652 : vector<32x128xi32>
    %select_n3A_2654 = arith.select %lt3A_2650, %add3A_2653, %min3A_2647 : vector<32x128xi1>, vector<32x128xi32>
    %reshape3A_2655 = vector.shape_cast %select_n3A_2654 : vector<32x128xi32> to vector<32x128x1xi32>
    %gather3A_2656 = vector.shape_cast %reshape3A_2655 : vector<32x128x1xi32> to vector<32x128xi32>
    %gather3A_2657 = tpu.dynamic_gather %get3A_2053[%gather3A_2656] in [1] : vector<32x128xf32>, vector<32x128xi32> -> vector<32x128xf32>
    %lt3A_2658 = arith.constant 128 : i32
    %lt3A_2659 = vector.broadcast %lt3A_2658 : i32 to vector<32x128xi32>
    %lt3A_2660 = arith.cmpi slt, %broadcast_in_dim3A_2603, %lt3A_2659 : vector<32x128xi32>
    %lt3A_2661 = arith.constant 256 : i32
    %lt3A_2662 = vector.broadcast %lt3A_2661 : i32 to vector<32x128xi32>
    %lt3A_2663 = arith.cmpi slt, %broadcast_in_dim3A_2603, %lt3A_2662 : vector<32x128xi32>
    %select_n3A_2664 = arith.select %lt3A_2663, %gather3A_2638, %gather3A_2657 : vector<32x128xi1>, vector<32x128xf32>
    %select_n3A_2665 = arith.select %lt3A_2660, %gather3A_2619, %select_n3A_2664 : vector<32x128xi1>, vector<32x128xf32>
    %slice3A_2666 = vector.extract_strided_slice %min3A_2044 {offsets = [0, 896], sizes = [1, 128], strides = [1, 1]} : vector<1x2048xi32> to vector<1x128xi32>
    %broadcast_in_dim3A_2667 = vector.shape_cast %slice3A_2666 : vector<1x128xi32> to vector<1x128xi32>
    %broadcast_in_dim3A_2668 = vector.broadcast %broadcast_in_dim3A_2667 : vector<1x128xi32> to vector<32x128xi32>
    %lt3A_2669 = arith.constant 0 : i32
    %lt3A_2670 = vector.broadcast %lt3A_2669 : i32 to vector<32x128xi32>
    %lt3A_2671 = arith.cmpi slt, %broadcast_in_dim3A_2668, %lt3A_2670 : vector<32x128xi32>
    %add3A_2672 = arith.constant 128 : i32
    %add3A_2673 = vector.broadcast %add3A_2672 : i32 to vector<32x128xi32>
    %add3A_2674 = arith.addi %broadcast_in_dim3A_2668, %add3A_2673 : vector<32x128xi32>
    %select_n3A_2675 = arith.select %lt3A_2671, %add3A_2674, %broadcast_in_dim3A_2668 : vector<32x128xi1>, vector<32x128xi32>
    %reshape3A_2676 = vector.shape_cast %select_n3A_2675 : vector<32x128xi32> to vector<32x128x1xi32>
    %gather3A_2677 = vector.shape_cast %reshape3A_2676 : vector<32x128x1xi32> to vector<32x128xi32>
    %gather3A_2678 = tpu.dynamic_gather %get3A_2056[%gather3A_2677] in [1] : vector<32x128xf32>, vector<32x128xi32> -> vector<32x128xf32>
    %slice3A_2679 = vector.extract_strided_slice %min3A_2033 {offsets = [0, 1024], sizes = [1, 128], strides = [1, 1]} : vector<1x2048xi32> to vector<1x128xi32>
    %broadcast_in_dim3A_2680 = vector.shape_cast %slice3A_2679 : vector<1x128xi32> to vector<1x128xi32>
    %broadcast_in_dim3A_2681 = vector.broadcast %broadcast_in_dim3A_2680 : vector<1x128xi32> to vector<32x128xi32>
    %jit3A_2682 = arith.constant 0 : i32
    %jit3A_2683 = arith.constant 127 : i32
    %max3A_2684 = vector.broadcast %jit3A_2682 : i32 to vector<32x128xi32>
    %max3A_2685 = arith.maxsi %max3A_2684, %broadcast_in_dim3A_2681 : vector<32x128xi32>
    %min3A_2686 = vector.broadcast %jit3A_2683 : i32 to vector<32x128xi32>
    %min3A_2687 = arith.minsi %min3A_2686, %max3A_2685 : vector<32x128xi32>
    %lt3A_2688 = arith.constant 0 : i32
    %lt3A_2689 = vector.broadcast %lt3A_2688 : i32 to vector<32x128xi32>
    %lt3A_2690 = arith.cmpi slt, %min3A_2687, %lt3A_2689 : vector<32x128xi32>
    %add3A_2691 = arith.constant 128 : i32
    %add3A_2692 = vector.broadcast %add3A_2691 : i32 to vector<32x128xi32>
    %add3A_2693 = arith.addi %min3A_2687, %add3A_2692 : vector<32x128xi32>
    %select_n3A_2694 = arith.select %lt3A_2690, %add3A_2693, %min3A_2687 : vector<32x128xi1>, vector<32x128xi32>
    %reshape3A_2695 = vector.shape_cast %select_n3A_2694 : vector<32x128xi32> to vector<32x128x1xi32>
    %gather3A_2696 = vector.shape_cast %reshape3A_2695 : vector<32x128x1xi32> to vector<32x128xi32>
    %gather3A_2697 = tpu.dynamic_gather %get3A_2047[%gather3A_2696] in [1] : vector<32x128xf32>, vector<32x128xi32> -> vector<32x128xf32>
    %sub3A_2698 = arith.constant 128 : i32
    %sub3A_2699 = vector.broadcast %sub3A_2698 : i32 to vector<32x128xi32>
    %sub3A_2700 = arith.subi %broadcast_in_dim3A_2681, %sub3A_2699 : vector<32x128xi32>
    %jit3A_2701 = arith.constant 0 : i32
    %jit3A_2702 = arith.constant 127 : i32
    %max3A_2703 = vector.broadcast %jit3A_2701 : i32 to vector<32x128xi32>
    %max3A_2704 = arith.maxsi %max3A_2703, %sub3A_2700 : vector<32x128xi32>
    %min3A_2705 = vector.broadcast %jit3A_2702 : i32 to vector<32x128xi32>
    %min3A_2706 = arith.minsi %min3A_2705, %max3A_2704 : vector<32x128xi32>
    %lt3A_2707 = arith.constant 0 : i32
    %lt3A_2708 = vector.broadcast %lt3A_2707 : i32 to vector<32x128xi32>
    %lt3A_2709 = arith.cmpi slt, %min3A_2706, %lt3A_2708 : vector<32x128xi32>
    %add3A_2710 = arith.constant 128 : i32
    %add3A_2711 = vector.broadcast %add3A_2710 : i32 to vector<32x128xi32>
    %add3A_2712 = arith.addi %min3A_2706, %add3A_2711 : vector<32x128xi32>
    %select_n3A_2713 = arith.select %lt3A_2709, %add3A_2712, %min3A_2706 : vector<32x128xi1>, vector<32x128xi32>
    %reshape3A_2714 = vector.shape_cast %select_n3A_2713 : vector<32x128xi32> to vector<32x128x1xi32>
    %gather3A_2715 = vector.shape_cast %reshape3A_2714 : vector<32x128x1xi32> to vector<32x128xi32>
    %gather3A_2716 = tpu.dynamic_gather %get3A_2050[%gather3A_2715] in [1] : vector<32x128xf32>, vector<32x128xi32> -> vector<32x128xf32>
    %sub3A_2717 = arith.constant 256 : i32
    %sub3A_2718 = vector.broadcast %sub3A_2717 : i32 to vector<32x128xi32>
    %sub3A_2719 = arith.subi %broadcast_in_dim3A_2681, %sub3A_2718 : vector<32x128xi32>
    %jit3A_2720 = arith.constant 0 : i32
    %jit3A_2721 = arith.constant 127 : i32
    %max3A_2722 = vector.broadcast %jit3A_2720 : i32 to vector<32x128xi32>
    %max3A_2723 = arith.maxsi %max3A_2722, %sub3A_2719 : vector<32x128xi32>
    %min3A_2724 = vector.broadcast %jit3A_2721 : i32 to vector<32x128xi32>
    %min3A_2725 = arith.minsi %min3A_2724, %max3A_2723 : vector<32x128xi32>
    %lt3A_2726 = arith.constant 0 : i32
    %lt3A_2727 = vector.broadcast %lt3A_2726 : i32 to vector<32x128xi32>
    %lt3A_2728 = arith.cmpi slt, %min3A_2725, %lt3A_2727 : vector<32x128xi32>
    %add3A_2729 = arith.constant 128 : i32
    %add3A_2730 = vector.broadcast %add3A_2729 : i32 to vector<32x128xi32>
    %add3A_2731 = arith.addi %min3A_2725, %add3A_2730 : vector<32x128xi32>
    %select_n3A_2732 = arith.select %lt3A_2728, %add3A_2731, %min3A_2725 : vector<32x128xi1>, vector<32x128xi32>
    %reshape3A_2733 = vector.shape_cast %select_n3A_2732 : vector<32x128xi32> to vector<32x128x1xi32>
    %gather3A_2734 = vector.shape_cast %reshape3A_2733 : vector<32x128x1xi32> to vector<32x128xi32>
    %gather3A_2735 = tpu.dynamic_gather %get3A_2053[%gather3A_2734] in [1] : vector<32x128xf32>, vector<32x128xi32> -> vector<32x128xf32>
    %lt3A_2736 = arith.constant 128 : i32
    %lt3A_2737 = vector.broadcast %lt3A_2736 : i32 to vector<32x128xi32>
    %lt3A_2738 = arith.cmpi slt, %broadcast_in_dim3A_2681, %lt3A_2737 : vector<32x128xi32>
    %lt3A_2739 = arith.constant 256 : i32
    %lt3A_2740 = vector.broadcast %lt3A_2739 : i32 to vector<32x128xi32>
    %lt3A_2741 = arith.cmpi slt, %broadcast_in_dim3A_2681, %lt3A_2740 : vector<32x128xi32>
    %select_n3A_2742 = arith.select %lt3A_2741, %gather3A_2716, %gather3A_2735 : vector<32x128xi1>, vector<32x128xf32>
    %select_n3A_2743 = arith.select %lt3A_2738, %gather3A_2697, %select_n3A_2742 : vector<32x128xi1>, vector<32x128xf32>
    %slice3A_2744 = vector.extract_strided_slice %min3A_2044 {offsets = [0, 1024], sizes = [1, 128], strides = [1, 1]} : vector<1x2048xi32> to vector<1x128xi32>
    %broadcast_in_dim3A_2745 = vector.shape_cast %slice3A_2744 : vector<1x128xi32> to vector<1x128xi32>
    %broadcast_in_dim3A_2746 = vector.broadcast %broadcast_in_dim3A_2745 : vector<1x128xi32> to vector<32x128xi32>
    %lt3A_2747 = arith.constant 0 : i32
    %lt3A_2748 = vector.broadcast %lt3A_2747 : i32 to vector<32x128xi32>
    %lt3A_2749 = arith.cmpi slt, %broadcast_in_dim3A_2746, %lt3A_2748 : vector<32x128xi32>
    %add3A_2750 = arith.constant 128 : i32
    %add3A_2751 = vector.broadcast %add3A_2750 : i32 to vector<32x128xi32>
    %add3A_2752 = arith.addi %broadcast_in_dim3A_2746, %add3A_2751 : vector<32x128xi32>
    %select_n3A_2753 = arith.select %lt3A_2749, %add3A_2752, %broadcast_in_dim3A_2746 : vector<32x128xi1>, vector<32x128xi32>
    %reshape3A_2754 = vector.shape_cast %select_n3A_2753 : vector<32x128xi32> to vector<32x128x1xi32>
    %gather3A_2755 = vector.shape_cast %reshape3A_2754 : vector<32x128x1xi32> to vector<32x128xi32>
    %gather3A_2756 = tpu.dynamic_gather %get3A_2056[%gather3A_2755] in [1] : vector<32x128xf32>, vector<32x128xi32> -> vector<32x128xf32>
    %slice3A_2757 = vector.extract_strided_slice %min3A_2033 {offsets = [0, 1152], sizes = [1, 128], strides = [1, 1]} : vector<1x2048xi32> to vector<1x128xi32>
    %broadcast_in_dim3A_2758 = vector.shape_cast %slice3A_2757 : vector<1x128xi32> to vector<1x128xi32>
    %broadcast_in_dim3A_2759 = vector.broadcast %broadcast_in_dim3A_2758 : vector<1x128xi32> to vector<32x128xi32>
    %jit3A_2760 = arith.constant 0 : i32
    %jit3A_2761 = arith.constant 127 : i32
    %max3A_2762 = vector.broadcast %jit3A_2760 : i32 to vector<32x128xi32>
    %max3A_2763 = arith.maxsi %max3A_2762, %broadcast_in_dim3A_2759 : vector<32x128xi32>
    %min3A_2764 = vector.broadcast %jit3A_2761 : i32 to vector<32x128xi32>
    %min3A_2765 = arith.minsi %min3A_2764, %max3A_2763 : vector<32x128xi32>
    %lt3A_2766 = arith.constant 0 : i32
    %lt3A_2767 = vector.broadcast %lt3A_2766 : i32 to vector<32x128xi32>
    %lt3A_2768 = arith.cmpi slt, %min3A_2765, %lt3A_2767 : vector<32x128xi32>
    %add3A_2769 = arith.constant 128 : i32
    %add3A_2770 = vector.broadcast %add3A_2769 : i32 to vector<32x128xi32>
    %add3A_2771 = arith.addi %min3A_2765, %add3A_2770 : vector<32x128xi32>
    %select_n3A_2772 = arith.select %lt3A_2768, %add3A_2771, %min3A_2765 : vector<32x128xi1>, vector<32x128xi32>
    %reshape3A_2773 = vector.shape_cast %select_n3A_2772 : vector<32x128xi32> to vector<32x128x1xi32>
    %gather3A_2774 = vector.shape_cast %reshape3A_2773 : vector<32x128x1xi32> to vector<32x128xi32>
    %gather3A_2775 = tpu.dynamic_gather %get3A_2047[%gather3A_2774] in [1] : vector<32x128xf32>, vector<32x128xi32> -> vector<32x128xf32>
    %sub3A_2776 = arith.constant 128 : i32
    %sub3A_2777 = vector.broadcast %sub3A_2776 : i32 to vector<32x128xi32>
    %sub3A_2778 = arith.subi %broadcast_in_dim3A_2759, %sub3A_2777 : vector<32x128xi32>
    %jit3A_2779 = arith.constant 0 : i32
    %jit3A_2780 = arith.constant 127 : i32
    %max3A_2781 = vector.broadcast %jit3A_2779 : i32 to vector<32x128xi32>
    %max3A_2782 = arith.maxsi %max3A_2781, %sub3A_2778 : vector<32x128xi32>
    %min3A_2783 = vector.broadcast %jit3A_2780 : i32 to vector<32x128xi32>
    %min3A_2784 = arith.minsi %min3A_2783, %max3A_2782 : vector<32x128xi32>
    %lt3A_2785 = arith.constant 0 : i32
    %lt3A_2786 = vector.broadcast %lt3A_2785 : i32 to vector<32x128xi32>
    %lt3A_2787 = arith.cmpi slt, %min3A_2784, %lt3A_2786 : vector<32x128xi32>
    %add3A_2788 = arith.constant 128 : i32
    %add3A_2789 = vector.broadcast %add3A_2788 : i32 to vector<32x128xi32>
    %add3A_2790 = arith.addi %min3A_2784, %add3A_2789 : vector<32x128xi32>
    %select_n3A_2791 = arith.select %lt3A_2787, %add3A_2790, %min3A_2784 : vector<32x128xi1>, vector<32x128xi32>
    %reshape3A_2792 = vector.shape_cast %select_n3A_2791 : vector<32x128xi32> to vector<32x128x1xi32>
    %gather3A_2793 = vector.shape_cast %reshape3A_2792 : vector<32x128x1xi32> to vector<32x128xi32>
    %gather3A_2794 = tpu.dynamic_gather %get3A_2050[%gather3A_2793] in [1] : vector<32x128xf32>, vector<32x128xi32> -> vector<32x128xf32>
    %sub3A_2795 = arith.constant 256 : i32
    %sub3A_2796 = vector.broadcast %sub3A_2795 : i32 to vector<32x128xi32>
    %sub3A_2797 = arith.subi %broadcast_in_dim3A_2759, %sub3A_2796 : vector<32x128xi32>
    %jit3A_2798 = arith.constant 0 : i32
    %jit3A_2799 = arith.constant 127 : i32
    %max3A_2800 = vector.broadcast %jit3A_2798 : i32 to vector<32x128xi32>
    %max3A_2801 = arith.maxsi %max3A_2800, %sub3A_2797 : vector<32x128xi32>
    %min3A_2802 = vector.broadcast %jit3A_2799 : i32 to vector<32x128xi32>
    %min3A_2803 = arith.minsi %min3A_2802, %max3A_2801 : vector<32x128xi32>
    %lt3A_2804 = arith.constant 0 : i32
    %lt3A_2805 = vector.broadcast %lt3A_2804 : i32 to vector<32x128xi32>
    %lt3A_2806 = arith.cmpi slt, %min3A_2803, %lt3A_2805 : vector<32x128xi32>
    %add3A_2807 = arith.constant 128 : i32
    %add3A_2808 = vector.broadcast %add3A_2807 : i32 to vector<32x128xi32>
    %add3A_2809 = arith.addi %min3A_2803, %add3A_2808 : vector<32x128xi32>
    %select_n3A_2810 = arith.select %lt3A_2806, %add3A_2809, %min3A_2803 : vector<32x128xi1>, vector<32x128xi32>
    %reshape3A_2811 = vector.shape_cast %select_n3A_2810 : vector<32x128xi32> to vector<32x128x1xi32>
    %gather3A_2812 = vector.shape_cast %reshape3A_2811 : vector<32x128x1xi32> to vector<32x128xi32>
    %gather3A_2813 = tpu.dynamic_gather %get3A_2053[%gather3A_2812] in [1] : vector<32x128xf32>, vector<32x128xi32> -> vector<32x128xf32>
    %lt3A_2814 = arith.constant 128 : i32
    %lt3A_2815 = vector.broadcast %lt3A_2814 : i32 to vector<32x128xi32>
    %lt3A_2816 = arith.cmpi slt, %broadcast_in_dim3A_2759, %lt3A_2815 : vector<32x128xi32>
    %lt3A_2817 = arith.constant 256 : i32
    %lt3A_2818 = vector.broadcast %lt3A_2817 : i32 to vector<32x128xi32>
    %lt3A_2819 = arith.cmpi slt, %broadcast_in_dim3A_2759, %lt3A_2818 : vector<32x128xi32>
    %select_n3A_2820 = arith.select %lt3A_2819, %gather3A_2794, %gather3A_2813 : vector<32x128xi1>, vector<32x128xf32>
    %select_n3A_2821 = arith.select %lt3A_2816, %gather3A_2775, %select_n3A_2820 : vector<32x128xi1>, vector<32x128xf32>
    %slice3A_2822 = vector.extract_strided_slice %min3A_2044 {offsets = [0, 1152], sizes = [1, 128], strides = [1, 1]} : vector<1x2048xi32> to vector<1x128xi32>
    %broadcast_in_dim3A_2823 = vector.shape_cast %slice3A_2822 : vector<1x128xi32> to vector<1x128xi32>
    %broadcast_in_dim3A_2824 = vector.broadcast %broadcast_in_dim3A_2823 : vector<1x128xi32> to vector<32x128xi32>
    %lt3A_2825 = arith.constant 0 : i32
    %lt3A_2826 = vector.broadcast %lt3A_2825 : i32 to vector<32x128xi32>
    %lt3A_2827 = arith.cmpi slt, %broadcast_in_dim3A_2824, %lt3A_2826 : vector<32x128xi32>
    %add3A_2828 = arith.constant 128 : i32
    %add3A_2829 = vector.broadcast %add3A_2828 : i32 to vector<32x128xi32>
    %add3A_2830 = arith.addi %broadcast_in_dim3A_2824, %add3A_2829 : vector<32x128xi32>
    %select_n3A_2831 = arith.select %lt3A_2827, %add3A_2830, %broadcast_in_dim3A_2824 : vector<32x128xi1>, vector<32x128xi32>
    %reshape3A_2832 = vector.shape_cast %select_n3A_2831 : vector<32x128xi32> to vector<32x128x1xi32>
    %gather3A_2833 = vector.shape_cast %reshape3A_2832 : vector<32x128x1xi32> to vector<32x128xi32>
    %gather3A_2834 = tpu.dynamic_gather %get3A_2056[%gather3A_2833] in [1] : vector<32x128xf32>, vector<32x128xi32> -> vector<32x128xf32>
    %slice3A_2835 = vector.extract_strided_slice %min3A_2033 {offsets = [0, 1280], sizes = [1, 128], strides = [1, 1]} : vector<1x2048xi32> to vector<1x128xi32>
    %broadcast_in_dim3A_2836 = vector.shape_cast %slice3A_2835 : vector<1x128xi32> to vector<1x128xi32>
    %broadcast_in_dim3A_2837 = vector.broadcast %broadcast_in_dim3A_2836 : vector<1x128xi32> to vector<32x128xi32>
    %jit3A_2838 = arith.constant 0 : i32
    %jit3A_2839 = arith.constant 127 : i32
    %max3A_2840 = vector.broadcast %jit3A_2838 : i32 to vector<32x128xi32>
    %max3A_2841 = arith.maxsi %max3A_2840, %broadcast_in_dim3A_2837 : vector<32x128xi32>
    %min3A_2842 = vector.broadcast %jit3A_2839 : i32 to vector<32x128xi32>
    %min3A_2843 = arith.minsi %min3A_2842, %max3A_2841 : vector<32x128xi32>
    %lt3A_2844 = arith.constant 0 : i32
    %lt3A_2845 = vector.broadcast %lt3A_2844 : i32 to vector<32x128xi32>
    %lt3A_2846 = arith.cmpi slt, %min3A_2843, %lt3A_2845 : vector<32x128xi32>
    %add3A_2847 = arith.constant 128 : i32
    %add3A_2848 = vector.broadcast %add3A_2847 : i32 to vector<32x128xi32>
    %add3A_2849 = arith.addi %min3A_2843, %add3A_2848 : vector<32x128xi32>
    %select_n3A_2850 = arith.select %lt3A_2846, %add3A_2849, %min3A_2843 : vector<32x128xi1>, vector<32x128xi32>
    %reshape3A_2851 = vector.shape_cast %select_n3A_2850 : vector<32x128xi32> to vector<32x128x1xi32>
    %gather3A_2852 = vector.shape_cast %reshape3A_2851 : vector<32x128x1xi32> to vector<32x128xi32>
    %gather3A_2853 = tpu.dynamic_gather %get3A_2047[%gather3A_2852] in [1] : vector<32x128xf32>, vector<32x128xi32> -> vector<32x128xf32>
    %sub3A_2854 = arith.constant 128 : i32
    %sub3A_2855 = vector.broadcast %sub3A_2854 : i32 to vector<32x128xi32>
    %sub3A_2856 = arith.subi %broadcast_in_dim3A_2837, %sub3A_2855 : vector<32x128xi32>
    %jit3A_2857 = arith.constant 0 : i32
    %jit3A_2858 = arith.constant 127 : i32
    %max3A_2859 = vector.broadcast %jit3A_2857 : i32 to vector<32x128xi32>
    %max3A_2860 = arith.maxsi %max3A_2859, %sub3A_2856 : vector<32x128xi32>
    %min3A_2861 = vector.broadcast %jit3A_2858 : i32 to vector<32x128xi32>
    %min3A_2862 = arith.minsi %min3A_2861, %max3A_2860 : vector<32x128xi32>
    %lt3A_2863 = arith.constant 0 : i32
    %lt3A_2864 = vector.broadcast %lt3A_2863 : i32 to vector<32x128xi32>
    %lt3A_2865 = arith.cmpi slt, %min3A_2862, %lt3A_2864 : vector<32x128xi32>
    %add3A_2866 = arith.constant 128 : i32
    %add3A_2867 = vector.broadcast %add3A_2866 : i32 to vector<32x128xi32>
    %add3A_2868 = arith.addi %min3A_2862, %add3A_2867 : vector<32x128xi32>
    %select_n3A_2869 = arith.select %lt3A_2865, %add3A_2868, %min3A_2862 : vector<32x128xi1>, vector<32x128xi32>
    %reshape3A_2870 = vector.shape_cast %select_n3A_2869 : vector<32x128xi32> to vector<32x128x1xi32>
    %gather3A_2871 = vector.shape_cast %reshape3A_2870 : vector<32x128x1xi32> to vector<32x128xi32>
    %gather3A_2872 = tpu.dynamic_gather %get3A_2050[%gather3A_2871] in [1] : vector<32x128xf32>, vector<32x128xi32> -> vector<32x128xf32>
    %sub3A_2873 = arith.constant 256 : i32
    %sub3A_2874 = vector.broadcast %sub3A_2873 : i32 to vector<32x128xi32>
    %sub3A_2875 = arith.subi %broadcast_in_dim3A_2837, %sub3A_2874 : vector<32x128xi32>
    %jit3A_2876 = arith.constant 0 : i32
    %jit3A_2877 = arith.constant 127 : i32
    %max3A_2878 = vector.broadcast %jit3A_2876 : i32 to vector<32x128xi32>
    %max3A_2879 = arith.maxsi %max3A_2878, %sub3A_2875 : vector<32x128xi32>
    %min3A_2880 = vector.broadcast %jit3A_2877 : i32 to vector<32x128xi32>
    %min3A_2881 = arith.minsi %min3A_2880, %max3A_2879 : vector<32x128xi32>
    %lt3A_2882 = arith.constant 0 : i32
    %lt3A_2883 = vector.broadcast %lt3A_2882 : i32 to vector<32x128xi32>
    %lt3A_2884 = arith.cmpi slt, %min3A_2881, %lt3A_2883 : vector<32x128xi32>
    %add3A_2885 = arith.constant 128 : i32
    %add3A_2886 = vector.broadcast %add3A_2885 : i32 to vector<32x128xi32>
    %add3A_2887 = arith.addi %min3A_2881, %add3A_2886 : vector<32x128xi32>
    %select_n3A_2888 = arith.select %lt3A_2884, %add3A_2887, %min3A_2881 : vector<32x128xi1>, vector<32x128xi32>
    %reshape3A_2889 = vector.shape_cast %select_n3A_2888 : vector<32x128xi32> to vector<32x128x1xi32>
    %gather3A_2890 = vector.shape_cast %reshape3A_2889 : vector<32x128x1xi32> to vector<32x128xi32>
    %gather3A_2891 = tpu.dynamic_gather %get3A_2053[%gather3A_2890] in [1] : vector<32x128xf32>, vector<32x128xi32> -> vector<32x128xf32>
    %lt3A_2892 = arith.constant 128 : i32
    %lt3A_2893 = vector.broadcast %lt3A_2892 : i32 to vector<32x128xi32>
    %lt3A_2894 = arith.cmpi slt, %broadcast_in_dim3A_2837, %lt3A_2893 : vector<32x128xi32>
    %lt3A_2895 = arith.constant 256 : i32
    %lt3A_2896 = vector.broadcast %lt3A_2895 : i32 to vector<32x128xi32>
    %lt3A_2897 = arith.cmpi slt, %broadcast_in_dim3A_2837, %lt3A_2896 : vector<32x128xi32>
    %select_n3A_2898 = arith.select %lt3A_2897, %gather3A_2872, %gather3A_2891 : vector<32x128xi1>, vector<32x128xf32>
    %select_n3A_2899 = arith.select %lt3A_2894, %gather3A_2853, %select_n3A_2898 : vector<32x128xi1>, vector<32x128xf32>
    %slice3A_2900 = vector.extract_strided_slice %min3A_2044 {offsets = [0, 1280], sizes = [1, 128], strides = [1, 1]} : vector<1x2048xi32> to vector<1x128xi32>
    %broadcast_in_dim3A_2901 = vector.shape_cast %slice3A_2900 : vector<1x128xi32> to vector<1x128xi32>
    %broadcast_in_dim3A_2902 = vector.broadcast %broadcast_in_dim3A_2901 : vector<1x128xi32> to vector<32x128xi32>
    %lt3A_2903 = arith.constant 0 : i32
    %lt3A_2904 = vector.broadcast %lt3A_2903 : i32 to vector<32x128xi32>
    %lt3A_2905 = arith.cmpi slt, %broadcast_in_dim3A_2902, %lt3A_2904 : vector<32x128xi32>
    %add3A_2906 = arith.constant 128 : i32
    %add3A_2907 = vector.broadcast %add3A_2906 : i32 to vector<32x128xi32>
    %add3A_2908 = arith.addi %broadcast_in_dim3A_2902, %add3A_2907 : vector<32x128xi32>
    %select_n3A_2909 = arith.select %lt3A_2905, %add3A_2908, %broadcast_in_dim3A_2902 : vector<32x128xi1>, vector<32x128xi32>
    %reshape3A_2910 = vector.shape_cast %select_n3A_2909 : vector<32x128xi32> to vector<32x128x1xi32>
    %gather3A_2911 = vector.shape_cast %reshape3A_2910 : vector<32x128x1xi32> to vector<32x128xi32>
    %gather3A_2912 = tpu.dynamic_gather %get3A_2056[%gather3A_2911] in [1] : vector<32x128xf32>, vector<32x128xi32> -> vector<32x128xf32>
    %slice3A_2913 = vector.extract_strided_slice %min3A_2033 {offsets = [0, 1408], sizes = [1, 128], strides = [1, 1]} : vector<1x2048xi32> to vector<1x128xi32>
    %broadcast_in_dim3A_2914 = vector.shape_cast %slice3A_2913 : vector<1x128xi32> to vector<1x128xi32>
    %broadcast_in_dim3A_2915 = vector.broadcast %broadcast_in_dim3A_2914 : vector<1x128xi32> to vector<32x128xi32>
    %jit3A_2916 = arith.constant 0 : i32
    %jit3A_2917 = arith.constant 127 : i32
    %max3A_2918 = vector.broadcast %jit3A_2916 : i32 to vector<32x128xi32>
    %max3A_2919 = arith.maxsi %max3A_2918, %broadcast_in_dim3A_2915 : vector<32x128xi32>
    %min3A_2920 = vector.broadcast %jit3A_2917 : i32 to vector<32x128xi32>
    %min3A_2921 = arith.minsi %min3A_2920, %max3A_2919 : vector<32x128xi32>
    %lt3A_2922 = arith.constant 0 : i32
    %lt3A_2923 = vector.broadcast %lt3A_2922 : i32 to vector<32x128xi32>
    %lt3A_2924 = arith.cmpi slt, %min3A_2921, %lt3A_2923 : vector<32x128xi32>
    %add3A_2925 = arith.constant 128 : i32
    %add3A_2926 = vector.broadcast %add3A_2925 : i32 to vector<32x128xi32>
    %add3A_2927 = arith.addi %min3A_2921, %add3A_2926 : vector<32x128xi32>
    %select_n3A_2928 = arith.select %lt3A_2924, %add3A_2927, %min3A_2921 : vector<32x128xi1>, vector<32x128xi32>
    %reshape3A_2929 = vector.shape_cast %select_n3A_2928 : vector<32x128xi32> to vector<32x128x1xi32>
    %gather3A_2930 = vector.shape_cast %reshape3A_2929 : vector<32x128x1xi32> to vector<32x128xi32>
    %gather3A_2931 = tpu.dynamic_gather %get3A_2047[%gather3A_2930] in [1] : vector<32x128xf32>, vector<32x128xi32> -> vector<32x128xf32>
    %sub3A_2932 = arith.constant 128 : i32
    %sub3A_2933 = vector.broadcast %sub3A_2932 : i32 to vector<32x128xi32>
    %sub3A_2934 = arith.subi %broadcast_in_dim3A_2915, %sub3A_2933 : vector<32x128xi32>
    %jit3A_2935 = arith.constant 0 : i32
    %jit3A_2936 = arith.constant 127 : i32
    %max3A_2937 = vector.broadcast %jit3A_2935 : i32 to vector<32x128xi32>
    %max3A_2938 = arith.maxsi %max3A_2937, %sub3A_2934 : vector<32x128xi32>
    %min3A_2939 = vector.broadcast %jit3A_2936 : i32 to vector<32x128xi32>
    %min3A_2940 = arith.minsi %min3A_2939, %max3A_2938 : vector<32x128xi32>
    %lt3A_2941 = arith.constant 0 : i32
    %lt3A_2942 = vector.broadcast %lt3A_2941 : i32 to vector<32x128xi32>
    %lt3A_2943 = arith.cmpi slt, %min3A_2940, %lt3A_2942 : vector<32x128xi32>
    %add3A_2944 = arith.constant 128 : i32
    %add3A_2945 = vector.broadcast %add3A_2944 : i32 to vector<32x128xi32>
    %add3A_2946 = arith.addi %min3A_2940, %add3A_2945 : vector<32x128xi32>
    %select_n3A_2947 = arith.select %lt3A_2943, %add3A_2946, %min3A_2940 : vector<32x128xi1>, vector<32x128xi32>
    %reshape3A_2948 = vector.shape_cast %select_n3A_2947 : vector<32x128xi32> to vector<32x128x1xi32>
    %gather3A_2949 = vector.shape_cast %reshape3A_2948 : vector<32x128x1xi32> to vector<32x128xi32>
    %gather3A_2950 = tpu.dynamic_gather %get3A_2050[%gather3A_2949] in [1] : vector<32x128xf32>, vector<32x128xi32> -> vector<32x128xf32>
    %sub3A_2951 = arith.constant 256 : i32
    %sub3A_2952 = vector.broadcast %sub3A_2951 : i32 to vector<32x128xi32>
    %sub3A_2953 = arith.subi %broadcast_in_dim3A_2915, %sub3A_2952 : vector<32x128xi32>
    %jit3A_2954 = arith.constant 0 : i32
    %jit3A_2955 = arith.constant 127 : i32
    %max3A_2956 = vector.broadcast %jit3A_2954 : i32 to vector<32x128xi32>
    %max3A_2957 = arith.maxsi %max3A_2956, %sub3A_2953 : vector<32x128xi32>
    %min3A_2958 = vector.broadcast %jit3A_2955 : i32 to vector<32x128xi32>
    %min3A_2959 = arith.minsi %min3A_2958, %max3A_2957 : vector<32x128xi32>
    %lt3A_2960 = arith.constant 0 : i32
    %lt3A_2961 = vector.broadcast %lt3A_2960 : i32 to vector<32x128xi32>
    %lt3A_2962 = arith.cmpi slt, %min3A_2959, %lt3A_2961 : vector<32x128xi32>
    %add3A_2963 = arith.constant 128 : i32
    %add3A_2964 = vector.broadcast %add3A_2963 : i32 to vector<32x128xi32>
    %add3A_2965 = arith.addi %min3A_2959, %add3A_2964 : vector<32x128xi32>
    %select_n3A_2966 = arith.select %lt3A_2962, %add3A_2965, %min3A_2959 : vector<32x128xi1>, vector<32x128xi32>
    %reshape3A_2967 = vector.shape_cast %select_n3A_2966 : vector<32x128xi32> to vector<32x128x1xi32>
    %gather3A_2968 = vector.shape_cast %reshape3A_2967 : vector<32x128x1xi32> to vector<32x128xi32>
    %gather3A_2969 = tpu.dynamic_gather %get3A_2053[%gather3A_2968] in [1] : vector<32x128xf32>, vector<32x128xi32> -> vector<32x128xf32>
    %lt3A_2970 = arith.constant 128 : i32
    %lt3A_2971 = vector.broadcast %lt3A_2970 : i32 to vector<32x128xi32>
    %lt3A_2972 = arith.cmpi slt, %broadcast_in_dim3A_2915, %lt3A_2971 : vector<32x128xi32>
    %lt3A_2973 = arith.constant 256 : i32
    %lt3A_2974 = vector.broadcast %lt3A_2973 : i32 to vector<32x128xi32>
    %lt3A_2975 = arith.cmpi slt, %broadcast_in_dim3A_2915, %lt3A_2974 : vector<32x128xi32>
    %select_n3A_2976 = arith.select %lt3A_2975, %gather3A_2950, %gather3A_2969 : vector<32x128xi1>, vector<32x128xf32>
    %select_n3A_2977 = arith.select %lt3A_2972, %gather3A_2931, %select_n3A_2976 : vector<32x128xi1>, vector<32x128xf32>
    %slice3A_2978 = vector.extract_strided_slice %min3A_2044 {offsets = [0, 1408], sizes = [1, 128], strides = [1, 1]} : vector<1x2048xi32> to vector<1x128xi32>
    %broadcast_in_dim3A_2979 = vector.shape_cast %slice3A_2978 : vector<1x128xi32> to vector<1x128xi32>
    %broadcast_in_dim3A_2980 = vector.broadcast %broadcast_in_dim3A_2979 : vector<1x128xi32> to vector<32x128xi32>
    %lt3A_2981 = arith.constant 0 : i32
    %lt3A_2982 = vector.broadcast %lt3A_2981 : i32 to vector<32x128xi32>
    %lt3A_2983 = arith.cmpi slt, %broadcast_in_dim3A_2980, %lt3A_2982 : vector<32x128xi32>
    %add3A_2984 = arith.constant 128 : i32
    %add3A_2985 = vector.broadcast %add3A_2984 : i32 to vector<32x128xi32>
    %add3A_2986 = arith.addi %broadcast_in_dim3A_2980, %add3A_2985 : vector<32x128xi32>
    %select_n3A_2987 = arith.select %lt3A_2983, %add3A_2986, %broadcast_in_dim3A_2980 : vector<32x128xi1>, vector<32x128xi32>
    %reshape3A_2988 = vector.shape_cast %select_n3A_2987 : vector<32x128xi32> to vector<32x128x1xi32>
    %gather3A_2989 = vector.shape_cast %reshape3A_2988 : vector<32x128x1xi32> to vector<32x128xi32>
    %gather3A_2990 = tpu.dynamic_gather %get3A_2056[%gather3A_2989] in [1] : vector<32x128xf32>, vector<32x128xi32> -> vector<32x128xf32>
    %slice3A_2991 = vector.extract_strided_slice %min3A_2033 {offsets = [0, 1536], sizes = [1, 128], strides = [1, 1]} : vector<1x2048xi32> to vector<1x128xi32>
    %broadcast_in_dim3A_2992 = vector.shape_cast %slice3A_2991 : vector<1x128xi32> to vector<1x128xi32>
    %broadcast_in_dim3A_2993 = vector.broadcast %broadcast_in_dim3A_2992 : vector<1x128xi32> to vector<32x128xi32>
    %jit3A_2994 = arith.constant 0 : i32
    %jit3A_2995 = arith.constant 127 : i32
    %max3A_2996 = vector.broadcast %jit3A_2994 : i32 to vector<32x128xi32>
    %max3A_2997 = arith.maxsi %max3A_2996, %broadcast_in_dim3A_2993 : vector<32x128xi32>
    %min3A_2998 = vector.broadcast %jit3A_2995 : i32 to vector<32x128xi32>
    %min3A_2999 = arith.minsi %min3A_2998, %max3A_2997 : vector<32x128xi32>
    %lt3A_3000 = arith.constant 0 : i32
    %lt3A_3001 = vector.broadcast %lt3A_3000 : i32 to vector<32x128xi32>
    %lt3A_3002 = arith.cmpi slt, %min3A_2999, %lt3A_3001 : vector<32x128xi32>
    %add3A_3003 = arith.constant 128 : i32
    %add3A_3004 = vector.broadcast %add3A_3003 : i32 to vector<32x128xi32>
    %add3A_3005 = arith.addi %min3A_2999, %add3A_3004 : vector<32x128xi32>
    %select_n3A_3006 = arith.select %lt3A_3002, %add3A_3005, %min3A_2999 : vector<32x128xi1>, vector<32x128xi32>
    %reshape3A_3007 = vector.shape_cast %select_n3A_3006 : vector<32x128xi32> to vector<32x128x1xi32>
    %gather3A_3008 = vector.shape_cast %reshape3A_3007 : vector<32x128x1xi32> to vector<32x128xi32>
    %gather3A_3009 = tpu.dynamic_gather %get3A_2047[%gather3A_3008] in [1] : vector<32x128xf32>, vector<32x128xi32> -> vector<32x128xf32>
    %sub3A_3010 = arith.constant 128 : i32
    %sub3A_3011 = vector.broadcast %sub3A_3010 : i32 to vector<32x128xi32>
    %sub3A_3012 = arith.subi %broadcast_in_dim3A_2993, %sub3A_3011 : vector<32x128xi32>
    %jit3A_3013 = arith.constant 0 : i32
    %jit3A_3014 = arith.constant 127 : i32
    %max3A_3015 = vector.broadcast %jit3A_3013 : i32 to vector<32x128xi32>
    %max3A_3016 = arith.maxsi %max3A_3015, %sub3A_3012 : vector<32x128xi32>
    %min3A_3017 = vector.broadcast %jit3A_3014 : i32 to vector<32x128xi32>
    %min3A_3018 = arith.minsi %min3A_3017, %max3A_3016 : vector<32x128xi32>
    %lt3A_3019 = arith.constant 0 : i32
    %lt3A_3020 = vector.broadcast %lt3A_3019 : i32 to vector<32x128xi32>
    %lt3A_3021 = arith.cmpi slt, %min3A_3018, %lt3A_3020 : vector<32x128xi32>
    %add3A_3022 = arith.constant 128 : i32
    %add3A_3023 = vector.broadcast %add3A_3022 : i32 to vector<32x128xi32>
    %add3A_3024 = arith.addi %min3A_3018, %add3A_3023 : vector<32x128xi32>
    %select_n3A_3025 = arith.select %lt3A_3021, %add3A_3024, %min3A_3018 : vector<32x128xi1>, vector<32x128xi32>
    %reshape3A_3026 = vector.shape_cast %select_n3A_3025 : vector<32x128xi32> to vector<32x128x1xi32>
    %gather3A_3027 = vector.shape_cast %reshape3A_3026 : vector<32x128x1xi32> to vector<32x128xi32>
    %gather3A_3028 = tpu.dynamic_gather %get3A_2050[%gather3A_3027] in [1] : vector<32x128xf32>, vector<32x128xi32> -> vector<32x128xf32>
    %sub3A_3029 = arith.constant 256 : i32
    %sub3A_3030 = vector.broadcast %sub3A_3029 : i32 to vector<32x128xi32>
    %sub3A_3031 = arith.subi %broadcast_in_dim3A_2993, %sub3A_3030 : vector<32x128xi32>
    %jit3A_3032 = arith.constant 0 : i32
    %jit3A_3033 = arith.constant 127 : i32
    %max3A_3034 = vector.broadcast %jit3A_3032 : i32 to vector<32x128xi32>
    %max3A_3035 = arith.maxsi %max3A_3034, %sub3A_3031 : vector<32x128xi32>
    %min3A_3036 = vector.broadcast %jit3A_3033 : i32 to vector<32x128xi32>
    %min3A_3037 = arith.minsi %min3A_3036, %max3A_3035 : vector<32x128xi32>
    %lt3A_3038 = arith.constant 0 : i32
    %lt3A_3039 = vector.broadcast %lt3A_3038 : i32 to vector<32x128xi32>
    %lt3A_3040 = arith.cmpi slt, %min3A_3037, %lt3A_3039 : vector<32x128xi32>
    %add3A_3041 = arith.constant 128 : i32
    %add3A_3042 = vector.broadcast %add3A_3041 : i32 to vector<32x128xi32>
    %add3A_3043 = arith.addi %min3A_3037, %add3A_3042 : vector<32x128xi32>
    %select_n3A_3044 = arith.select %lt3A_3040, %add3A_3043, %min3A_3037 : vector<32x128xi1>, vector<32x128xi32>
    %reshape3A_3045 = vector.shape_cast %select_n3A_3044 : vector<32x128xi32> to vector<32x128x1xi32>
    %gather3A_3046 = vector.shape_cast %reshape3A_3045 : vector<32x128x1xi32> to vector<32x128xi32>
    %gather3A_3047 = tpu.dynamic_gather %get3A_2053[%gather3A_3046] in [1] : vector<32x128xf32>, vector<32x128xi32> -> vector<32x128xf32>
    %lt3A_3048 = arith.constant 128 : i32
    %lt3A_3049 = vector.broadcast %lt3A_3048 : i32 to vector<32x128xi32>
    %lt3A_3050 = arith.cmpi slt, %broadcast_in_dim3A_2993, %lt3A_3049 : vector<32x128xi32>
    %lt3A_3051 = arith.constant 256 : i32
    %lt3A_3052 = vector.broadcast %lt3A_3051 : i32 to vector<32x128xi32>
    %lt3A_3053 = arith.cmpi slt, %broadcast_in_dim3A_2993, %lt3A_3052 : vector<32x128xi32>
    %select_n3A_3054 = arith.select %lt3A_3053, %gather3A_3028, %gather3A_3047 : vector<32x128xi1>, vector<32x128xf32>
    %select_n3A_3055 = arith.select %lt3A_3050, %gather3A_3009, %select_n3A_3054 : vector<32x128xi1>, vector<32x128xf32>
    %slice3A_3056 = vector.extract_strided_slice %min3A_2044 {offsets = [0, 1536], sizes = [1, 128], strides = [1, 1]} : vector<1x2048xi32> to vector<1x128xi32>
    %broadcast_in_dim3A_3057 = vector.shape_cast %slice3A_3056 : vector<1x128xi32> to vector<1x128xi32>
    %broadcast_in_dim3A_3058 = vector.broadcast %broadcast_in_dim3A_3057 : vector<1x128xi32> to vector<32x128xi32>
    %lt3A_3059 = arith.constant 0 : i32
    %lt3A_3060 = vector.broadcast %lt3A_3059 : i32 to vector<32x128xi32>
    %lt3A_3061 = arith.cmpi slt, %broadcast_in_dim3A_3058, %lt3A_3060 : vector<32x128xi32>
    %add3A_3062 = arith.constant 128 : i32
    %add3A_3063 = vector.broadcast %add3A_3062 : i32 to vector<32x128xi32>
    %add3A_3064 = arith.addi %broadcast_in_dim3A_3058, %add3A_3063 : vector<32x128xi32>
    %select_n3A_3065 = arith.select %lt3A_3061, %add3A_3064, %broadcast_in_dim3A_3058 : vector<32x128xi1>, vector<32x128xi32>
    %reshape3A_3066 = vector.shape_cast %select_n3A_3065 : vector<32x128xi32> to vector<32x128x1xi32>
    %gather3A_3067 = vector.shape_cast %reshape3A_3066 : vector<32x128x1xi32> to vector<32x128xi32>
    %gather3A_3068 = tpu.dynamic_gather %get3A_2056[%gather3A_3067] in [1] : vector<32x128xf32>, vector<32x128xi32> -> vector<32x128xf32>
    %slice3A_3069 = vector.extract_strided_slice %min3A_2033 {offsets = [0, 1664], sizes = [1, 128], strides = [1, 1]} : vector<1x2048xi32> to vector<1x128xi32>
    %broadcast_in_dim3A_3070 = vector.shape_cast %slice3A_3069 : vector<1x128xi32> to vector<1x128xi32>
    %broadcast_in_dim3A_3071 = vector.broadcast %broadcast_in_dim3A_3070 : vector<1x128xi32> to vector<32x128xi32>
    %jit3A_3072 = arith.constant 0 : i32
    %jit3A_3073 = arith.constant 127 : i32
    %max3A_3074 = vector.broadcast %jit3A_3072 : i32 to vector<32x128xi32>
    %max3A_3075 = arith.maxsi %max3A_3074, %broadcast_in_dim3A_3071 : vector<32x128xi32>
    %min3A_3076 = vector.broadcast %jit3A_3073 : i32 to vector<32x128xi32>
    %min3A_3077 = arith.minsi %min3A_3076, %max3A_3075 : vector<32x128xi32>
    %lt3A_3078 = arith.constant 0 : i32
    %lt3A_3079 = vector.broadcast %lt3A_3078 : i32 to vector<32x128xi32>
    %lt3A_3080 = arith.cmpi slt, %min3A_3077, %lt3A_3079 : vector<32x128xi32>
    %add3A_3081 = arith.constant 128 : i32
    %add3A_3082 = vector.broadcast %add3A_3081 : i32 to vector<32x128xi32>
    %add3A_3083 = arith.addi %min3A_3077, %add3A_3082 : vector<32x128xi32>
    %select_n3A_3084 = arith.select %lt3A_3080, %add3A_3083, %min3A_3077 : vector<32x128xi1>, vector<32x128xi32>
    %reshape3A_3085 = vector.shape_cast %select_n3A_3084 : vector<32x128xi32> to vector<32x128x1xi32>
    %gather3A_3086 = vector.shape_cast %reshape3A_3085 : vector<32x128x1xi32> to vector<32x128xi32>
    %gather3A_3087 = tpu.dynamic_gather %get3A_2047[%gather3A_3086] in [1] : vector<32x128xf32>, vector<32x128xi32> -> vector<32x128xf32>
    %sub3A_3088 = arith.constant 128 : i32
    %sub3A_3089 = vector.broadcast %sub3A_3088 : i32 to vector<32x128xi32>
    %sub3A_3090 = arith.subi %broadcast_in_dim3A_3071, %sub3A_3089 : vector<32x128xi32>
    %jit3A_3091 = arith.constant 0 : i32
    %jit3A_3092 = arith.constant 127 : i32
    %max3A_3093 = vector.broadcast %jit3A_3091 : i32 to vector<32x128xi32>
    %max3A_3094 = arith.maxsi %max3A_3093, %sub3A_3090 : vector<32x128xi32>
    %min3A_3095 = vector.broadcast %jit3A_3092 : i32 to vector<32x128xi32>
    %min3A_3096 = arith.minsi %min3A_3095, %max3A_3094 : vector<32x128xi32>
    %lt3A_3097 = arith.constant 0 : i32
    %lt3A_3098 = vector.broadcast %lt3A_3097 : i32 to vector<32x128xi32>
    %lt3A_3099 = arith.cmpi slt, %min3A_3096, %lt3A_3098 : vector<32x128xi32>
    %add3A_3100 = arith.constant 128 : i32
    %add3A_3101 = vector.broadcast %add3A_3100 : i32 to vector<32x128xi32>
    %add3A_3102 = arith.addi %min3A_3096, %add3A_3101 : vector<32x128xi32>
    %select_n3A_3103 = arith.select %lt3A_3099, %add3A_3102, %min3A_3096 : vector<32x128xi1>, vector<32x128xi32>
    %reshape3A_3104 = vector.shape_cast %select_n3A_3103 : vector<32x128xi32> to vector<32x128x1xi32>
    %gather3A_3105 = vector.shape_cast %reshape3A_3104 : vector<32x128x1xi32> to vector<32x128xi32>
    %gather3A_3106 = tpu.dynamic_gather %get3A_2050[%gather3A_3105] in [1] : vector<32x128xf32>, vector<32x128xi32> -> vector<32x128xf32>
    %sub3A_3107 = arith.constant 256 : i32
    %sub3A_3108 = vector.broadcast %sub3A_3107 : i32 to vector<32x128xi32>
    %sub3A_3109 = arith.subi %broadcast_in_dim3A_3071, %sub3A_3108 : vector<32x128xi32>
    %jit3A_3110 = arith.constant 0 : i32
    %jit3A_3111 = arith.constant 127 : i32
    %max3A_3112 = vector.broadcast %jit3A_3110 : i32 to vector<32x128xi32>
    %max3A_3113 = arith.maxsi %max3A_3112, %sub3A_3109 : vector<32x128xi32>
    %min3A_3114 = vector.broadcast %jit3A_3111 : i32 to vector<32x128xi32>
    %min3A_3115 = arith.minsi %min3A_3114, %max3A_3113 : vector<32x128xi32>
    %lt3A_3116 = arith.constant 0 : i32
    %lt3A_3117 = vector.broadcast %lt3A_3116 : i32 to vector<32x128xi32>
    %lt3A_3118 = arith.cmpi slt, %min3A_3115, %lt3A_3117 : vector<32x128xi32>
    %add3A_3119 = arith.constant 128 : i32
    %add3A_3120 = vector.broadcast %add3A_3119 : i32 to vector<32x128xi32>
    %add3A_3121 = arith.addi %min3A_3115, %add3A_3120 : vector<32x128xi32>
    %select_n3A_3122 = arith.select %lt3A_3118, %add3A_3121, %min3A_3115 : vector<32x128xi1>, vector<32x128xi32>
    %reshape3A_3123 = vector.shape_cast %select_n3A_3122 : vector<32x128xi32> to vector<32x128x1xi32>
    %gather3A_3124 = vector.shape_cast %reshape3A_3123 : vector<32x128x1xi32> to vector<32x128xi32>
    %gather3A_3125 = tpu.dynamic_gather %get3A_2053[%gather3A_3124] in [1] : vector<32x128xf32>, vector<32x128xi32> -> vector<32x128xf32>
    %lt3A_3126 = arith.constant 128 : i32
    %lt3A_3127 = vector.broadcast %lt3A_3126 : i32 to vector<32x128xi32>
    %lt3A_3128 = arith.cmpi slt, %broadcast_in_dim3A_3071, %lt3A_3127 : vector<32x128xi32>
    %lt3A_3129 = arith.constant 256 : i32
    %lt3A_3130 = vector.broadcast %lt3A_3129 : i32 to vector<32x128xi32>
    %lt3A_3131 = arith.cmpi slt, %broadcast_in_dim3A_3071, %lt3A_3130 : vector<32x128xi32>
    %select_n3A_3132 = arith.select %lt3A_3131, %gather3A_3106, %gather3A_3125 : vector<32x128xi1>, vector<32x128xf32>
    %select_n3A_3133 = arith.select %lt3A_3128, %gather3A_3087, %select_n3A_3132 : vector<32x128xi1>, vector<32x128xf32>
    %slice3A_3134 = vector.extract_strided_slice %min3A_2044 {offsets = [0, 1664], sizes = [1, 128], strides = [1, 1]} : vector<1x2048xi32> to vector<1x128xi32>
    %broadcast_in_dim3A_3135 = vector.shape_cast %slice3A_3134 : vector<1x128xi32> to vector<1x128xi32>
    %broadcast_in_dim3A_3136 = vector.broadcast %broadcast_in_dim3A_3135 : vector<1x128xi32> to vector<32x128xi32>
    %lt3A_3137 = arith.constant 0 : i32
    %lt3A_3138 = vector.broadcast %lt3A_3137 : i32 to vector<32x128xi32>
    %lt3A_3139 = arith.cmpi slt, %broadcast_in_dim3A_3136, %lt3A_3138 : vector<32x128xi32>
    %add3A_3140 = arith.constant 128 : i32
    %add3A_3141 = vector.broadcast %add3A_3140 : i32 to vector<32x128xi32>
    %add3A_3142 = arith.addi %broadcast_in_dim3A_3136, %add3A_3141 : vector<32x128xi32>
    %select_n3A_3143 = arith.select %lt3A_3139, %add3A_3142, %broadcast_in_dim3A_3136 : vector<32x128xi1>, vector<32x128xi32>
    %reshape3A_3144 = vector.shape_cast %select_n3A_3143 : vector<32x128xi32> to vector<32x128x1xi32>
    %gather3A_3145 = vector.shape_cast %reshape3A_3144 : vector<32x128x1xi32> to vector<32x128xi32>
    %gather3A_3146 = tpu.dynamic_gather %get3A_2056[%gather3A_3145] in [1] : vector<32x128xf32>, vector<32x128xi32> -> vector<32x128xf32>
    %slice3A_3147 = vector.extract_strided_slice %min3A_2033 {offsets = [0, 1792], sizes = [1, 128], strides = [1, 1]} : vector<1x2048xi32> to vector<1x128xi32>
    %broadcast_in_dim3A_3148 = vector.shape_cast %slice3A_3147 : vector<1x128xi32> to vector<1x128xi32>
    %broadcast_in_dim3A_3149 = vector.broadcast %broadcast_in_dim3A_3148 : vector<1x128xi32> to vector<32x128xi32>
    %jit3A_3150 = arith.constant 0 : i32
    %jit3A_3151 = arith.constant 127 : i32
    %max3A_3152 = vector.broadcast %jit3A_3150 : i32 to vector<32x128xi32>
    %max3A_3153 = arith.maxsi %max3A_3152, %broadcast_in_dim3A_3149 : vector<32x128xi32>
    %min3A_3154 = vector.broadcast %jit3A_3151 : i32 to vector<32x128xi32>
    %min3A_3155 = arith.minsi %min3A_3154, %max3A_3153 : vector<32x128xi32>
    %lt3A_3156 = arith.constant 0 : i32
    %lt3A_3157 = vector.broadcast %lt3A_3156 : i32 to vector<32x128xi32>
    %lt3A_3158 = arith.cmpi slt, %min3A_3155, %lt3A_3157 : vector<32x128xi32>
    %add3A_3159 = arith.constant 128 : i32
    %add3A_3160 = vector.broadcast %add3A_3159 : i32 to vector<32x128xi32>
    %add3A_3161 = arith.addi %min3A_3155, %add3A_3160 : vector<32x128xi32>
    %select_n3A_3162 = arith.select %lt3A_3158, %add3A_3161, %min3A_3155 : vector<32x128xi1>, vector<32x128xi32>
    %reshape3A_3163 = vector.shape_cast %select_n3A_3162 : vector<32x128xi32> to vector<32x128x1xi32>
    %gather3A_3164 = vector.shape_cast %reshape3A_3163 : vector<32x128x1xi32> to vector<32x128xi32>
    %gather3A_3165 = tpu.dynamic_gather %get3A_2047[%gather3A_3164] in [1] : vector<32x128xf32>, vector<32x128xi32> -> vector<32x128xf32>
    %sub3A_3166 = arith.constant 128 : i32
    %sub3A_3167 = vector.broadcast %sub3A_3166 : i32 to vector<32x128xi32>
    %sub3A_3168 = arith.subi %broadcast_in_dim3A_3149, %sub3A_3167 : vector<32x128xi32>
    %jit3A_3169 = arith.constant 0 : i32
    %jit3A_3170 = arith.constant 127 : i32
    %max3A_3171 = vector.broadcast %jit3A_3169 : i32 to vector<32x128xi32>
    %max3A_3172 = arith.maxsi %max3A_3171, %sub3A_3168 : vector<32x128xi32>
    %min3A_3173 = vector.broadcast %jit3A_3170 : i32 to vector<32x128xi32>
    %min3A_3174 = arith.minsi %min3A_3173, %max3A_3172 : vector<32x128xi32>
    %lt3A_3175 = arith.constant 0 : i32
    %lt3A_3176 = vector.broadcast %lt3A_3175 : i32 to vector<32x128xi32>
    %lt3A_3177 = arith.cmpi slt, %min3A_3174, %lt3A_3176 : vector<32x128xi32>
    %add3A_3178 = arith.constant 128 : i32
    %add3A_3179 = vector.broadcast %add3A_3178 : i32 to vector<32x128xi32>
    %add3A_3180 = arith.addi %min3A_3174, %add3A_3179 : vector<32x128xi32>
    %select_n3A_3181 = arith.select %lt3A_3177, %add3A_3180, %min3A_3174 : vector<32x128xi1>, vector<32x128xi32>
    %reshape3A_3182 = vector.shape_cast %select_n3A_3181 : vector<32x128xi32> to vector<32x128x1xi32>
    %gather3A_3183 = vector.shape_cast %reshape3A_3182 : vector<32x128x1xi32> to vector<32x128xi32>
    %gather3A_3184 = tpu.dynamic_gather %get3A_2050[%gather3A_3183] in [1] : vector<32x128xf32>, vector<32x128xi32> -> vector<32x128xf32>
    %sub3A_3185 = arith.constant 256 : i32
    %sub3A_3186 = vector.broadcast %sub3A_3185 : i32 to vector<32x128xi32>
    %sub3A_3187 = arith.subi %broadcast_in_dim3A_3149, %sub3A_3186 : vector<32x128xi32>
    %jit3A_3188 = arith.constant 0 : i32
    %jit3A_3189 = arith.constant 127 : i32
    %max3A_3190 = vector.broadcast %jit3A_3188 : i32 to vector<32x128xi32>
    %max3A_3191 = arith.maxsi %max3A_3190, %sub3A_3187 : vector<32x128xi32>
    %min3A_3192 = vector.broadcast %jit3A_3189 : i32 to vector<32x128xi32>
    %min3A_3193 = arith.minsi %min3A_3192, %max3A_3191 : vector<32x128xi32>
    %lt3A_3194 = arith.constant 0 : i32
    %lt3A_3195 = vector.broadcast %lt3A_3194 : i32 to vector<32x128xi32>
    %lt3A_3196 = arith.cmpi slt, %min3A_3193, %lt3A_3195 : vector<32x128xi32>
    %add3A_3197 = arith.constant 128 : i32
    %add3A_3198 = vector.broadcast %add3A_3197 : i32 to vector<32x128xi32>
    %add3A_3199 = arith.addi %min3A_3193, %add3A_3198 : vector<32x128xi32>
    %select_n3A_3200 = arith.select %lt3A_3196, %add3A_3199, %min3A_3193 : vector<32x128xi1>, vector<32x128xi32>
    %reshape3A_3201 = vector.shape_cast %select_n3A_3200 : vector<32x128xi32> to vector<32x128x1xi32>
    %gather3A_3202 = vector.shape_cast %reshape3A_3201 : vector<32x128x1xi32> to vector<32x128xi32>
    %gather3A_3203 = tpu.dynamic_gather %get3A_2053[%gather3A_3202] in [1] : vector<32x128xf32>, vector<32x128xi32> -> vector<32x128xf32>
    %lt3A_3204 = arith.constant 128 : i32
    %lt3A_3205 = vector.broadcast %lt3A_3204 : i32 to vector<32x128xi32>
    %lt3A_3206 = arith.cmpi slt, %broadcast_in_dim3A_3149, %lt3A_3205 : vector<32x128xi32>
    %lt3A_3207 = arith.constant 256 : i32
    %lt3A_3208 = vector.broadcast %lt3A_3207 : i32 to vector<32x128xi32>
    %lt3A_3209 = arith.cmpi slt, %broadcast_in_dim3A_3149, %lt3A_3208 : vector<32x128xi32>
    %select_n3A_3210 = arith.select %lt3A_3209, %gather3A_3184, %gather3A_3203 : vector<32x128xi1>, vector<32x128xf32>
    %select_n3A_3211 = arith.select %lt3A_3206, %gather3A_3165, %select_n3A_3210 : vector<32x128xi1>, vector<32x128xf32>
    %slice3A_3212 = vector.extract_strided_slice %min3A_2044 {offsets = [0, 1792], sizes = [1, 128], strides = [1, 1]} : vector<1x2048xi32> to vector<1x128xi32>
    %broadcast_in_dim3A_3213 = vector.shape_cast %slice3A_3212 : vector<1x128xi32> to vector<1x128xi32>
    %broadcast_in_dim3A_3214 = vector.broadcast %broadcast_in_dim3A_3213 : vector<1x128xi32> to vector<32x128xi32>
    %lt3A_3215 = arith.constant 0 : i32
    %lt3A_3216 = vector.broadcast %lt3A_3215 : i32 to vector<32x128xi32>
    %lt3A_3217 = arith.cmpi slt, %broadcast_in_dim3A_3214, %lt3A_3216 : vector<32x128xi32>
    %add3A_3218 = arith.constant 128 : i32
    %add3A_3219 = vector.broadcast %add3A_3218 : i32 to vector<32x128xi32>
    %add3A_3220 = arith.addi %broadcast_in_dim3A_3214, %add3A_3219 : vector<32x128xi32>
    %select_n3A_3221 = arith.select %lt3A_3217, %add3A_3220, %broadcast_in_dim3A_3214 : vector<32x128xi1>, vector<32x128xi32>
    %reshape3A_3222 = vector.shape_cast %select_n3A_3221 : vector<32x128xi32> to vector<32x128x1xi32>
    %gather3A_3223 = vector.shape_cast %reshape3A_3222 : vector<32x128x1xi32> to vector<32x128xi32>
    %gather3A_3224 = tpu.dynamic_gather %get3A_2056[%gather3A_3223] in [1] : vector<32x128xf32>, vector<32x128xi32> -> vector<32x128xf32>
    %slice3A_3225 = vector.extract_strided_slice %min3A_2033 {offsets = [0, 1920], sizes = [1, 128], strides = [1, 1]} : vector<1x2048xi32> to vector<1x128xi32>
    %broadcast_in_dim3A_3226 = vector.shape_cast %slice3A_3225 : vector<1x128xi32> to vector<1x128xi32>
    %broadcast_in_dim3A_3227 = vector.broadcast %broadcast_in_dim3A_3226 : vector<1x128xi32> to vector<32x128xi32>
    %jit3A_3228 = arith.constant 0 : i32
    %jit3A_3229 = arith.constant 127 : i32
    %max3A_3230 = vector.broadcast %jit3A_3228 : i32 to vector<32x128xi32>
    %max3A_3231 = arith.maxsi %max3A_3230, %broadcast_in_dim3A_3227 : vector<32x128xi32>
    %min3A_3232 = vector.broadcast %jit3A_3229 : i32 to vector<32x128xi32>
    %min3A_3233 = arith.minsi %min3A_3232, %max3A_3231 : vector<32x128xi32>
    %lt3A_3234 = arith.constant 0 : i32
    %lt3A_3235 = vector.broadcast %lt3A_3234 : i32 to vector<32x128xi32>
    %lt3A_3236 = arith.cmpi slt, %min3A_3233, %lt3A_3235 : vector<32x128xi32>
    %add3A_3237 = arith.constant 128 : i32
    %add3A_3238 = vector.broadcast %add3A_3237 : i32 to vector<32x128xi32>
    %add3A_3239 = arith.addi %min3A_3233, %add3A_3238 : vector<32x128xi32>
    %select_n3A_3240 = arith.select %lt3A_3236, %add3A_3239, %min3A_3233 : vector<32x128xi1>, vector<32x128xi32>
    %reshape3A_3241 = vector.shape_cast %select_n3A_3240 : vector<32x128xi32> to vector<32x128x1xi32>
    %gather3A_3242 = vector.shape_cast %reshape3A_3241 : vector<32x128x1xi32> to vector<32x128xi32>
    %gather3A_3243 = tpu.dynamic_gather %get3A_2047[%gather3A_3242] in [1] : vector<32x128xf32>, vector<32x128xi32> -> vector<32x128xf32>
    %sub3A_3244 = arith.constant 128 : i32
    %sub3A_3245 = vector.broadcast %sub3A_3244 : i32 to vector<32x128xi32>
    %sub3A_3246 = arith.subi %broadcast_in_dim3A_3227, %sub3A_3245 : vector<32x128xi32>
    %jit3A_3247 = arith.constant 0 : i32
    %jit3A_3248 = arith.constant 127 : i32
    %max3A_3249 = vector.broadcast %jit3A_3247 : i32 to vector<32x128xi32>
    %max3A_3250 = arith.maxsi %max3A_3249, %sub3A_3246 : vector<32x128xi32>
    %min3A_3251 = vector.broadcast %jit3A_3248 : i32 to vector<32x128xi32>
    %min3A_3252 = arith.minsi %min3A_3251, %max3A_3250 : vector<32x128xi32>
    %lt3A_3253 = arith.constant 0 : i32
    %lt3A_3254 = vector.broadcast %lt3A_3253 : i32 to vector<32x128xi32>
    %lt3A_3255 = arith.cmpi slt, %min3A_3252, %lt3A_3254 : vector<32x128xi32>
    %add3A_3256 = arith.constant 128 : i32
    %add3A_3257 = vector.broadcast %add3A_3256 : i32 to vector<32x128xi32>
    %add3A_3258 = arith.addi %min3A_3252, %add3A_3257 : vector<32x128xi32>
    %select_n3A_3259 = arith.select %lt3A_3255, %add3A_3258, %min3A_3252 : vector<32x128xi1>, vector<32x128xi32>
    %reshape3A_3260 = vector.shape_cast %select_n3A_3259 : vector<32x128xi32> to vector<32x128x1xi32>
    %gather3A_3261 = vector.shape_cast %reshape3A_3260 : vector<32x128x1xi32> to vector<32x128xi32>
    %gather3A_3262 = tpu.dynamic_gather %get3A_2050[%gather3A_3261] in [1] : vector<32x128xf32>, vector<32x128xi32> -> vector<32x128xf32>
    %sub3A_3263 = arith.constant 256 : i32
    %sub3A_3264 = vector.broadcast %sub3A_3263 : i32 to vector<32x128xi32>
    %sub3A_3265 = arith.subi %broadcast_in_dim3A_3227, %sub3A_3264 : vector<32x128xi32>
    %jit3A_3266 = arith.constant 0 : i32
    %jit3A_3267 = arith.constant 127 : i32
    %max3A_3268 = vector.broadcast %jit3A_3266 : i32 to vector<32x128xi32>
    %max3A_3269 = arith.maxsi %max3A_3268, %sub3A_3265 : vector<32x128xi32>
    %min3A_3270 = vector.broadcast %jit3A_3267 : i32 to vector<32x128xi32>
    %min3A_3271 = arith.minsi %min3A_3270, %max3A_3269 : vector<32x128xi32>
    %lt3A_3272 = arith.constant 0 : i32
    %lt3A_3273 = vector.broadcast %lt3A_3272 : i32 to vector<32x128xi32>
    %lt3A_3274 = arith.cmpi slt, %min3A_3271, %lt3A_3273 : vector<32x128xi32>
    %add3A_3275 = arith.constant 128 : i32
    %add3A_3276 = vector.broadcast %add3A_3275 : i32 to vector<32x128xi32>
    %add3A_3277 = arith.addi %min3A_3271, %add3A_3276 : vector<32x128xi32>
    %select_n3A_3278 = arith.select %lt3A_3274, %add3A_3277, %min3A_3271 : vector<32x128xi1>, vector<32x128xi32>
    %reshape3A_3279 = vector.shape_cast %select_n3A_3278 : vector<32x128xi32> to vector<32x128x1xi32>
    %gather3A_3280 = vector.shape_cast %reshape3A_3279 : vector<32x128x1xi32> to vector<32x128xi32>
    %gather3A_3281 = tpu.dynamic_gather %get3A_2053[%gather3A_3280] in [1] : vector<32x128xf32>, vector<32x128xi32> -> vector<32x128xf32>
    %lt3A_3282 = arith.constant 128 : i32
    %lt3A_3283 = vector.broadcast %lt3A_3282 : i32 to vector<32x128xi32>
    %lt3A_3284 = arith.cmpi slt, %broadcast_in_dim3A_3227, %lt3A_3283 : vector<32x128xi32>
    %lt3A_3285 = arith.constant 256 : i32
    %lt3A_3286 = vector.broadcast %lt3A_3285 : i32 to vector<32x128xi32>
    %lt3A_3287 = arith.cmpi slt, %broadcast_in_dim3A_3227, %lt3A_3286 : vector<32x128xi32>
    %select_n3A_3288 = arith.select %lt3A_3287, %gather3A_3262, %gather3A_3281 : vector<32x128xi1>, vector<32x128xf32>
    %select_n3A_3289 = arith.select %lt3A_3284, %gather3A_3243, %select_n3A_3288 : vector<32x128xi1>, vector<32x128xf32>
    %slice3A_3290 = vector.extract_strided_slice %min3A_2044 {offsets = [0, 1920], sizes = [1, 128], strides = [1, 1]} : vector<1x2048xi32> to vector<1x128xi32>
    %broadcast_in_dim3A_3291 = vector.shape_cast %slice3A_3290 : vector<1x128xi32> to vector<1x128xi32>
    %broadcast_in_dim3A_3292 = vector.broadcast %broadcast_in_dim3A_3291 : vector<1x128xi32> to vector<32x128xi32>
    %lt3A_3293 = arith.constant 0 : i32
    %lt3A_3294 = vector.broadcast %lt3A_3293 : i32 to vector<32x128xi32>
    %lt3A_3295 = arith.cmpi slt, %broadcast_in_dim3A_3292, %lt3A_3294 : vector<32x128xi32>
    %add3A_3296 = arith.constant 128 : i32
    %add3A_3297 = vector.broadcast %add3A_3296 : i32 to vector<32x128xi32>
    %add3A_3298 = arith.addi %broadcast_in_dim3A_3292, %add3A_3297 : vector<32x128xi32>
    %select_n3A_3299 = arith.select %lt3A_3295, %add3A_3298, %broadcast_in_dim3A_3292 : vector<32x128xi1>, vector<32x128xi32>
    %reshape3A_3300 = vector.shape_cast %select_n3A_3299 : vector<32x128xi32> to vector<32x128x1xi32>
    %gather3A_3301 = vector.shape_cast %reshape3A_3300 : vector<32x128x1xi32> to vector<32x128xi32>
    %gather3A_3302 = tpu.dynamic_gather %get3A_2056[%gather3A_3301] in [1] : vector<32x128xf32>, vector<32x128xi32> -> vector<32x128xf32>
    %concatenate3A_3303 = tpu.concatenate %select_n3A_2119, %select_n3A_2197, %select_n3A_2275, %select_n3A_2353, %select_n3A_2431, %select_n3A_2509, %select_n3A_2587, %select_n3A_2665, %select_n3A_2743, %select_n3A_2821, %select_n3A_2899, %select_n3A_2977, %select_n3A_3055, %select_n3A_3133, %select_n3A_3211, %select_n3A_3289 in 1 : vector<32x128xf32>, vector<32x128xf32>, vector<32x128xf32>, vector<32x128xf32>, vector<32x128xf32>, vector<32x128xf32>, vector<32x128xf32>, vector<32x128xf32>, vector<32x128xf32>, vector<32x128xf32>, vector<32x128xf32>, vector<32x128xf32>, vector<32x128xf32>, vector<32x128xf32>, vector<32x128xf32>, vector<32x128xf32> -> vector<32x2048xf32>
    %concatenate3A_3304 = tpu.concatenate %gather3A_2132, %gather3A_2210, %gather3A_2288, %gather3A_2366, %gather3A_2444, %gather3A_2522, %gather3A_2600, %gather3A_2678, %gather3A_2756, %gather3A_2834, %gather3A_2912, %gather3A_2990, %gather3A_3068, %gather3A_3146, %gather3A_3224, %gather3A_3302 in 1 : vector<32x128xf32>, vector<32x128xf32>, vector<32x128xf32>, vector<32x128xf32>, vector<32x128xf32>, vector<32x128xf32>, vector<32x128xf32>, vector<32x128xf32>, vector<32x128xf32>, vector<32x128xf32>, vector<32x128xf32>, vector<32x128xf32>, vector<32x128xf32>, vector<32x128xf32>, vector<32x128xf32>, vector<32x128xf32> -> vector<32x2048xf32>
    %swap3A = arith.constant 0 : index
    %swap3A_3305 = arith.constant 0 : index
    %swap3A_3306 = arith.constant 0 : index
    %swap3A_3307 = arith.constant 0 : index
    %swap3A_3308 = vector.load %arg8[%swap3A, %swap3A_3305, %swap3A_3306, %swap3A_3307] : memref<1x128x1x2048xf32, #tpu.memory_space<vmem>>, vector<1x32x1x2048xf32>
    %swap3A_3309 = vector.shape_cast %swap3A_3308 : vector<1x32x1x2048xf32> to vector<32x2048xf32>
    %swap3A_3310 = vector.shape_cast %add3A_2026 : vector<32x2048xf32> to vector<1x32x1x2048xf32>
    tpu.vector_store %arg8[%swap3A, %swap3A_3305, %swap3A_3306, %swap3A_3307], %swap3A_3310 {strides = array<i32>} : memref<1x128x1x2048xf32, #tpu.memory_space<vmem>>, vector<1x32x1x2048xf32>,
    %get3A_3311 = arith.constant 0 : index
    %get3A_3312 = arith.constant 0 : index
    %get3A_3313 = vector.load %arg5[%get3A_3311, %get3A_3312] : memref<32x2048xf32, #tpu.memory_space<vmem>>, vector<32x2048xf32>
    %swap3A_3314 = arith.constant 0 : index
    %swap3A_3315 = arith.constant 32 : index
    %swap3A_3316 = arith.constant 0 : index
    %swap3A_3317 = arith.constant 0 : index
    %swap3A_3318 = vector.load %arg8[%swap3A_3314, %swap3A_3315, %swap3A_3316, %swap3A_3317] : memref<1x128x1x2048xf32, #tpu.memory_space<vmem>>, vector<1x32x1x2048xf32>
    %swap3A_3319 = vector.shape_cast %swap3A_3318 : vector<1x32x1x2048xf32> to vector<32x2048xf32>
    %swap3A_3320 = vector.shape_cast %get3A_3313 : vector<32x2048xf32> to vector<1x32x1x2048xf32>
    tpu.vector_store %arg8[%swap3A_3314, %swap3A_3315, %swap3A_3316, %swap3A_3317], %swap3A_3320 {strides = array<i32>} : memref<1x128x1x2048xf32, #tpu.memory_space<vmem>>, vector<1x32x1x2048xf32>,
    %swap3A_3321 = arith.constant 0 : index
    %swap3A_3322 = arith.constant 64 : index
    %swap3A_3323 = arith.constant 0 : index
    %swap3A_3324 = arith.constant 0 : index
    %swap3A_3325 = vector.load %arg8[%swap3A_3321, %swap3A_3322, %swap3A_3323, %swap3A_3324] : memref<1x128x1x2048xf32, #tpu.memory_space<vmem>>, vector<1x32x1x2048xf32>
    %swap3A_3326 = vector.shape_cast %swap3A_3325 : vector<1x32x1x2048xf32> to vector<32x2048xf32>
    %swap3A_3327 = vector.shape_cast %concatenate3A_3303 : vector<32x2048xf32> to vector<1x32x1x2048xf32>
    tpu.vector_store %arg8[%swap3A_3321, %swap3A_3322, %swap3A_3323, %swap3A_3324], %swap3A_3327 {strides = array<i32>} : memref<1x128x1x2048xf32, #tpu.memory_space<vmem>>, vector<1x32x1x2048xf32>,
    %swap3A_3328 = arith.constant 0 : index
    %swap3A_3329 = arith.constant 96 : index
    %swap3A_3330 = arith.constant 0 : index
    %swap3A_3331 = arith.constant 0 : index
    %swap3A_3332 = vector.load %arg8[%swap3A_3328, %swap3A_3329, %swap3A_3330, %swap3A_3331] : memref<1x128x1x2048xf32, #tpu.memory_space<vmem>>, vector<1x32x1x2048xf32>
    %swap3A_3333 = vector.shape_cast %swap3A_3332 : vector<1x32x1x2048xf32> to vector<32x2048xf32>
    %swap3A_3334 = vector.shape_cast %concatenate3A_3304 : vector<32x2048xf32> to vector<1x32x1x2048xf32>
    tpu.vector_store %arg8[%swap3A_3328, %swap3A_3329, %swap3A_3330, %swap3A_3331], %swap3A_3334 {strides = array<i32>} : memref<1x128x1x2048xf32, #tpu.memory_space<vmem>>, vector<1x32x1x2048xf32>,
    return
  }
  func.func @transform_0(%arg0: i32, %arg1: i32) -> (i32, i32, i32) {
    %c0_i32 = arith.constant 0 : i32
    %c0_i32_0 = arith.constant 0 : i32
    return %arg1, %c0_i32, %arg0 : i32, i32, i32
  }
  func.func @transform_1(%arg0: i32, %arg1: i32) -> (i32, i32, i32) {
    %c0_i32 = arith.constant 0 : i32
    %c0_i32_0 = arith.constant 0 : i32
    %c0_i32_1 = arith.constant 0 : i32
    %c0_i32_2 = arith.constant 0 : i32
    return %c0_i32, %c0_i32_0, %c0_i32_1 : i32, i32, i32
  }
  func.func @transform_2(%arg0: i32, %arg1: i32) -> (i32, i32) {
    %c0_i32 = arith.constant 0 : i32
    %c0_i32_0 = arith.constant 0 : i32
    %c0_i32_1 = arith.constant 0 : i32
    return %c0_i32, %c0_i32_0 : i32, i32
  }
  func.func @transform_3(%arg0: i32, %arg1: i32) -> (i32, i32) {
    %c0_i32 = arith.constant 0 : i32
    %c0_i32_0 = arith.constant 0 : i32
    return %c0_i32, %arg0 : i32, i32
  }
  func.func @transform_4(%arg0: i32, %arg1: i32) -> (i32, i32) {
    %c0_i32 = arith.constant 0 : i32
    %c0_i32_0 = arith.constant 0 : i32
    %c0_i32_1 = arith.constant 0 : i32
    return %c0_i32, %c0_i32_0 : i32, i32
  }
  func.func @transform_5(%arg0: i32, %arg1: i32) -> (i32, i32) {
    %c0_i32 = arith.constant 0 : i32
    %c0_i32_0 = arith.constant 0 : i32
    %c0_i32_1 = arith.constant 0 : i32
    return %c0_i32, %c0_i32_0 : i32, i32
  }
  func.func @transform_6(%arg0: i32, %arg1: i32) -> (i32, i32, i32, i32) {
    %c0_i32 = arith.constant 0 : i32
    %c0_i32_0 = arith.constant 0 : i32
    %c0_i32_1 = arith.constant 0 : i32
    return %arg1, %c0_i32, %c0_i32_0, %arg0 : i32, i32, i32, i32
  }
}

</mosaic_0001>

<sc_bundles>
// kernel: sparse-core-data-format-call.cloned.1.call-start
scs
called_computation_lowered:
.L_overlay_start_0:
0x0: {  	s2 =	sld [smem:$0x3FD9]  }
0x1: {  	s3 =	sld [smem:$0x3FFE];
	_ =	sdelay $0x1  }
0x2: {  	s1 =	srdreg.scid  }
0x3: {  	s0 =	sand.u32 $0x1, s1  }
0x4: {  	s18 =	sshll.u32 s0, $0xA;
	s2 =	sadd.s32 s3, s2  }
0x5: {  	s2 =	sadd.s32 s2, s18  }
0x6: {  	[smem:$0x3FC2] =	sst s2  }
0x7: {  	_ = 	snop  }
0x8: {  	s2 =	sld [smem:$0x3FD0];
	(tm) =	ssettm $0x1  }
0x9: {  	s19 =	sld [smem:$0x3FFB];
	_ =	sdelay $0x3  }
0xa: {  	_ =	strace s19  }
0xb: {  	s3 =	sld [smem:$0x3FFC];
	_ =	sdelay $0x3  }
0xc: {  	_ =	strace s3  }
0xd: {  	s3 =	sld [smem:$0x3FFD];
	_ =	sdelay $0x3  }
0xe: {  	_ =	strace s3  }
0xf: {  	_ =	strace $0x8FFFFFFF  }
0x10: {  	s20 =	sld [smem:$0x3FDB];
	_ =	sdelay $0x1  }
0x11: {  	s4 =	simm.s32 $_scs_section_size  }
0x12: {  	s5 =	simm.s32 $_size__tile_overlayer_lowered;
	s6 =	simm.s32 $_tile_overlayer_lowered  }
0x13: {  	s23 =	simm.s32 $0x1BFF;
	s22 =	sshll.u32 s6, $0x1;
	s3 =	sadd.s32 s4, s20  }
0x14: {  	s7 =	simm.s32 $0x0;
	s21 =	sshll.u32 s5, $0x1;
	s5 =	sadd.s32 s22, s3  }
0x15: {  	[timem:s7], [sflag:s23] =	dma.local [hbm:s5], s21  }
0x16: {  	_ =	swait.ge [sflag:s23], s21  }
0x17: {  	s4 =	ssub.s32 $0x0, s21;
	[sflag:s23] =	ssyncset.done $0x0  }
0x18: {  	[sflag:s23] =	ssyncadd.s32 s4;
	_ =	sdelay $0x1  }
0x19: {  	s24 =	simm.s32 $0x1B8B  }
0x1a: {  	_ =	swait.ge [sflag:s24], $0x1  }
0x1b: {  	[sflag:s24] =	ssyncset.done $0x0  }
0x1c: {  	s26 =	simm.s32 $0x1B8E;
	s25 =	sld [smem:$0x3FFE];
	[sflag:s24] =	ssyncadd.s32 $0xFFFFFFFF  }
0x1d: {  	s27 =	simm.s32 $execute0_lowered;
	[smem:$0x3FD2] =	sst s26  }
0x1e: {  	s5 =	sshll.u32 s27, $0x1;
	_ =	strace $0x80000046;
	[dreg:$0x1] =	wrdreg $0xFFFFFFFF  }
0x1f: {  	s28 =	simm.s32 $_size_execute0_lowered;
	s3 =	sadd.s32 s3, s5;
	[dreg:$0x0] =	wrdreg $0x0  }
0x20: {  	s5 =	sshll.u32 s28, $0x1;
	[dreg:$0x2] =	wrdreg s3  }
0x21: {  	[dreg:$0x3] =	wrdreg s5  }
0x22: {  	[dreg:$0x4] =	wrdreg $0xC0  }
0x23: {  	_ =	task [dreg:s7], $0x5FFFF  }
0x24: {  	[dreg:$0x1] =	wrdreg $0xFFFFFFFF  }
0x25: {  	[dreg:$0x0] =	wrdreg $0x60  }
0x26: {  	[dreg:$0x2] =	wrdreg s25  }
0x27: {  	[dreg:$0x3] =	wrdreg s2  }
0x28: {  	[dreg:$0x4] =	wrdreg $0x9  }
0x29: {  	_ =	task.clear_ibuf [dreg:s7], $0x5FFFF;
	_ =	strace $0x90000046  }
0x2a: {  	s29 =	simm.s32 $0x9;
	_ =	strace $0x80000048  }
0x2b: {  	_ =	swait.ge [sflag:s29], $0x1  }
0x2c: {  	[sflag:s29] =	ssyncadd.s32 $0xFFFFFFFF  }
0x2d: {  	_ =	strace $0x90000048  }
0x2e: {  	_ =	sfence  }
0x2f: {  	s30 =	sld [smem:$0x0];
	_ =	sdelay $0x2  }
0x30: {  	s31 =	sshll.u32 s1, $0xD;
	s1 =	sshrl.u32 s1, $0x2  }
0x31: {  	s3 =	sand.u32 $0x4000, s31;
	s1 =	sadd.s32 s1, s30  }
0x32: {  	s0 =	sor.u32 s3, s0;
	s1 =	sshll.u32 s1, $0x11  }
0x33: {  	s0 =	sor.u32 s1, s0  }
0x34: {  	s0 =	sadd.s32 $0x8F2B, s0  }
0x35: {  	[sflag:s0] =	ssyncadd.remote.s32 $0x1  }
0x36: {  	_ =	sfence.sel $0xFFFF  }
0x37: {  	[dreg:$0x0] =	wrdreg $0xFFFFFFFF;
	(pc) =	sbr.abs _section_cstart, $3  }
0x38: {  	[dreg:$0x1] =	wrdreg $0xFFFFFFFF  }
0x39: {  	_ =	task.clear_ibuf [dreg:s7], $0x2FFFF;
	_ =	strace $0x9FFFFFFF  }
0x3a: {  	(tm) =	ssettm $0x7FFFFFFF  }
0x3b: {  	_ =	shalt  }
tec
execute0_lowered:
.L_overlay_start_1:
0x0: {  	(tag) =	ssettag $0x1  }
0x1: {  	s4 =	rddreg [dreg:$0x0];
	s0 =	stileid.u32  }
0x2: {  	s1 =	srdreg.scid;
	s2 =	rddreg [dreg:$0x1]  }
0x3: {  	s8 =	simm.s32 $0x2;
	s17 =	simm.s32 $0x0;
	p0 =	por $0x0, $0x0  }
0x4: {  	s16 =	simm.s32 $0x0;
	s18 =	simm.s32 $0x0;
	s9 =	simm.s32 $0x0  }
0x5: {  	s10 =	simm.s32 $0x0;
	s11 =	simm.s32 $0x0;
	s13 =	simm.s32 $0x0  }
0x6: {  	s15 =	simm.s32 $0x0;
	s3 =	sshll.u32 s0, $0x4;
	s5 =	sshll.u32 s1, $0x8  }
.Ltmp0:
0x7: {  	s1 =	rddreg [dreg:$0x2];
	s3 =	sor.u32 s3, s5;
	(pc) =	sbr.rel .LBB1_1-.Ltmp0, $4  }
0x8: {  	_ =	strace $0x80000047;
	s4 =	sadd.s32 $0xE00, s4;
	s3 =	sand.u32 $0x180, s3  }
0x9: {  	s7 =	sand.u32 $0x7, s0;
	s5 =	simm.s32 $0x1;
	s6 =	ssub.s32 $0xC300, s3  }
0xa: {  	s14 =	smov.u32 s7;
	[sflag:s5] =	ssyncpa.u1 $0x0;
	s6 =	sshrl.u32 s6, $0x9  }
0xb: {  	[sflag:s8] =	ssyncpa.u1 $0x0;
	s12 =	smov.u32 s3;
	s8 =	sor.u32 $0x2, s6  }
.LBB1_5:
0xc: {  	p1 =	slt.u32 s15, $0x2  }
0xd: {  	p2 =	sgt.s32 @!p1 s18, $0x7  }
0xe: {  	s19 =	smov.u32 s18;
	s20 =	sshra.s32 @!p1 s18, $0x1F;
	p2 =	por !p2, p1  }
0xf: {  	s18 =	sand.u32 @!p1 s20, s18;
	s19 =	simm.s32 @p2 $0x7  }
0x10: {  	p3 =	sgt.s32 @!p1 s17, $0xC2D0;
	s18 =	ssub.s32 @!p1 s19, s18  }
0x11: {  	p3 =	por !p3, p1;
	s20 =	smov.u32 s17;
	s19 =	sadd.s32 @!p1 $0xFFFFFFF9, s18  }
0x12: {  	s18 =	ssub.s32 @!p1 $0x8, s18;
	p2 =	sgt.s32 @!p1 s19, $0x0;
	s19 =	sshra.s32 @!p1 s17, $0x1F  }
0x13: {  	s17 =	sand.u32 @!p1 s19, s17;
	s19 =	ssub.s32 @!p1 $0x0, s16;
	p2 =	por !p2, p1  }
0x14: {  	s20 =	simm.s32 @p3 $0xC2D0;
	s16 =	smin.u32 @!p1 s16, s19;
	s18 =	simm.s32 @!p2 $0x0  }
0x15: {  	s17 =	ssub.s32 @!p1 s20, s17;
	s20 =	smov.u32 s13;
	p2 =	sgt.s32 @!p1 s16, $0x7F  }
0x16: {  	s19 =	sadd.s32 @!p1 $0xFFFF3D30, s17;
	s16 =	ssub.s32 @!p1 $0x80, s16;
	p2 =	por !p2, p1  }
0x17: {  	s17 =	ssub.s32 @!p1 $0xC350, s17;
	p3 =	sgt.s32 @!p1 s19, $0x7F;
	s16 =	simm.s32 @!p2 $0x0  }
0x18: {  	s19 =	sadd.s32 $0x200, s12;
	p2 =	por !p3, p1;
	s16 =	smul.u32 @!p1 s18, s16  }
0x19: {  	s17 =	simm.s32 @!p2 $0x0;
	p2 =	sgt.s32 s19, $0xC34F;
	s18 =	sadd.s32 $0x80, s13  }
0x1a: {  	s21 =	smov.u32 s14;
	s20 =	smov.u32 @p2 s18  }
0x1b: {  	s16 =	smul.u32 @!p1 s17, s16;
	p3 =	sgt.s32 s20, $0x7F;
	s17 =	sadd.s32 $0x8, s14  }
0x1c: {  	p0 =	por !p0, !p0;
	s22 =	simm.s32 @!p1 $0x2;
	s21 =	smov.u32 @p3 s17  }
0x1d: {  	s19 =	smov.u32 @p2 s3;
	s18 =	smov.u32 s11;
	p2 =	sgt.s32 s21, $0x7  }
0x1e: {  	s11 =	smov.u32 s14;
	s21 =	smov.u32 @p2 s7;
	p2 =	sne.s32 s15, s8  }
.Ltmp1:
0x1f: {  	s20 =	simm.s32 @p3 $0x0;
	s17 =	smov.u32 s9;
	(pc) =	sbr.rel @!p2 .LBB1_6-.Ltmp1, $4  }
0x20: {  	s9 =	smov.u32 s12;
	s12 =	smov.u32 s19;
	s16 =	sand.u32 @!p1 $0x3FFFFFFF, s16  }
0x21: {  	_ =	swait.ge @!p1 [sflag:s22], s16;
	s23 =	ssub.s32 @!p1 $0x0, s16;
	s16 =	smov.u32 s10  }
0x22: {  	s15 =	sadd.s32 $0x1, s15;
	s10 =	smov.u32 s13;
	[sflag:s22] =	ssyncset.done @!p1 $0x0  }
0x23: {  	s13 =	smov.u32 s20;
	s14 =	smov.u32 s21;
	[sflag:s22] =	ssyncadd.s32 @!p1 s23  }
.LBB1_1:
0x24: {  	p1 =	sgt.u32 s15, s6  }
0x25: {  	s19 =	smulhi.u32 @!p1 $0xA79C7B17, s12;
	_ =	sdelay $0x1  }
0x26: {  	s19 =	sshrl.u32 @!p1 s19, $0xF  }
0x27: {  	s19 =	smul.u32 @!p1 $0xC380, s19  }
0x28: {  	s20 =	sxor.u32 @!p1 $0xFFFFFFFF, s15;
	s21 =	smul.u32 @!p1 $0xC3800, s14  }
0x29: {  	s22 =	smul.u32 @!p1 $0x1870, s13;
	s20 =	sshll.u32 @!p1 s20, $0xE;
	s19 =	ssub.s32 @!p1 s12, s19  }
0x2a: {  	s20 =	sand.u32 @!p1 $0x4000, s20;
	s21 =	sadd.s32 @!p1 s4, s21;
	s23 =	sand.u32 @!p1 $0x7, s19  }
0x2b: {  	s21 =	sadd.s32 @!p1 s22, s21;
	s19 =	sshrl.u32 @!p1 s19, $0x3;
	s22 =	sshll.u32 @!p1 s23, $0x12  }
0x2c: {  	s19 =	sadd.s32 @!p1 s19, s21;
	s21 =	sor.u32 @!p1 $0x80, s22;
	s22 =	simm.s32 @!p1 $0xC380  }
0x2d: {  	[tilespmem:s20], [sflag:$0x1] =	stream.strided.gather @!p1 [hbm4b:s19+s21], $0x4000, s22, s21, $0x38;
	[tilespmem:$0x10100] =	vst v63  }
0x2e: {  	p1 =	seq.s32 s15, $0x0  }
0x2f: {  	p2 =	sge.u32 @!p1 s15, s8  }
0x30: {  	p1 =	por p1, p2  }
.Ltmp2:
0x31: {  	_ = 	snop;
	(pc) =	sbr.rel @p1 .LBB1_5-.Ltmp2, $1  }
0x32: {  	_ =	sdelay $0x3  }
0x33: {  	s19 =	simm.s32 $0x1  }
0x34: {  	_ =	swait.ge [sflag:s5], $0x4000;
	s19 =	simm.s32 @!p0 $0x0  }
0x35: {  	[sflag:s5] =	ssyncset.done $0x0;
	s20 =	sshll.u32 s19, $0xE  }
0x36: {  	[sflag:s5] =	ssyncadd.s32 $0xFFFFC000;
	s20 =	sor.u32 $0x40, s20  }
0x37: {  	s19 =	smul.u32 $0x10200, s19;
	v0 =	vld [tilespmem:s20+$0x30]  }
0x38: {  	v1 =	vld [tilespmem:s20+$0xFFFFFFD0]  }
0x39: {  	s19 =	sshrl.u32 s19, $0x2;
	v5 =	vld [tilespmem:s20+$0xFFFFFFE0]  }
0x3a: {  	v6 =	vld [tilespmem:s20+$0xFFFFFFF0];
	s22 =	sor.u32 $0x8000, s19  }
0x3b: {  	s31 =	sand.u32 $0x1, s15;
	v4 =	vld [tilespmem:s20+$0x0];
	s21 =	sadd.s32 $0x0, s22  }
0x3c: {  	v3 =	vld [tilespmem:s20+$0x10];
	s19 =	smul.u32 $0x10200, s31;
	[tilespmem:s21+$0x3870 ss:$0x81] =	vst.msk $0xffff, v0  }
0x3d: {  	v2 =	vld [tilespmem:s20+$0x20];
	[tilespmem:s21+$0x810 ss:$0x81] =	vst.msk $0xffff, v1  }
0x3e: {  	s19 =	sshrl.u32 s19, $0x2;
	v1 =	vld [tilespmem:s20+$0xFFFFFFC0];
	[tilespmem:s21+$0x1020 ss:$0x81] =	vst.msk $0xffff, v5;
	s20 =	sadd.s32 $0x80, s20  }
0x3f: {  	s23 =	simm.s32 $0x4;
	s24 =	simm.s32 $0x8;
	s19 =	sor.u32 $0x8000, s19;
	[tilespmem:s21+$0x1830 ss:$0x81] =	vst.msk $0xffff, v6;
	v0 =	vld [tilespmem:s20+$0x30]  }
.LBB1_3:
0x40: {  	p1 =	sne.s32 s24, $0x1FC;
	v5 =	vld [tilespmem:s20+$0xFFFFFFD0];
	[tilespmem:s21+$0x2040 ss:$0x81] =	vst.msk $0xffff, v4  }
0x41: {  	v6 =	vld [tilespmem:s20+$0xFFFFFFE0];
	[tilespmem:s21+$0x2850 ss:$0x81] =	vst.msk $0xffff, v3  }
0x42: {  	s25 =	sshra.s32 s23, $0x2;
	s23 =	smov.u32 s24;
	v7 =	vld [tilespmem:s20+$0xFFFFFFF0];
	[tilespmem:s21+$0x3060 ss:$0x81] =	vst.msk $0xffff, v2  }
.Ltmp3:
0x43: {  	v4 =	vld [tilespmem:s20+$0x0];
	[tilespmem:s21+$0x0 ss:$0x81] =	vst.msk $0xffff, v1;
	s21 =	sadd.s32 s25, s22;
	(pc) =	sbr.rel @p1 .LBB1_3-.Ltmp3, $4  }
0x44: {  	v3 =	vld [tilespmem:s20+$0x10];
	[tilespmem:s21+$0x3870 ss:$0x81] =	vst.msk $0xffff, v0  }
0x45: {  	[tilespmem:s21+$0x810 ss:$0x81] =	vst.msk $0xffff, v5;
	v2 =	vld [tilespmem:s20+$0x20]  }
0x46: {  	v1 =	vld [tilespmem:s20+$0xFFFFFFC0];
	[tilespmem:s21+$0x1020 ss:$0x81] =	vst.msk $0xffff, v6;
	s20 =	sadd.s32 $0x80, s20  }
0x47: {  	s24 =	sadd.s32 $0x4, s24;
	v0 =	vld [tilespmem:s20+$0x30];
	[tilespmem:s21+$0x1830 ss:$0x81] =	vst.msk $0xffff, v7  }
0x48: {  	p1 =	sgt.s32 s11, $0x7  }
0x49: {  	s24 =	smov.u32 s11;
	s25 =	sshra.s32 s11, $0x1F;
	s23 =	sshra.s32 s23, $0x2  }
0x4a: {  	v5 =	vld [tilespmem:s20+$0xFFFFFFD0];
	[tilespmem:s21+$0x2040 ss:$0x81] =	vst.msk $0xffff, v4;
	p2 =	sgt.s32 s9, $0xC2D0;
	s28 =	sshra.s32 s9, $0x1F;
	s26 =	ssub.s32 $0x0, s10  }
0x4b: {  	v58 =	vld [tilespmem:s20+$0xFFFFFFE0];
	s27 =	smul.u32 $0xC3500, s11;
	s24 =	simm.s32 @!p1 $0x7;
	s25 =	sand.u32 s25, s11;
	[tilespmem:s21+$0x2850 ss:$0x81] =	vst.msk $0xffff, v3  }
0x4c: {  	v59 =	vld [tilespmem:s20+$0xFFFFFFF0];
	s22 =	sadd.s32 s23, s22;
	s29 =	sand.u32 s28, s9;
	s24 =	ssub.s32 s24, s25;
	[tilespmem:s21+$0x3060 ss:$0x81] =	vst.msk $0xffff, v2  }
0x4d: {  	v60 =	vld [tilespmem:s20+$0x0];
	s25 =	sadd.s32 $0xFFFFFFF9, s24;
	s23 =	ssub.s32 $0x8, s24;
	s24 =	smov.u32 s9;
	[tilespmem:s21+$0x0 ss:$0x81] =	vst.msk $0xffff, v1  }
0x4e: {  	v61 =	vld [tilespmem:s20+$0x10];
	s30 =	smin.u32 s10, s26;
	p1 =	sgt.s32 s25, $0x0;
	s24 =	simm.s32 @!p2 $0xC2D0;
	[tilespmem:s22+$0x3870 ss:$0x81] =	vst.msk $0xffff, v0  }
0x4f: {  	v62 =	vld [tilespmem:s20+$0x20];
	p2 =	sgt.s32 s30, $0x7F;
	s21 =	ssub.s32 s24, s29;
	s24 =	ssub.s32 $0x80, s30;
	[tilespmem:s22+$0x810 ss:$0x81] =	vst.msk $0xffff, v5  }
0x50: {  	v63 =	vld [tilespmem:s20+$0xFFFFFFC0];
	s23 =	simm.s32 @p1 $0x0;
	[tilespmem:s22+$0x1020 ss:$0x81] =	vst.msk $0xffff, v58;
	s31 =	sadd.s32 $0xFFFF3D30, s21;
	s24 =	simm.s32 @p2 $0x0  }
0x51: {  	[tilespmem:s22+$0x1830 ss:$0x81] =	vst.msk $0xffff, v59;
	s20 =	ssub.s32 $0xC350, s21;
	p1 =	sgt.s32 s31, $0x7F;
	s26 =	smul.u32 s23, s24  }
.Ltmp4:
0x52: {  	s28 =	sshll.u32 s9, $0x4;
	[tilespmem:s22+$0x2040 ss:$0x81] =	vst.msk $0xffff, v60;
	s20 =	simm.s32 @p1 $0x0;
	(pc) =	sbr.rel .LBB1_5-.Ltmp4, $4  }
0x53: {  	[tilespmem:s22+$0x2850 ss:$0x81] =	vst.msk $0xffff, v61;
	s29 =	sshrl.u32 s10, $0x3;
	s23 =	sadd.s32 s2, s27;
	s20 =	smul.u32 s20, s26  }
0x54: {  	[tilespmem:s22+$0x3060 ss:$0x81] =	vst.msk $0xffff, v62;
	s30 =	sand.u32 $0xF, s29;
	s21 =	sadd.s32 s28, s23  }
0x55: {  	[tilespmem:s22+$0x0 ss:$0x81] =	vst.msk $0xffff, v63;
	s31 =	sand.u32 $0x7, s10;
	s21 =	sadd.s32 s30, s21;
	s20 =	sand.u32 $0x3FFFFFFF, s20  }
0x56: {  	[hbm4b:s21+s31] =	stream.linear.scatter [tilespmem:s19], [sflag:$0x2], s20, $0x20;
	[tilespmem:$0x10100] =	vst v63  }
.LBB1_6:
0x57: {  	_ =	sfence.sel $0x180000  }
0x58: {  	s2 =	simm.s32 $0x1;
	[bflag:$0x0] =	sbarrier.arrive $0xFFFF  }
0x59: {  	s31 =	simm.s32 $0x2;
	[sflag:s2] =	ssyncpa.u1 $0x1  }
0x5a: {  	[sflag:s31] =	ssyncpa.u1 $0x1  }
0x5b: {  	p0 =	sne.s32 s0, $0x0;
	_ =	strace $0x90000047  }
0x5c: {  	s0 =	sadd.s32 @!p0 $0x100000, s1;
	[bflag:$0x2] =	sbarrier.arrive $0xFFFF  }
0x5d: {  	[sflag:s0] =	ssyncadd.tile.s32 @!p0 $0x1;
	_ =	shalt  }
.Lfunc_end1:
_tile_overlayer_lowered:
.L_overlay_start_2:
0x5e: {  	(tag) =	ssettag $0x2  }
0x5f: {  	s0 =	rddreg [dreg:$0x0];
	s2 =	stileid.u32  }
0x60: {  	s1 =	rddreg [dreg:$0x1];
	p0 =	sne.s32 s2, $0x0  }
0x61: {  	s3 =	rddreg [dreg:$0x2];
	[bflag:$0x3] =	sbarrier.arrive $0xFFFF;
	s2 =	simm.s32 @!p0 $0x1C01  }
0x62: {  	[timem:s3], [sflag:s2] =	dma.local @!p0 [hbm:s0], s1  }
0x63: {  	s0 =	simm.s32 @!p0 $0x1  }
0x64: {  	_ =	swait.ge @!p0 [sflag:s0], s1  }
0x65: {  	s1 =	ssub.s32 @!p0 $0x0, s1;
	[sflag:s0] =	ssyncset.done @!p0 $0x0  }
0x66: {  	[sflag:s0] =	ssyncadd.s32 @!p0 s1  }
0x67: {  	[bflag:$0x3] =	sbarrier.arrive $0xFFFF  }
0x68: {  	_ =	shalt  }

</sc_bundles>
